<compile_context>
chip_gen: v7x
topology: tpu7x:2x2x1
jax: 0.10.2.dev20260603
libtpu: 0.0.44.dev20260713+nightly
codegen_flags: <defaults>
</compile_context>

<pallas_src>
import functools

import jax
import jax.numpy as jnp
from jax import lax
from jax.experimental import pallas as pl
from jax.experimental.pallas import tpu as pltpu
from jax.experimental.pallas import tpu_sc as plsc

_INV_STEPS = 1.0 / 16.0
_NBUF = 4


@functools.cache
def _sc_kernel(steps, rows, cols):
    info = plsc.get_sparse_core_info()
    nc, ns, lanes = info.num_cores, info.num_subcores, info.num_lanes
    nw = nc * ns
    rw = rows // nw
    ch = rw // _NBUF
    nch = rw // ch
    nt = steps * nch
    ngroups = nt // _NBUF
    groups = ch * cols // lanes
    mesh = plsc.VectorSubcoreMesh(core_axis_name="c", subcore_axis_name="s")

    @functools.partial(
        pl.kernel,
        out_type=jax.ShapeDtypeStruct((steps, rows, cols), jnp.float32),
        mesh=mesh,
        scratch_types=[
            pltpu.VMEM((lanes,), jnp.int32),
            [pltpu.VMEM((ch, cols), jnp.float32) for _ in range(_NBUF)],
            pltpu.VMEM((ch, cols), jnp.float32),
            [pltpu.SemaphoreType.DMA for _ in range(_NBUF)],
            [pltpu.SemaphoreType.DMA for _ in range(_NBUF)],
        ],
    )
    def k(iv_hbm, d_hbm, nd_hbm, o_hbm, iv_v, bufs, ndbuf, in_sems, out_sems):
        wid = lax.axis_index("s") * nc + lax.axis_index("c")
        base = wid * rw
        pltpu.sync_copy(iv_hbm, iv_v)
        it = iv_v[...][0]

        def chunk_coords(t):
            return (t // nch + wid) % steps, base + (t % nch) * ch

        def start_in(t, b):
            s, lo = chunk_coords(t)
            pltpu.make_async_copy(
                d_hbm.at[s, pl.ds(lo, ch)], bufs[b], in_sems[b]
            ).start()

        def wait_in(b):
            pltpu.make_async_copy(
                d_hbm.at[0, pl.ds(base, ch)], bufs[b], in_sems[b]
            ).wait()

        def start_out(t, b):
            s, lo = chunk_coords(t)
            pltpu.make_async_copy(
                bufs[b], o_hbm.at[s, pl.ds(lo, ch)], out_sems[b]
            ).start()

        def wait_out(b):
            pltpu.make_async_copy(
                bufs[b], o_hbm.at[0, pl.ds(base, ch)], out_sems[b]
            ).wait()

        def process(t, b):
            wait_in(b)
            s, lo = chunk_coords(t)

            @pl.when(s == it)
            def _():
                pltpu.sync_copy(nd_hbm.at[pl.ds(lo, ch)], ndbuf)

                def add_body(u, acc):
                    r = u // (cols // lanes)
                    jc = (u % (cols // lanes)) * lanes
                    bufs[b][r, pl.ds(jc, lanes)] = (
                        bufs[b][r, pl.ds(jc, lanes)]
                        + ndbuf[r, pl.ds(jc, lanes)] * _INV_STEPS
                    )
                    return acc

                lax.fori_loop(0, groups, add_body, 0)

            start_out(t, b)

        start_in(0, 0)
        start_in(1, 1)
        for b in range(_NBUF):
            if b >= 2:
                wait_out((b + 2) % _NBUF)
            start_in(b + 2, (b + 2) % _NBUF)
            process(b, b)

        def group_body(g, carry):
            for b in range(_NBUF):
                t = g * _NBUF + b
                wait_out((b + 2) % _NBUF)
                start_in(t + 2, (b + 2) % _NBUF)
                process(t, b)
            return carry

        lax.fori_loop(1, ngroups - 1, group_body, 0)

        for b in range(_NBUF):
            t = (ngroups - 1) * _NBUF + b
            if t + 2 < nt:
                wait_out((b + 2) % _NBUF)
                start_in(t + 2, (b + 2) % _NBUF)
            process(t, b)
        for b in range(_NBUF):
            wait_out(b)

    return k


def kernel(data, new_data, i):
    steps, rows, cols = data.shape
    iv = jnp.full((16,), jnp.asarray(i, jnp.int32))
    return _sc_kernel(steps, rows, cols)(iv, data, new_data)

# --- scband reference (transcript-rebuilt; emitter-appended) ---
"""Pipeline reference for scband-diagnostics-collector-9294309228966 (READ-ONLY COPY).

The authoritative reference and input builder live on the scoring server;
editing this copy changes nothing except your own understanding.
"""

import jax, jax.numpy as jnp
import numpy as np

STEPS_TO_AVERAGE = 16

def setup_inputs(seed: int = 0) -> dict:
    key = jax.random.key(seed)
    k1, k2 = jax.random.split(key)
    data = jax.random.normal(k1, (16, 8192, 256), dtype=jnp.float32)
    new_data = jax.random.normal(k2, (8192, 256), dtype=jnp.float32)
    i = 7
    return {"data": data, "new_data": new_data, "i": i}

def reference(data, new_data, i):
    # Faithful translation of DiagnosticsCollector.accumulate_if_physical_step
    # on the physical-step branch: stacked_array.at[i].add(new_array / steps_to_average)
    # (tree_map over a single-leaf pytree.)
    out = data.at[i].add(new_data / STEPS_TO_AVERAGE)
    return out

if __name__ == "__main__":
    import jax
    _d = setup_inputs()
    print(jax.jit(kernel)(*tuple(_d.values())))

</pallas_src>

<mosaic_0001>
#map = affine_map<(d0, d1) -> (0)>
#map1 = affine_map<(d0, d1) -> (0, 0, 0)>
#map2 = affine_map<(d0, d1) -> (0, 0)>
module attributes {stable_mosaic.version = 14 : i64} {
  func.func @k(%arg0: i32, %arg1: i32, %arg2: memref<16xi32, #tpu.memory_space<hbm>>, %arg3: memref<16x8192x256xf32, #tpu.memory_space<hbm>>, %arg4: memref<8192x256xf32, #tpu.memory_space<hbm>>, %arg5: memref<16x8192x256xf32, #tpu.memory_space<hbm>>, %arg6: memref<16xi32, #tpu.memory_space<vmem>>, %arg7: memref<64x256xf32, #tpu.memory_space<vmem>>, %arg8: memref<64x256xf32, #tpu.memory_space<vmem>>, %arg9: memref<64x256xf32, #tpu.memory_space<vmem>>, %arg10: memref<64x256xf32, #tpu.memory_space<vmem>>, %arg11: memref<64x256xf32, #tpu.memory_space<vmem>>, %arg12: memref<!tpu.dma_semaphore, #tpu.memory_space<semaphore_mem>>, %arg13: memref<!tpu.dma_semaphore, #tpu.memory_space<semaphore_mem>>, %arg14: memref<!tpu.dma_semaphore, #tpu.memory_space<semaphore_mem>>, %arg15: memref<!tpu.dma_semaphore, #tpu.memory_space<semaphore_mem>>, %arg16: memref<!tpu.dma_semaphore, #tpu.memory_space<semaphore_mem>>, %arg17: memref<!tpu.dma_semaphore, #tpu.memory_space<semaphore_mem>>, %arg18: memref<!tpu.dma_semaphore, #tpu.memory_space<semaphore_mem>>, %arg19: memref<!tpu.dma_semaphore, #tpu.memory_space<semaphore_mem>>) attributes {dimension_semantics = [#tpu.dimension_semantics<core_parallel>, #tpu.dimension_semantics<subcore_parallel>], iteration_bounds = array<i64: 2, 16>, scalar_prefetch = 0 : i64, scratch_operands = 14 : i64, tpu.core_type = #tpu.core_type<sc_vector_subcore>, window_params = [{transform_indices = #map}, {transform_indices = #map1}, {transform_indices = #map2}, {transform_indices = #map1}]} {
    %mul3A = arith.constant 2 : i32
    %mul3A_0 = arith.muli %arg1, %mul3A : i32
    %add3A = arith.addi %mul3A_0, %arg0 : i32
    %mul3A_1 = arith.constant 256 : i32
    %mul3A_2 = arith.muli %add3A, %mul3A_1 : i32
    "tpu.region"() ({
      %run_scoped3A = tpu.sem_alloc : memref<!tpu.dma_semaphore, #tpu.memory_space<semaphore_mem>>
      tpu.enqueue_dma source(%arg2 : memref<16xi32, #tpu.memory_space<hbm>>) target(%arg6 : memref<16xi32, #tpu.memory_space<vmem>>) target_semaphore(%run_scoped3A : memref<!tpu.dma_semaphore, #tpu.memory_space<semaphore_mem>>)
      tpu.wait_dma2 semaphore(%run_scoped3A : memref<!tpu.dma_semaphore, #tpu.memory_space<semaphore_mem>>) src(%arg2 : memref<16xi32, #tpu.memory_space<hbm>>) dst(%arg6 : memref<16xi32, #tpu.memory_space<vmem>>)
      tpu.yield
    }) : () -> ()
    %get3A = arith.constant 0 : index
    %get3A_3 = tpu.vector_load %arg6[%get3A] {strides = array<i32>} : memref<16xi32, #tpu.memory_space<vmem>>, vector<16xi32>,
    %get3A_4 = vector.shape_cast %get3A_3 : vector<16xi32> to vector<16xi32>
    %slice3A = vector.extract_strided_slice %get3A_4 {offsets = [0], sizes = [1], strides = [1]} : vector<16xi32> to vector<1xi32>
    %squeeze3A = vector.extract %slice3A[0] : i32 from vector<1xi32>
    %add3A_5 = arith.constant 0 : i32
    %add3A_6 = arith.addi %add3A_5, %add3A : i32
    %jit3A = arith.constant 16 : i32
    %eq3A = arith.constant 0 : i32
    %eq3A_7 = arith.cmpi eq, %jit3A, %eq3A : i32
    %jit3A_8 = arith.constant 1 : i32
    %select_n3A = arith.select %eq3A_7, %jit3A_8, %jit3A : i32
    %rem3A = arith.remsi %add3A_6, %select_n3A : i32
    %ne3A = arith.constant 0 : i32
    %ne3A_9 = arith.cmpi ne, %rem3A, %ne3A : i32
    %lt3A = arith.constant 0 : i32
    %lt3A_10 = arith.cmpi slt, %rem3A, %lt3A : i32
    %lt3A_11 = arith.constant 0 : i32
    %lt3A_12 = arith.cmpi slt, %select_n3A, %lt3A_11 : i32
    %ne3A_13 = arith.xori %lt3A_10, %lt3A_12 : i1
    %and3A = arith.andi %ne3A_13, %ne3A_9 : i1
    %add3A_14 = arith.addi %rem3A, %select_n3A : i32
    %select_n3A_15 = arith.select %and3A, %add3A_14, %rem3A : i32
    %add3A_16 = arith.constant 0 : i32
    %add3A_17 = arith.addi %mul3A_2, %add3A_16 : i32
    %dma_start3A = arith.constant 0 : i32
    %dma_start3A_18 = tpu.memref_slice %arg3[%select_n3A_15, %add3A_17, %dma_start3A] : memref<16x8192x256xf32, #tpu.memory_space<hbm>> -> memref<1x64x256xf32, #tpu.memory_space<hbm>>
    %dma_start3A_19 = tpu.memref_squeeze %dma_start3A_18 : memref<1x64x256xf32, #tpu.memory_space<hbm>> -> memref<64x256xf32, #tpu.memory_space<hbm>>
    %dma_start3A_20 = arith.constant 0 : i32
    %dma_start3A_21 = tpu.memref_slice %arg3[%select_n3A_15, %add3A_17, %dma_start3A_20] : memref<16x8192x256xf32, #tpu.memory_space<hbm>> -> memref<1x64x256xf32, #tpu.memory_space<hbm>>
    %dma_start3A_22 = tpu.memref_squeeze %dma_start3A_21 : memref<1x64x256xf32, #tpu.memory_space<hbm>> -> memref<64x256xf32, #tpu.memory_space<hbm>>
    tpu.enqueue_dma source(%dma_start3A_22 : memref<64x256xf32, #tpu.memory_space<hbm>>) target(%arg7 : memref<64x256xf32, #tpu.memory_space<vmem>>) target_semaphore(%arg12 : memref<!tpu.dma_semaphore, #tpu.memory_space<semaphore_mem>>)
    %add3A_23 = arith.constant 0 : i32
    %add3A_24 = arith.addi %add3A_23, %add3A : i32
    %jit3A_25 = arith.constant 16 : i32
    %eq3A_26 = arith.constant 0 : i32
    %eq3A_27 = arith.cmpi eq, %jit3A_25, %eq3A_26 : i32
    %jit3A_28 = arith.constant 1 : i32
    %select_n3A_29 = arith.select %eq3A_27, %jit3A_28, %jit3A_25 : i32
    %rem3A_30 = arith.remsi %add3A_24, %select_n3A_29 : i32
    %ne3A_31 = arith.constant 0 : i32
    %ne3A_32 = arith.cmpi ne, %rem3A_30, %ne3A_31 : i32
    %lt3A_33 = arith.constant 0 : i32
    %lt3A_34 = arith.cmpi slt, %rem3A_30, %lt3A_33 : i32
    %lt3A_35 = arith.constant 0 : i32
    %lt3A_36 = arith.cmpi slt, %select_n3A_29, %lt3A_35 : i32
    %ne3A_37 = arith.xori %lt3A_34, %lt3A_36 : i1
    %and3A_38 = arith.andi %ne3A_37, %ne3A_32 : i1
    %add3A_39 = arith.addi %rem3A_30, %select_n3A_29 : i32
    %select_n3A_40 = arith.select %and3A_38, %add3A_39, %rem3A_30 : i32
    %add3A_41 = arith.constant 64 : i32
    %add3A_42 = arith.addi %mul3A_2, %add3A_41 : i32
    %dma_start3A_43 = arith.constant 0 : i32
    %dma_start3A_44 = tpu.memref_slice %arg3[%select_n3A_40, %add3A_42, %dma_start3A_43] : memref<16x8192x256xf32, #tpu.memory_space<hbm>> -> memref<1x64x256xf32, #tpu.memory_space<hbm>>
    %dma_start3A_45 = tpu.memref_squeeze %dma_start3A_44 : memref<1x64x256xf32, #tpu.memory_space<hbm>> -> memref<64x256xf32, #tpu.memory_space<hbm>>
    %dma_start3A_46 = arith.constant 0 : i32
    %dma_start3A_47 = tpu.memref_slice %arg3[%select_n3A_40, %add3A_42, %dma_start3A_46] : memref<16x8192x256xf32, #tpu.memory_space<hbm>> -> memref<1x64x256xf32, #tpu.memory_space<hbm>>
    %dma_start3A_48 = tpu.memref_squeeze %dma_start3A_47 : memref<1x64x256xf32, #tpu.memory_space<hbm>> -> memref<64x256xf32, #tpu.memory_space<hbm>>
    tpu.enqueue_dma source(%dma_start3A_48 : memref<64x256xf32, #tpu.memory_space<hbm>>) target(%arg8 : memref<64x256xf32, #tpu.memory_space<vmem>>) target_semaphore(%arg13 : memref<!tpu.dma_semaphore, #tpu.memory_space<semaphore_mem>>)
    %add3A_49 = arith.constant 0 : i32
    %add3A_50 = arith.addi %add3A_49, %add3A : i32
    %jit3A_51 = arith.constant 16 : i32
    %eq3A_52 = arith.constant 0 : i32
    %eq3A_53 = arith.cmpi eq, %jit3A_51, %eq3A_52 : i32
    %jit3A_54 = arith.constant 1 : i32
    %select_n3A_55 = arith.select %eq3A_53, %jit3A_54, %jit3A_51 : i32
    %rem3A_56 = arith.remsi %add3A_50, %select_n3A_55 : i32
    %ne3A_57 = arith.constant 0 : i32
    %ne3A_58 = arith.cmpi ne, %rem3A_56, %ne3A_57 : i32
    %lt3A_59 = arith.constant 0 : i32
    %lt3A_60 = arith.cmpi slt, %rem3A_56, %lt3A_59 : i32
    %lt3A_61 = arith.constant 0 : i32
    %lt3A_62 = arith.cmpi slt, %select_n3A_55, %lt3A_61 : i32
    %ne3A_63 = arith.xori %lt3A_60, %lt3A_62 : i1
    %and3A_64 = arith.andi %ne3A_63, %ne3A_58 : i1
    %add3A_65 = arith.addi %rem3A_56, %select_n3A_55 : i32
    %select_n3A_66 = arith.select %and3A_64, %add3A_65, %rem3A_56 : i32
    %add3A_67 = arith.constant 128 : i32
    %add3A_68 = arith.addi %mul3A_2, %add3A_67 : i32
    %dma_start3A_69 = arith.constant 0 : i32
    %dma_start3A_70 = tpu.memref_slice %arg3[%select_n3A_66, %add3A_68, %dma_start3A_69] : memref<16x8192x256xf32, #tpu.memory_space<hbm>> -> memref<1x64x256xf32, #tpu.memory_space<hbm>>
    %dma_start3A_71 = tpu.memref_squeeze %dma_start3A_70 : memref<1x64x256xf32, #tpu.memory_space<hbm>> -> memref<64x256xf32, #tpu.memory_space<hbm>>
    %dma_start3A_72 = arith.constant 0 : i32
    %dma_start3A_73 = tpu.memref_slice %arg3[%select_n3A_66, %add3A_68, %dma_start3A_72] : memref<16x8192x256xf32, #tpu.memory_space<hbm>> -> memref<1x64x256xf32, #tpu.memory_space<hbm>>
    %dma_start3A_74 = tpu.memref_squeeze %dma_start3A_73 : memref<1x64x256xf32, #tpu.memory_space<hbm>> -> memref<64x256xf32, #tpu.memory_space<hbm>>
    tpu.enqueue_dma source(%dma_start3A_74 : memref<64x256xf32, #tpu.memory_space<hbm>>) target(%arg9 : memref<64x256xf32, #tpu.memory_space<vmem>>) target_semaphore(%arg14 : memref<!tpu.dma_semaphore, #tpu.memory_space<semaphore_mem>>)
    %dma_wait3A = arith.constant 0 : i32
    %dma_wait3A_75 = arith.constant 0 : i32
    %dma_wait3A_76 = tpu.memref_slice %arg3[%dma_wait3A, %mul3A_2, %dma_wait3A_75] : memref<16x8192x256xf32, #tpu.memory_space<hbm>> -> memref<1x64x256xf32, #tpu.memory_space<hbm>>
    %dma_wait3A_77 = tpu.memref_squeeze %dma_wait3A_76 : memref<1x64x256xf32, #tpu.memory_space<hbm>> -> memref<64x256xf32, #tpu.memory_space<hbm>>
    %dma_wait3A_78 = arith.constant 0 : i32
    %dma_wait3A_79 = tpu.memref_slice %arg3[%dma_wait3A, %mul3A_2, %dma_wait3A_78] : memref<16x8192x256xf32, #tpu.memory_space<hbm>> -> memref<1x64x256xf32, #tpu.memory_space<hbm>>
    %dma_wait3A_80 = tpu.memref_squeeze %dma_wait3A_79 : memref<1x64x256xf32, #tpu.memory_space<hbm>> -> memref<64x256xf32, #tpu.memory_space<hbm>>
    tpu.wait_dma2 semaphore(%arg12 : memref<!tpu.dma_semaphore, #tpu.memory_space<semaphore_mem>>) src(%dma_wait3A_80 : memref<64x256xf32, #tpu.memory_space<hbm>>) dst(%arg7 : memref<64x256xf32, #tpu.memory_space<vmem>>)
    %add3A_81 = arith.constant 0 : i32
    %add3A_82 = arith.addi %add3A_81, %add3A : i32
    %jit3A_83 = arith.constant 16 : i32
    %eq3A_84 = arith.constant 0 : i32
    %eq3A_85 = arith.cmpi eq, %jit3A_83, %eq3A_84 : i32
    %jit3A_86 = arith.constant 1 : i32
    %select_n3A_87 = arith.select %eq3A_85, %jit3A_86, %jit3A_83 : i32
    %rem3A_88 = arith.remsi %add3A_82, %select_n3A_87 : i32
    %ne3A_89 = arith.constant 0 : i32
    %ne3A_90 = arith.cmpi ne, %rem3A_88, %ne3A_89 : i32
    %lt3A_91 = arith.constant 0 : i32
    %lt3A_92 = arith.cmpi slt, %rem3A_88, %lt3A_91 : i32
    %lt3A_93 = arith.constant 0 : i32
    %lt3A_94 = arith.cmpi slt, %select_n3A_87, %lt3A_93 : i32
    %ne3A_95 = arith.xori %lt3A_92, %lt3A_94 : i1
    %and3A_96 = arith.andi %ne3A_95, %ne3A_90 : i1
    %add3A_97 = arith.addi %rem3A_88, %select_n3A_87 : i32
    %select_n3A_98 = arith.select %and3A_96, %add3A_97, %rem3A_88 : i32
    %add3A_99 = arith.constant 0 : i32
    %add3A_100 = arith.addi %mul3A_2, %add3A_99 : i32
    %eq3A_101 = arith.cmpi eq, %select_n3A_98, %squeeze3A : i32
    %convert_element_type3A = arith.extui %eq3A_101 : i1 to i32
    %cond3A = arith.constant 0 : i32
    %cond3A_102 = arith.cmpi ne, %convert_element_type3A, %cond3A : i32
    scf.if %cond3A_102 {
      "tpu.region"() ({
        %run_scoped3A = tpu.sem_alloc : memref<!tpu.dma_semaphore, #tpu.memory_space<semaphore_mem>>
        %dma_start3A_725 = arith.constant 0 : i32
        %dma_start3A_726 = tpu.memref_slice %arg4[%add3A_100, %dma_start3A_725] : memref<8192x256xf32, #tpu.memory_space<hbm>> -> memref<64x256xf32, #tpu.memory_space<hbm>>
        %dma_start3A_727 = arith.constant 0 : i32
        %dma_start3A_728 = tpu.memref_slice %arg4[%add3A_100, %dma_start3A_727] : memref<8192x256xf32, #tpu.memory_space<hbm>> -> memref<64x256xf32, #tpu.memory_space<hbm>>
        tpu.enqueue_dma source(%dma_start3A_728 : memref<64x256xf32, #tpu.memory_space<hbm>>) target(%arg11 : memref<64x256xf32, #tpu.memory_space<vmem>>) target_semaphore(%run_scoped3A : memref<!tpu.dma_semaphore, #tpu.memory_space<semaphore_mem>>)
        %dma_wait3A_729 = arith.constant 0 : i32
        %dma_wait3A_730 = tpu.memref_slice %arg4[%add3A_100, %dma_wait3A_729] : memref<8192x256xf32, #tpu.memory_space<hbm>> -> memref<64x256xf32, #tpu.memory_space<hbm>>
        %dma_wait3A_731 = arith.constant 0 : i32
        %dma_wait3A_732 = tpu.memref_slice %arg4[%add3A_100, %dma_wait3A_731] : memref<8192x256xf32, #tpu.memory_space<hbm>> -> memref<64x256xf32, #tpu.memory_space<hbm>>
        tpu.wait_dma2 semaphore(%run_scoped3A : memref<!tpu.dma_semaphore, #tpu.memory_space<semaphore_mem>>) src(%dma_wait3A_732 : memref<64x256xf32, #tpu.memory_space<hbm>>) dst(%arg11 : memref<64x256xf32, #tpu.memory_space<vmem>>)
        tpu.yield
      }) : () -> ()
      %scan3A_719 = arith.constant 0 : i32
      %scan3A_720 = arith.constant 0 : i32
      %scan3A_721 = arith.constant 1024 : i32
      %scan3A_722 = arith.addi %scan3A_720, %scan3A_721 : i32
      %scan3A_723 = arith.constant 1 : i32
      scf.for %scan3A_725 = %scan3A_720 to %scan3A_722 step %scan3A_723  : i32 {
        %jit3A_726 = arith.constant 16 : i32
        %div3A = arith.divsi %scan3A_725, %jit3A_726 : i32
        %sign3A = arith.constant 0 : i32
        %sign3A_727 = arith.cmpi sgt, %scan3A_725, %sign3A : i32
        %sign3A_728 = arith.extui %sign3A_727 : i1 to i32
        %sign3A_729 = arith.constant 0 : i32
        %sign3A_730 = arith.cmpi slt, %scan3A_725, %sign3A_729 : i32
        %sign3A_731 = arith.extui %sign3A_730 : i1 to i32
        %sign3A_732 = arith.subi %sign3A_728, %sign3A_731 : i32
        %sign3A_733 = arith.constant 0 : i32
        %sign3A_734 = arith.cmpi sgt, %jit3A_726, %sign3A_733 : i32
        %sign3A_735 = arith.extui %sign3A_734 : i1 to i32
        %sign3A_736 = arith.constant 0 : i32
        %sign3A_737 = arith.cmpi slt, %jit3A_726, %sign3A_736 : i32
        %sign3A_738 = arith.extui %sign3A_737 : i1 to i32
        %sign3A_739 = arith.subi %sign3A_735, %sign3A_738 : i32
        %ne3A_740 = arith.cmpi ne, %sign3A_732, %sign3A_739 : i32
        %rem3A_741 = arith.remsi %scan3A_725, %jit3A_726 : i32
        %ne3A_742 = arith.constant 0 : i32
        %ne3A_743 = arith.cmpi ne, %rem3A_741, %ne3A_742 : i32
        %and3A_744 = arith.andi %ne3A_740, %ne3A_743 : i1
        %sub3A = arith.constant 1 : i32
        %sub3A_745 = arith.subi %div3A, %sub3A : i32
        %select_n3A_746 = arith.select %and3A_744, %sub3A_745, %div3A : i32
        %jit3A_747 = arith.constant 16 : i32
        %eq3A_748 = arith.constant 0 : i32
        %eq3A_749 = arith.cmpi eq, %jit3A_747, %eq3A_748 : i32
        %jit3A_750 = arith.constant 1 : i32
        %select_n3A_751 = arith.select %eq3A_749, %jit3A_750, %jit3A_747 : i32
        %rem3A_752 = arith.remsi %scan3A_725, %select_n3A_751 : i32
        %ne3A_753 = arith.constant 0 : i32
        %ne3A_754 = arith.cmpi ne, %rem3A_752, %ne3A_753 : i32
        %lt3A_755 = arith.constant 0 : i32
        %lt3A_756 = arith.cmpi slt, %rem3A_752, %lt3A_755 : i32
        %lt3A_757 = arith.constant 0 : i32
        %lt3A_758 = arith.cmpi slt, %select_n3A_751, %lt3A_757 : i32
        %ne3A_759 = arith.xori %lt3A_756, %lt3A_758 : i1
        %and3A_760 = arith.andi %ne3A_759, %ne3A_754 : i1
        %add3A_761 = arith.addi %rem3A_752, %select_n3A_751 : i32
        %select_n3A_762 = arith.select %and3A_760, %add3A_761, %rem3A_752 : i32
        %mul3A_763 = arith.constant 16 : i32
        %mul3A_764 = arith.muli %select_n3A_762, %mul3A_763 : i32
        %get3A_765 = arith.index_cast %select_n3A_746 : i32 to index
        %get3A_766 = arith.index_cast %mul3A_764 : i32 to index
        %get3A_767 = tpu.vector_load %arg7[%get3A_765, %get3A_766] {strides = array<i32>} : memref<64x256xf32, #tpu.memory_space<vmem>>, vector<1x16xf32>,
        %get3A_768 = vector.shape_cast %get3A_767 : vector<1x16xf32> to vector<16xf32>
        %get3A_769 = arith.index_cast %select_n3A_746 : i32 to index
        %get3A_770 = arith.index_cast %mul3A_764 : i32 to index
        %get3A_771 = tpu.vector_load %arg11[%get3A_769, %get3A_770] {strides = array<i32>} : memref<64x256xf32, #tpu.memory_space<vmem>>, vector<1x16xf32>,
        %get3A_772 = vector.shape_cast %get3A_771 : vector<1x16xf32> to vector<16xf32>
        %mul3A_773 = arith.constant 6.250000e-02 : f32
        %mul3A_774 = vector.broadcast %mul3A_773 : f32 to vector<16xf32>
        %mul3A_775 = arith.mulf %get3A_772, %mul3A_774 : vector<16xf32>
        %add3A_776 = arith.addf %get3A_768, %mul3A_775 : vector<16xf32>
        %swap3A = arith.index_cast %select_n3A_746 : i32 to index
        %swap3A_777 = arith.index_cast %mul3A_764 : i32 to index
        %swap3A_778 = tpu.vector_load %arg7[%swap3A, %swap3A_777] {strides = array<i32>} : memref<64x256xf32, #tpu.memory_space<vmem>>, vector<1x16xf32>,
        %swap3A_779 = vector.shape_cast %swap3A_778 : vector<1x16xf32> to vector<16xf32>
        %swap3A_780 = vector.shape_cast %add3A_776 : vector<16xf32> to vector<1x16xf32>
        tpu.vector_store %arg7[%swap3A, %swap3A_777], %swap3A_780 {strides = array<i32>} : memref<64x256xf32, #tpu.memory_space<vmem>>, vector<1x16xf32>,
      }
      %scan3A_724 = arith.constant 1024 : i32
    } else {
    }
    %add3A_103 = arith.constant 0 : i32
    %add3A_104 = arith.addi %add3A_103, %add3A : i32
    %jit3A_105 = arith.constant 16 : i32
    %eq3A_106 = arith.constant 0 : i32
    %eq3A_107 = arith.cmpi eq, %jit3A_105, %eq3A_106 : i32
    %jit3A_108 = arith.constant 1 : i32
    %select_n3A_109 = arith.select %eq3A_107, %jit3A_108, %jit3A_105 : i32
    %rem3A_110 = arith.remsi %add3A_104, %select_n3A_109 : i32
    %ne3A_111 = arith.constant 0 : i32
    %ne3A_112 = arith.cmpi ne, %rem3A_110, %ne3A_111 : i32
    %lt3A_113 = arith.constant 0 : i32
    %lt3A_114 = arith.cmpi slt, %rem3A_110, %lt3A_113 : i32
    %lt3A_115 = arith.constant 0 : i32
    %lt3A_116 = arith.cmpi slt, %select_n3A_109, %lt3A_115 : i32
    %ne3A_117 = arith.xori %lt3A_114, %lt3A_116 : i1
    %and3A_118 = arith.andi %ne3A_117, %ne3A_112 : i1
    %add3A_119 = arith.addi %rem3A_110, %select_n3A_109 : i32
    %select_n3A_120 = arith.select %and3A_118, %add3A_119, %rem3A_110 : i32
    %add3A_121 = arith.constant 0 : i32
    %add3A_122 = arith.addi %mul3A_2, %add3A_121 : i32
    %dma_start3A_123 = arith.constant 0 : i32
    %dma_start3A_124 = tpu.memref_slice %arg5[%select_n3A_120, %add3A_122, %dma_start3A_123] : memref<16x8192x256xf32, #tpu.memory_space<hbm>> -> memref<1x64x256xf32, #tpu.memory_space<hbm>>
    %dma_start3A_125 = tpu.memref_squeeze %dma_start3A_124 : memref<1x64x256xf32, #tpu.memory_space<hbm>> -> memref<64x256xf32, #tpu.memory_space<hbm>>
    %dma_start3A_126 = arith.constant 0 : i32
    %dma_start3A_127 = tpu.memref_slice %arg5[%select_n3A_120, %add3A_122, %dma_start3A_126] : memref<16x8192x256xf32, #tpu.memory_space<hbm>> -> memref<1x64x256xf32, #tpu.memory_space<hbm>>
    %dma_start3A_128 = tpu.memref_squeeze %dma_start3A_127 : memref<1x64x256xf32, #tpu.memory_space<hbm>> -> memref<64x256xf32, #tpu.memory_space<hbm>>
    tpu.enqueue_dma source(%arg7 : memref<64x256xf32, #tpu.memory_space<vmem>>) target(%dma_start3A_128 : memref<64x256xf32, #tpu.memory_space<hbm>>) target_semaphore(%arg16 : memref<!tpu.dma_semaphore, #tpu.memory_space<semaphore_mem>>)
    %add3A_129 = arith.constant 0 : i32
    %add3A_130 = arith.addi %add3A_129, %add3A : i32
    %jit3A_131 = arith.constant 16 : i32
    %eq3A_132 = arith.constant 0 : i32
    %eq3A_133 = arith.cmpi eq, %jit3A_131, %eq3A_132 : i32
    %jit3A_134 = arith.constant 1 : i32
    %select_n3A_135 = arith.select %eq3A_133, %jit3A_134, %jit3A_131 : i32
    %rem3A_136 = arith.remsi %add3A_130, %select_n3A_135 : i32
    %ne3A_137 = arith.constant 0 : i32
    %ne3A_138 = arith.cmpi ne, %rem3A_136, %ne3A_137 : i32
    %lt3A_139 = arith.constant 0 : i32
    %lt3A_140 = arith.cmpi slt, %rem3A_136, %lt3A_139 : i32
    %lt3A_141 = arith.constant 0 : i32
    %lt3A_142 = arith.cmpi slt, %select_n3A_135, %lt3A_141 : i32
    %ne3A_143 = arith.xori %lt3A_140, %lt3A_142 : i1
    %and3A_144 = arith.andi %ne3A_143, %ne3A_138 : i1
    %add3A_145 = arith.addi %rem3A_136, %select_n3A_135 : i32
    %select_n3A_146 = arith.select %and3A_144, %add3A_145, %rem3A_136 : i32
    %add3A_147 = arith.constant 192 : i32
    %add3A_148 = arith.addi %mul3A_2, %add3A_147 : i32
    %dma_start3A_149 = arith.constant 0 : i32
    %dma_start3A_150 = tpu.memref_slice %arg3[%select_n3A_146, %add3A_148, %dma_start3A_149] : memref<16x8192x256xf32, #tpu.memory_space<hbm>> -> memref<1x64x256xf32, #tpu.memory_space<hbm>>
    %dma_start3A_151 = tpu.memref_squeeze %dma_start3A_150 : memref<1x64x256xf32, #tpu.memory_space<hbm>> -> memref<64x256xf32, #tpu.memory_space<hbm>>
    %dma_start3A_152 = arith.constant 0 : i32
    %dma_start3A_153 = tpu.memref_slice %arg3[%select_n3A_146, %add3A_148, %dma_start3A_152] : memref<16x8192x256xf32, #tpu.memory_space<hbm>> -> memref<1x64x256xf32, #tpu.memory_space<hbm>>
    %dma_start3A_154 = tpu.memref_squeeze %dma_start3A_153 : memref<1x64x256xf32, #tpu.memory_space<hbm>> -> memref<64x256xf32, #tpu.memory_space<hbm>>
    tpu.enqueue_dma source(%dma_start3A_154 : memref<64x256xf32, #tpu.memory_space<hbm>>) target(%arg10 : memref<64x256xf32, #tpu.memory_space<vmem>>) target_semaphore(%arg15 : memref<!tpu.dma_semaphore, #tpu.memory_space<semaphore_mem>>)
    %dma_wait3A_155 = arith.constant 0 : i32
    %dma_wait3A_156 = arith.constant 0 : i32
    %dma_wait3A_157 = tpu.memref_slice %arg3[%dma_wait3A_155, %mul3A_2, %dma_wait3A_156] : memref<16x8192x256xf32, #tpu.memory_space<hbm>> -> memref<1x64x256xf32, #tpu.memory_space<hbm>>
    %dma_wait3A_158 = tpu.memref_squeeze %dma_wait3A_157 : memref<1x64x256xf32, #tpu.memory_space<hbm>> -> memref<64x256xf32, #tpu.memory_space<hbm>>
    %dma_wait3A_159 = arith.constant 0 : i32
    %dma_wait3A_160 = tpu.memref_slice %arg3[%dma_wait3A_155, %mul3A_2, %dma_wait3A_159] : memref<16x8192x256xf32, #tpu.memory_space<hbm>> -> memref<1x64x256xf32, #tpu.memory_space<hbm>>
    %dma_wait3A_161 = tpu.memref_squeeze %dma_wait3A_160 : memref<1x64x256xf32, #tpu.memory_space<hbm>> -> memref<64x256xf32, #tpu.memory_space<hbm>>
    tpu.wait_dma2 semaphore(%arg13 : memref<!tpu.dma_semaphore, #tpu.memory_space<semaphore_mem>>) src(%dma_wait3A_161 : memref<64x256xf32, #tpu.memory_space<hbm>>) dst(%arg8 : memref<64x256xf32, #tpu.memory_space<vmem>>)
    %add3A_162 = arith.constant 0 : i32
    %add3A_163 = arith.addi %add3A_162, %add3A : i32
    %jit3A_164 = arith.constant 16 : i32
    %eq3A_165 = arith.constant 0 : i32
    %eq3A_166 = arith.cmpi eq, %jit3A_164, %eq3A_165 : i32
    %jit3A_167 = arith.constant 1 : i32
    %select_n3A_168 = arith.select %eq3A_166, %jit3A_167, %jit3A_164 : i32
    %rem3A_169 = arith.remsi %add3A_163, %select_n3A_168 : i32
    %ne3A_170 = arith.constant 0 : i32
    %ne3A_171 = arith.cmpi ne, %rem3A_169, %ne3A_170 : i32
    %lt3A_172 = arith.constant 0 : i32
    %lt3A_173 = arith.cmpi slt, %rem3A_169, %lt3A_172 : i32
    %lt3A_174 = arith.constant 0 : i32
    %lt3A_175 = arith.cmpi slt, %select_n3A_168, %lt3A_174 : i32
    %ne3A_176 = arith.xori %lt3A_173, %lt3A_175 : i1
    %and3A_177 = arith.andi %ne3A_176, %ne3A_171 : i1
    %add3A_178 = arith.addi %rem3A_169, %select_n3A_168 : i32
    %select_n3A_179 = arith.select %and3A_177, %add3A_178, %rem3A_169 : i32
    %add3A_180 = arith.constant 64 : i32
    %add3A_181 = arith.addi %mul3A_2, %add3A_180 : i32
    %eq3A_182 = arith.cmpi eq, %select_n3A_179, %squeeze3A : i32
    %convert_element_type3A_183 = arith.extui %eq3A_182 : i1 to i32
    %cond3A_184 = arith.constant 0 : i32
    %cond3A_185 = arith.cmpi ne, %convert_element_type3A_183, %cond3A_184 : i32
    scf.if %cond3A_185 {
      "tpu.region"() ({
        %run_scoped3A = tpu.sem_alloc : memref<!tpu.dma_semaphore, #tpu.memory_space<semaphore_mem>>
        %dma_start3A_725 = arith.constant 0 : i32
        %dma_start3A_726 = tpu.memref_slice %arg4[%add3A_181, %dma_start3A_725] : memref<8192x256xf32, #tpu.memory_space<hbm>> -> memref<64x256xf32, #tpu.memory_space<hbm>>
        %dma_start3A_727 = arith.constant 0 : i32
        %dma_start3A_728 = tpu.memref_slice %arg4[%add3A_181, %dma_start3A_727] : memref<8192x256xf32, #tpu.memory_space<hbm>> -> memref<64x256xf32, #tpu.memory_space<hbm>>
        tpu.enqueue_dma source(%dma_start3A_728 : memref<64x256xf32, #tpu.memory_space<hbm>>) target(%arg11 : memref<64x256xf32, #tpu.memory_space<vmem>>) target_semaphore(%run_scoped3A : memref<!tpu.dma_semaphore, #tpu.memory_space<semaphore_mem>>)
        %dma_wait3A_729 = arith.constant 0 : i32
        %dma_wait3A_730 = tpu.memref_slice %arg4[%add3A_181, %dma_wait3A_729] : memref<8192x256xf32, #tpu.memory_space<hbm>> -> memref<64x256xf32, #tpu.memory_space<hbm>>
        %dma_wait3A_731 = arith.constant 0 : i32
        %dma_wait3A_732 = tpu.memref_slice %arg4[%add3A_181, %dma_wait3A_731] : memref<8192x256xf32, #tpu.memory_space<hbm>> -> memref<64x256xf32, #tpu.memory_space<hbm>>
        tpu.wait_dma2 semaphore(%run_scoped3A : memref<!tpu.dma_semaphore, #tpu.memory_space<semaphore_mem>>) src(%dma_wait3A_732 : memref<64x256xf32, #tpu.memory_space<hbm>>) dst(%arg11 : memref<64x256xf32, #tpu.memory_space<vmem>>)
        tpu.yield
      }) : () -> ()
      %scan3A_719 = arith.constant 0 : i32
      %scan3A_720 = arith.constant 0 : i32
      %scan3A_721 = arith.constant 1024 : i32
      %scan3A_722 = arith.addi %scan3A_720, %scan3A_721 : i32
      %scan3A_723 = arith.constant 1 : i32
      scf.for %scan3A_725 = %scan3A_720 to %scan3A_722 step %scan3A_723  : i32 {
        %jit3A_726 = arith.constant 16 : i32
        %div3A = arith.divsi %scan3A_725, %jit3A_726 : i32
        %sign3A = arith.constant 0 : i32
        %sign3A_727 = arith.cmpi sgt, %scan3A_725, %sign3A : i32
        %sign3A_728 = arith.extui %sign3A_727 : i1 to i32
        %sign3A_729 = arith.constant 0 : i32
        %sign3A_730 = arith.cmpi slt, %scan3A_725, %sign3A_729 : i32
        %sign3A_731 = arith.extui %sign3A_730 : i1 to i32
        %sign3A_732 = arith.subi %sign3A_728, %sign3A_731 : i32
        %sign3A_733 = arith.constant 0 : i32
        %sign3A_734 = arith.cmpi sgt, %jit3A_726, %sign3A_733 : i32
        %sign3A_735 = arith.extui %sign3A_734 : i1 to i32
        %sign3A_736 = arith.constant 0 : i32
        %sign3A_737 = arith.cmpi slt, %jit3A_726, %sign3A_736 : i32
        %sign3A_738 = arith.extui %sign3A_737 : i1 to i32
        %sign3A_739 = arith.subi %sign3A_735, %sign3A_738 : i32
        %ne3A_740 = arith.cmpi ne, %sign3A_732, %sign3A_739 : i32
        %rem3A_741 = arith.remsi %scan3A_725, %jit3A_726 : i32
        %ne3A_742 = arith.constant 0 : i32
        %ne3A_743 = arith.cmpi ne, %rem3A_741, %ne3A_742 : i32
        %and3A_744 = arith.andi %ne3A_740, %ne3A_743 : i1
        %sub3A = arith.constant 1 : i32
        %sub3A_745 = arith.subi %div3A, %sub3A : i32
        %select_n3A_746 = arith.select %and3A_744, %sub3A_745, %div3A : i32
        %jit3A_747 = arith.constant 16 : i32
        %eq3A_748 = arith.constant 0 : i32
        %eq3A_749 = arith.cmpi eq, %jit3A_747, %eq3A_748 : i32
        %jit3A_750 = arith.constant 1 : i32
        %select_n3A_751 = arith.select %eq3A_749, %jit3A_750, %jit3A_747 : i32
        %rem3A_752 = arith.remsi %scan3A_725, %select_n3A_751 : i32
        %ne3A_753 = arith.constant 0 : i32
        %ne3A_754 = arith.cmpi ne, %rem3A_752, %ne3A_753 : i32
        %lt3A_755 = arith.constant 0 : i32
        %lt3A_756 = arith.cmpi slt, %rem3A_752, %lt3A_755 : i32
        %lt3A_757 = arith.constant 0 : i32
        %lt3A_758 = arith.cmpi slt, %select_n3A_751, %lt3A_757 : i32
        %ne3A_759 = arith.xori %lt3A_756, %lt3A_758 : i1
        %and3A_760 = arith.andi %ne3A_759, %ne3A_754 : i1
        %add3A_761 = arith.addi %rem3A_752, %select_n3A_751 : i32
        %select_n3A_762 = arith.select %and3A_760, %add3A_761, %rem3A_752 : i32
        %mul3A_763 = arith.constant 16 : i32
        %mul3A_764 = arith.muli %select_n3A_762, %mul3A_763 : i32
        %get3A_765 = arith.index_cast %select_n3A_746 : i32 to index
        %get3A_766 = arith.index_cast %mul3A_764 : i32 to index
        %get3A_767 = tpu.vector_load %arg8[%get3A_765, %get3A_766] {strides = array<i32>} : memref<64x256xf32, #tpu.memory_space<vmem>>, vector<1x16xf32>,
        %get3A_768 = vector.shape_cast %get3A_767 : vector<1x16xf32> to vector<16xf32>
        %get3A_769 = arith.index_cast %select_n3A_746 : i32 to index
        %get3A_770 = arith.index_cast %mul3A_764 : i32 to index
        %get3A_771 = tpu.vector_load %arg11[%get3A_769, %get3A_770] {strides = array<i32>} : memref<64x256xf32, #tpu.memory_space<vmem>>, vector<1x16xf32>,
        %get3A_772 = vector.shape_cast %get3A_771 : vector<1x16xf32> to vector<16xf32>
        %mul3A_773 = arith.constant 6.250000e-02 : f32
        %mul3A_774 = vector.broadcast %mul3A_773 : f32 to vector<16xf32>
        %mul3A_775 = arith.mulf %get3A_772, %mul3A_774 : vector<16xf32>
        %add3A_776 = arith.addf %get3A_768, %mul3A_775 : vector<16xf32>
        %swap3A = arith.index_cast %select_n3A_746 : i32 to index
        %swap3A_777 = arith.index_cast %mul3A_764 : i32 to index
        %swap3A_778 = tpu.vector_load %arg8[%swap3A, %swap3A_777] {strides = array<i32>} : memref<64x256xf32, #tpu.memory_space<vmem>>, vector<1x16xf32>,
        %swap3A_779 = vector.shape_cast %swap3A_778 : vector<1x16xf32> to vector<16xf32>
        %swap3A_780 = vector.shape_cast %add3A_776 : vector<16xf32> to vector<1x16xf32>
        tpu.vector_store %arg8[%swap3A, %swap3A_777], %swap3A_780 {strides = array<i32>} : memref<64x256xf32, #tpu.memory_space<vmem>>, vector<1x16xf32>,
      }
      %scan3A_724 = arith.constant 1024 : i32
    } else {
    }
    %add3A_186 = arith.constant 0 : i32
    %add3A_187 = arith.addi %add3A_186, %add3A : i32
    %jit3A_188 = arith.constant 16 : i32
    %eq3A_189 = arith.constant 0 : i32
    %eq3A_190 = arith.cmpi eq, %jit3A_188, %eq3A_189 : i32
    %jit3A_191 = arith.constant 1 : i32
    %select_n3A_192 = arith.select %eq3A_190, %jit3A_191, %jit3A_188 : i32
    %rem3A_193 = arith.remsi %add3A_187, %select_n3A_192 : i32
    %ne3A_194 = arith.constant 0 : i32
    %ne3A_195 = arith.cmpi ne, %rem3A_193, %ne3A_194 : i32
    %lt3A_196 = arith.constant 0 : i32
    %lt3A_197 = arith.cmpi slt, %rem3A_193, %lt3A_196 : i32
    %lt3A_198 = arith.constant 0 : i32
    %lt3A_199 = arith.cmpi slt, %select_n3A_192, %lt3A_198 : i32
    %ne3A_200 = arith.xori %lt3A_197, %lt3A_199 : i1
    %and3A_201 = arith.andi %ne3A_200, %ne3A_195 : i1
    %add3A_202 = arith.addi %rem3A_193, %select_n3A_192 : i32
    %select_n3A_203 = arith.select %and3A_201, %add3A_202, %rem3A_193 : i32
    %add3A_204 = arith.constant 64 : i32
    %add3A_205 = arith.addi %mul3A_2, %add3A_204 : i32
    %dma_start3A_206 = arith.constant 0 : i32
    %dma_start3A_207 = tpu.memref_slice %arg5[%select_n3A_203, %add3A_205, %dma_start3A_206] : memref<16x8192x256xf32, #tpu.memory_space<hbm>> -> memref<1x64x256xf32, #tpu.memory_space<hbm>>
    %dma_start3A_208 = tpu.memref_squeeze %dma_start3A_207 : memref<1x64x256xf32, #tpu.memory_space<hbm>> -> memref<64x256xf32, #tpu.memory_space<hbm>>
    %dma_start3A_209 = arith.constant 0 : i32
    %dma_start3A_210 = tpu.memref_slice %arg5[%select_n3A_203, %add3A_205, %dma_start3A_209] : memref<16x8192x256xf32, #tpu.memory_space<hbm>> -> memref<1x64x256xf32, #tpu.memory_space<hbm>>
    %dma_start3A_211 = tpu.memref_squeeze %dma_start3A_210 : memref<1x64x256xf32, #tpu.memory_space<hbm>> -> memref<64x256xf32, #tpu.memory_space<hbm>>
    tpu.enqueue_dma source(%arg8 : memref<64x256xf32, #tpu.memory_space<vmem>>) target(%dma_start3A_211 : memref<64x256xf32, #tpu.memory_space<hbm>>) target_semaphore(%arg17 : memref<!tpu.dma_semaphore, #tpu.memory_space<semaphore_mem>>)
    %dma_wait3A_212 = arith.constant 0 : i32
    %dma_wait3A_213 = arith.constant 0 : i32
    %dma_wait3A_214 = tpu.memref_slice %arg5[%dma_wait3A_212, %mul3A_2, %dma_wait3A_213] : memref<16x8192x256xf32, #tpu.memory_space<hbm>> -> memref<1x64x256xf32, #tpu.memory_space<hbm>>
    %dma_wait3A_215 = tpu.memref_squeeze %dma_wait3A_214 : memref<1x64x256xf32, #tpu.memory_space<hbm>> -> memref<64x256xf32, #tpu.memory_space<hbm>>
    %dma_wait3A_216 = arith.constant 0 : i32
    %dma_wait3A_217 = tpu.memref_slice %arg5[%dma_wait3A_212, %mul3A_2, %dma_wait3A_216] : memref<16x8192x256xf32, #tpu.memory_space<hbm>> -> memref<1x64x256xf32, #tpu.memory_space<hbm>>
    %dma_wait3A_218 = tpu.memref_squeeze %dma_wait3A_217 : memref<1x64x256xf32, #tpu.memory_space<hbm>> -> memref<64x256xf32, #tpu.memory_space<hbm>>
    tpu.wait_dma2 semaphore(%arg16 : memref<!tpu.dma_semaphore, #tpu.memory_space<semaphore_mem>>) src(%arg7 : memref<64x256xf32, #tpu.memory_space<vmem>>) dst(%dma_wait3A_218 : memref<64x256xf32, #tpu.memory_space<hbm>>)
    %add3A_219 = arith.constant 1 : i32
    %add3A_220 = arith.addi %add3A_219, %add3A : i32
    %jit3A_221 = arith.constant 16 : i32
    %eq3A_222 = arith.constant 0 : i32
    %eq3A_223 = arith.cmpi eq, %jit3A_221, %eq3A_222 : i32
    %jit3A_224 = arith.constant 1 : i32
    %select_n3A_225 = arith.select %eq3A_223, %jit3A_224, %jit3A_221 : i32
    %rem3A_226 = arith.remsi %add3A_220, %select_n3A_225 : i32
    %ne3A_227 = arith.constant 0 : i32
    %ne3A_228 = arith.cmpi ne, %rem3A_226, %ne3A_227 : i32
    %lt3A_229 = arith.constant 0 : i32
    %lt3A_230 = arith.cmpi slt, %rem3A_226, %lt3A_229 : i32
    %lt3A_231 = arith.constant 0 : i32
    %lt3A_232 = arith.cmpi slt, %select_n3A_225, %lt3A_231 : i32
    %ne3A_233 = arith.xori %lt3A_230, %lt3A_232 : i1
    %and3A_234 = arith.andi %ne3A_233, %ne3A_228 : i1
    %add3A_235 = arith.addi %rem3A_226, %select_n3A_225 : i32
    %select_n3A_236 = arith.select %and3A_234, %add3A_235, %rem3A_226 : i32
    %add3A_237 = arith.constant 0 : i32
    %add3A_238 = arith.addi %mul3A_2, %add3A_237 : i32
    %dma_start3A_239 = arith.constant 0 : i32
    %dma_start3A_240 = tpu.memref_slice %arg3[%select_n3A_236, %add3A_238, %dma_start3A_239] : memref<16x8192x256xf32, #tpu.memory_space<hbm>> -> memref<1x64x256xf32, #tpu.memory_space<hbm>>
    %dma_start3A_241 = tpu.memref_squeeze %dma_start3A_240 : memref<1x64x256xf32, #tpu.memory_space<hbm>> -> memref<64x256xf32, #tpu.memory_space<hbm>>
    %dma_start3A_242 = arith.constant 0 : i32
    %dma_start3A_243 = tpu.memref_slice %arg3[%select_n3A_236, %add3A_238, %dma_start3A_242] : memref<16x8192x256xf32, #tpu.memory_space<hbm>> -> memref<1x64x256xf32, #tpu.memory_space<hbm>>
    %dma_start3A_244 = tpu.memref_squeeze %dma_start3A_243 : memref<1x64x256xf32, #tpu.memory_space<hbm>> -> memref<64x256xf32, #tpu.memory_space<hbm>>
    tpu.enqueue_dma source(%dma_start3A_244 : memref<64x256xf32, #tpu.memory_space<hbm>>) target(%arg7 : memref<64x256xf32, #tpu.memory_space<vmem>>) target_semaphore(%arg12 : memref<!tpu.dma_semaphore, #tpu.memory_space<semaphore_mem>>)
    %dma_wait3A_245 = arith.constant 0 : i32
    %dma_wait3A_246 = arith.constant 0 : i32
    %dma_wait3A_247 = tpu.memref_slice %arg3[%dma_wait3A_245, %mul3A_2, %dma_wait3A_246] : memref<16x8192x256xf32, #tpu.memory_space<hbm>> -> memref<1x64x256xf32, #tpu.memory_space<hbm>>
    %dma_wait3A_248 = tpu.memref_squeeze %dma_wait3A_247 : memref<1x64x256xf32, #tpu.memory_space<hbm>> -> memref<64x256xf32, #tpu.memory_space<hbm>>
    %dma_wait3A_249 = arith.constant 0 : i32
    %dma_wait3A_250 = tpu.memref_slice %arg3[%dma_wait3A_245, %mul3A_2, %dma_wait3A_249] : memref<16x8192x256xf32, #tpu.memory_space<hbm>> -> memref<1x64x256xf32, #tpu.memory_space<hbm>>
    %dma_wait3A_251 = tpu.memref_squeeze %dma_wait3A_250 : memref<1x64x256xf32, #tpu.memory_space<hbm>> -> memref<64x256xf32, #tpu.memory_space<hbm>>
    tpu.wait_dma2 semaphore(%arg14 : memref<!tpu.dma_semaphore, #tpu.memory_space<semaphore_mem>>) src(%dma_wait3A_251 : memref<64x256xf32, #tpu.memory_space<hbm>>) dst(%arg9 : memref<64x256xf32, #tpu.memory_space<vmem>>)
    %add3A_252 = arith.constant 0 : i32
    %add3A_253 = arith.addi %add3A_252, %add3A : i32
    %jit3A_254 = arith.constant 16 : i32
    %eq3A_255 = arith.constant 0 : i32
    %eq3A_256 = arith.cmpi eq, %jit3A_254, %eq3A_255 : i32
    %jit3A_257 = arith.constant 1 : i32
    %select_n3A_258 = arith.select %eq3A_256, %jit3A_257, %jit3A_254 : i32
    %rem3A_259 = arith.remsi %add3A_253, %select_n3A_258 : i32
    %ne3A_260 = arith.constant 0 : i32
    %ne3A_261 = arith.cmpi ne, %rem3A_259, %ne3A_260 : i32
    %lt3A_262 = arith.constant 0 : i32
    %lt3A_263 = arith.cmpi slt, %rem3A_259, %lt3A_262 : i32
    %lt3A_264 = arith.constant 0 : i32
    %lt3A_265 = arith.cmpi slt, %select_n3A_258, %lt3A_264 : i32
    %ne3A_266 = arith.xori %lt3A_263, %lt3A_265 : i1
    %and3A_267 = arith.andi %ne3A_266, %ne3A_261 : i1
    %add3A_268 = arith.addi %rem3A_259, %select_n3A_258 : i32
    %select_n3A_269 = arith.select %and3A_267, %add3A_268, %rem3A_259 : i32
    %add3A_270 = arith.constant 128 : i32
    %add3A_271 = arith.addi %mul3A_2, %add3A_270 : i32
    %eq3A_272 = arith.cmpi eq, %select_n3A_269, %squeeze3A : i32
    %convert_element_type3A_273 = arith.extui %eq3A_272 : i1 to i32
    %cond3A_274 = arith.constant 0 : i32
    %cond3A_275 = arith.cmpi ne, %convert_element_type3A_273, %cond3A_274 : i32
    scf.if %cond3A_275 {
      "tpu.region"() ({
        %run_scoped3A = tpu.sem_alloc : memref<!tpu.dma_semaphore, #tpu.memory_space<semaphore_mem>>
        %dma_start3A_725 = arith.constant 0 : i32
        %dma_start3A_726 = tpu.memref_slice %arg4[%add3A_271, %dma_start3A_725] : memref<8192x256xf32, #tpu.memory_space<hbm>> -> memref<64x256xf32, #tpu.memory_space<hbm>>
        %dma_start3A_727 = arith.constant 0 : i32
        %dma_start3A_728 = tpu.memref_slice %arg4[%add3A_271, %dma_start3A_727] : memref<8192x256xf32, #tpu.memory_space<hbm>> -> memref<64x256xf32, #tpu.memory_space<hbm>>
        tpu.enqueue_dma source(%dma_start3A_728 : memref<64x256xf32, #tpu.memory_space<hbm>>) target(%arg11 : memref<64x256xf32, #tpu.memory_space<vmem>>) target_semaphore(%run_scoped3A : memref<!tpu.dma_semaphore, #tpu.memory_space<semaphore_mem>>)
        %dma_wait3A_729 = arith.constant 0 : i32
        %dma_wait3A_730 = tpu.memref_slice %arg4[%add3A_271, %dma_wait3A_729] : memref<8192x256xf32, #tpu.memory_space<hbm>> -> memref<64x256xf32, #tpu.memory_space<hbm>>
        %dma_wait3A_731 = arith.constant 0 : i32
        %dma_wait3A_732 = tpu.memref_slice %arg4[%add3A_271, %dma_wait3A_731] : memref<8192x256xf32, #tpu.memory_space<hbm>> -> memref<64x256xf32, #tpu.memory_space<hbm>>
        tpu.wait_dma2 semaphore(%run_scoped3A : memref<!tpu.dma_semaphore, #tpu.memory_space<semaphore_mem>>) src(%dma_wait3A_732 : memref<64x256xf32, #tpu.memory_space<hbm>>) dst(%arg11 : memref<64x256xf32, #tpu.memory_space<vmem>>)
        tpu.yield
      }) : () -> ()
      %scan3A_719 = arith.constant 0 : i32
      %scan3A_720 = arith.constant 0 : i32
      %scan3A_721 = arith.constant 1024 : i32
      %scan3A_722 = arith.addi %scan3A_720, %scan3A_721 : i32
      %scan3A_723 = arith.constant 1 : i32
      scf.for %scan3A_725 = %scan3A_720 to %scan3A_722 step %scan3A_723  : i32 {
        %jit3A_726 = arith.constant 16 : i32
        %div3A = arith.divsi %scan3A_725, %jit3A_726 : i32
        %sign3A = arith.constant 0 : i32
        %sign3A_727 = arith.cmpi sgt, %scan3A_725, %sign3A : i32
        %sign3A_728 = arith.extui %sign3A_727 : i1 to i32
        %sign3A_729 = arith.constant 0 : i32
        %sign3A_730 = arith.cmpi slt, %scan3A_725, %sign3A_729 : i32
        %sign3A_731 = arith.extui %sign3A_730 : i1 to i32
        %sign3A_732 = arith.subi %sign3A_728, %sign3A_731 : i32
        %sign3A_733 = arith.constant 0 : i32
        %sign3A_734 = arith.cmpi sgt, %jit3A_726, %sign3A_733 : i32
        %sign3A_735 = arith.extui %sign3A_734 : i1 to i32
        %sign3A_736 = arith.constant 0 : i32
        %sign3A_737 = arith.cmpi slt, %jit3A_726, %sign3A_736 : i32
        %sign3A_738 = arith.extui %sign3A_737 : i1 to i32
        %sign3A_739 = arith.subi %sign3A_735, %sign3A_738 : i32
        %ne3A_740 = arith.cmpi ne, %sign3A_732, %sign3A_739 : i32
        %rem3A_741 = arith.remsi %scan3A_725, %jit3A_726 : i32
        %ne3A_742 = arith.constant 0 : i32
        %ne3A_743 = arith.cmpi ne, %rem3A_741, %ne3A_742 : i32
        %and3A_744 = arith.andi %ne3A_740, %ne3A_743 : i1
        %sub3A = arith.constant 1 : i32
        %sub3A_745 = arith.subi %div3A, %sub3A : i32
        %select_n3A_746 = arith.select %and3A_744, %sub3A_745, %div3A : i32
        %jit3A_747 = arith.constant 16 : i32
        %eq3A_748 = arith.constant 0 : i32
        %eq3A_749 = arith.cmpi eq, %jit3A_747, %eq3A_748 : i32
        %jit3A_750 = arith.constant 1 : i32
        %select_n3A_751 = arith.select %eq3A_749, %jit3A_750, %jit3A_747 : i32
        %rem3A_752 = arith.remsi %scan3A_725, %select_n3A_751 : i32
        %ne3A_753 = arith.constant 0 : i32
        %ne3A_754 = arith.cmpi ne, %rem3A_752, %ne3A_753 : i32
        %lt3A_755 = arith.constant 0 : i32
        %lt3A_756 = arith.cmpi slt, %rem3A_752, %lt3A_755 : i32
        %lt3A_757 = arith.constant 0 : i32
        %lt3A_758 = arith.cmpi slt, %select_n3A_751, %lt3A_757 : i32
        %ne3A_759 = arith.xori %lt3A_756, %lt3A_758 : i1
        %and3A_760 = arith.andi %ne3A_759, %ne3A_754 : i1
        %add3A_761 = arith.addi %rem3A_752, %select_n3A_751 : i32
        %select_n3A_762 = arith.select %and3A_760, %add3A_761, %rem3A_752 : i32
        %mul3A_763 = arith.constant 16 : i32
        %mul3A_764 = arith.muli %select_n3A_762, %mul3A_763 : i32
        %get3A_765 = arith.index_cast %select_n3A_746 : i32 to index
        %get3A_766 = arith.index_cast %mul3A_764 : i32 to index
        %get3A_767 = tpu.vector_load %arg9[%get3A_765, %get3A_766] {strides = array<i32>} : memref<64x256xf32, #tpu.memory_space<vmem>>, vector<1x16xf32>,
        %get3A_768 = vector.shape_cast %get3A_767 : vector<1x16xf32> to vector<16xf32>
        %get3A_769 = arith.index_cast %select_n3A_746 : i32 to index
        %get3A_770 = arith.index_cast %mul3A_764 : i32 to index
        %get3A_771 = tpu.vector_load %arg11[%get3A_769, %get3A_770] {strides = array<i32>} : memref<64x256xf32, #tpu.memory_space<vmem>>, vector<1x16xf32>,
        %get3A_772 = vector.shape_cast %get3A_771 : vector<1x16xf32> to vector<16xf32>
        %mul3A_773 = arith.constant 6.250000e-02 : f32
        %mul3A_774 = vector.broadcast %mul3A_773 : f32 to vector<16xf32>
        %mul3A_775 = arith.mulf %get3A_772, %mul3A_774 : vector<16xf32>
        %add3A_776 = arith.addf %get3A_768, %mul3A_775 : vector<16xf32>
        %swap3A = arith.index_cast %select_n3A_746 : i32 to index
        %swap3A_777 = arith.index_cast %mul3A_764 : i32 to index
        %swap3A_778 = tpu.vector_load %arg9[%swap3A, %swap3A_777] {strides = array<i32>} : memref<64x256xf32, #tpu.memory_space<vmem>>, vector<1x16xf32>,
        %swap3A_779 = vector.shape_cast %swap3A_778 : vector<1x16xf32> to vector<16xf32>
        %swap3A_780 = vector.shape_cast %add3A_776 : vector<16xf32> to vector<1x16xf32>
        tpu.vector_store %arg9[%swap3A, %swap3A_777], %swap3A_780 {strides = array<i32>} : memref<64x256xf32, #tpu.memory_space<vmem>>, vector<1x16xf32>,
      }
      %scan3A_724 = arith.constant 1024 : i32
    } else {
    }
    %add3A_276 = arith.constant 0 : i32
    %add3A_277 = arith.addi %add3A_276, %add3A : i32
    %jit3A_278 = arith.constant 16 : i32
    %eq3A_279 = arith.constant 0 : i32
    %eq3A_280 = arith.cmpi eq, %jit3A_278, %eq3A_279 : i32
    %jit3A_281 = arith.constant 1 : i32
    %select_n3A_282 = arith.select %eq3A_280, %jit3A_281, %jit3A_278 : i32
    %rem3A_283 = arith.remsi %add3A_277, %select_n3A_282 : i32
    %ne3A_284 = arith.constant 0 : i32
    %ne3A_285 = arith.cmpi ne, %rem3A_283, %ne3A_284 : i32
    %lt3A_286 = arith.constant 0 : i32
    %lt3A_287 = arith.cmpi slt, %rem3A_283, %lt3A_286 : i32
    %lt3A_288 = arith.constant 0 : i32
    %lt3A_289 = arith.cmpi slt, %select_n3A_282, %lt3A_288 : i32
    %ne3A_290 = arith.xori %lt3A_287, %lt3A_289 : i1
    %and3A_291 = arith.andi %ne3A_290, %ne3A_285 : i1
    %add3A_292 = arith.addi %rem3A_283, %select_n3A_282 : i32
    %select_n3A_293 = arith.select %and3A_291, %add3A_292, %rem3A_283 : i32
    %add3A_294 = arith.constant 128 : i32
    %add3A_295 = arith.addi %mul3A_2, %add3A_294 : i32
    %dma_start3A_296 = arith.constant 0 : i32
    %dma_start3A_297 = tpu.memref_slice %arg5[%select_n3A_293, %add3A_295, %dma_start3A_296] : memref<16x8192x256xf32, #tpu.memory_space<hbm>> -> memref<1x64x256xf32, #tpu.memory_space<hbm>>
    %dma_start3A_298 = tpu.memref_squeeze %dma_start3A_297 : memref<1x64x256xf32, #tpu.memory_space<hbm>> -> memref<64x256xf32, #tpu.memory_space<hbm>>
    %dma_start3A_299 = arith.constant 0 : i32
    %dma_start3A_300 = tpu.memref_slice %arg5[%select_n3A_293, %add3A_295, %dma_start3A_299] : memref<16x8192x256xf32, #tpu.memory_space<hbm>> -> memref<1x64x256xf32, #tpu.memory_space<hbm>>
    %dma_start3A_301 = tpu.memref_squeeze %dma_start3A_300 : memref<1x64x256xf32, #tpu.memory_space<hbm>> -> memref<64x256xf32, #tpu.memory_space<hbm>>
    tpu.enqueue_dma source(%arg9 : memref<64x256xf32, #tpu.memory_space<vmem>>) target(%dma_start3A_301 : memref<64x256xf32, #tpu.memory_space<hbm>>) target_semaphore(%arg18 : memref<!tpu.dma_semaphore, #tpu.memory_space<semaphore_mem>>)
    %dma_wait3A_302 = arith.constant 0 : i32
    %dma_wait3A_303 = arith.constant 0 : i32
    %dma_wait3A_304 = tpu.memref_slice %arg5[%dma_wait3A_302, %mul3A_2, %dma_wait3A_303] : memref<16x8192x256xf32, #tpu.memory_space<hbm>> -> memref<1x64x256xf32, #tpu.memory_space<hbm>>
    %dma_wait3A_305 = tpu.memref_squeeze %dma_wait3A_304 : memref<1x64x256xf32, #tpu.memory_space<hbm>> -> memref<64x256xf32, #tpu.memory_space<hbm>>
    %dma_wait3A_306 = arith.constant 0 : i32
    %dma_wait3A_307 = tpu.memref_slice %arg5[%dma_wait3A_302, %mul3A_2, %dma_wait3A_306] : memref<16x8192x256xf32, #tpu.memory_space<hbm>> -> memref<1x64x256xf32, #tpu.memory_space<hbm>>
    %dma_wait3A_308 = tpu.memref_squeeze %dma_wait3A_307 : memref<1x64x256xf32, #tpu.memory_space<hbm>> -> memref<64x256xf32, #tpu.memory_space<hbm>>
    tpu.wait_dma2 semaphore(%arg17 : memref<!tpu.dma_semaphore, #tpu.memory_space<semaphore_mem>>) src(%arg8 : memref<64x256xf32, #tpu.memory_space<vmem>>) dst(%dma_wait3A_308 : memref<64x256xf32, #tpu.memory_space<hbm>>)
    %add3A_309 = arith.constant 1 : i32
    %add3A_310 = arith.addi %add3A_309, %add3A : i32
    %jit3A_311 = arith.constant 16 : i32
    %eq3A_312 = arith.constant 0 : i32
    %eq3A_313 = arith.cmpi eq, %jit3A_311, %eq3A_312 : i32
    %jit3A_314 = arith.constant 1 : i32
    %select_n3A_315 = arith.select %eq3A_313, %jit3A_314, %jit3A_311 : i32
    %rem3A_316 = arith.remsi %add3A_310, %select_n3A_315 : i32
    %ne3A_317 = arith.constant 0 : i32
    %ne3A_318 = arith.cmpi ne, %rem3A_316, %ne3A_317 : i32
    %lt3A_319 = arith.constant 0 : i32
    %lt3A_320 = arith.cmpi slt, %rem3A_316, %lt3A_319 : i32
    %lt3A_321 = arith.constant 0 : i32
    %lt3A_322 = arith.cmpi slt, %select_n3A_315, %lt3A_321 : i32
    %ne3A_323 = arith.xori %lt3A_320, %lt3A_322 : i1
    %and3A_324 = arith.andi %ne3A_323, %ne3A_318 : i1
    %add3A_325 = arith.addi %rem3A_316, %select_n3A_315 : i32
    %select_n3A_326 = arith.select %and3A_324, %add3A_325, %rem3A_316 : i32
    %add3A_327 = arith.constant 64 : i32
    %add3A_328 = arith.addi %mul3A_2, %add3A_327 : i32
    %dma_start3A_329 = arith.constant 0 : i32
    %dma_start3A_330 = tpu.memref_slice %arg3[%select_n3A_326, %add3A_328, %dma_start3A_329] : memref<16x8192x256xf32, #tpu.memory_space<hbm>> -> memref<1x64x256xf32, #tpu.memory_space<hbm>>
    %dma_start3A_331 = tpu.memref_squeeze %dma_start3A_330 : memref<1x64x256xf32, #tpu.memory_space<hbm>> -> memref<64x256xf32, #tpu.memory_space<hbm>>
    %dma_start3A_332 = arith.constant 0 : i32
    %dma_start3A_333 = tpu.memref_slice %arg3[%select_n3A_326, %add3A_328, %dma_start3A_332] : memref<16x8192x256xf32, #tpu.memory_space<hbm>> -> memref<1x64x256xf32, #tpu.memory_space<hbm>>
    %dma_start3A_334 = tpu.memref_squeeze %dma_start3A_333 : memref<1x64x256xf32, #tpu.memory_space<hbm>> -> memref<64x256xf32, #tpu.memory_space<hbm>>
    tpu.enqueue_dma source(%dma_start3A_334 : memref<64x256xf32, #tpu.memory_space<hbm>>) target(%arg8 : memref<64x256xf32, #tpu.memory_space<vmem>>) target_semaphore(%arg13 : memref<!tpu.dma_semaphore, #tpu.memory_space<semaphore_mem>>)
    %dma_wait3A_335 = arith.constant 0 : i32
    %dma_wait3A_336 = arith.constant 0 : i32
    %dma_wait3A_337 = tpu.memref_slice %arg3[%dma_wait3A_335, %mul3A_2, %dma_wait3A_336] : memref<16x8192x256xf32, #tpu.memory_space<hbm>> -> memref<1x64x256xf32, #tpu.memory_space<hbm>>
    %dma_wait3A_338 = tpu.memref_squeeze %dma_wait3A_337 : memref<1x64x256xf32, #tpu.memory_space<hbm>> -> memref<64x256xf32, #tpu.memory_space<hbm>>
    %dma_wait3A_339 = arith.constant 0 : i32
    %dma_wait3A_340 = tpu.memref_slice %arg3[%dma_wait3A_335, %mul3A_2, %dma_wait3A_339] : memref<16x8192x256xf32, #tpu.memory_space<hbm>> -> memref<1x64x256xf32, #tpu.memory_space<hbm>>
    %dma_wait3A_341 = tpu.memref_squeeze %dma_wait3A_340 : memref<1x64x256xf32, #tpu.memory_space<hbm>> -> memref<64x256xf32, #tpu.memory_space<hbm>>
    tpu.wait_dma2 semaphore(%arg15 : memref<!tpu.dma_semaphore, #tpu.memory_space<semaphore_mem>>) src(%dma_wait3A_341 : memref<64x256xf32, #tpu.memory_space<hbm>>) dst(%arg10 : memref<64x256xf32, #tpu.memory_space<vmem>>)
    %add3A_342 = arith.constant 0 : i32
    %add3A_343 = arith.addi %add3A_342, %add3A : i32
    %jit3A_344 = arith.constant 16 : i32
    %eq3A_345 = arith.constant 0 : i32
    %eq3A_346 = arith.cmpi eq, %jit3A_344, %eq3A_345 : i32
    %jit3A_347 = arith.constant 1 : i32
    %select_n3A_348 = arith.select %eq3A_346, %jit3A_347, %jit3A_344 : i32
    %rem3A_349 = arith.remsi %add3A_343, %select_n3A_348 : i32
    %ne3A_350 = arith.constant 0 : i32
    %ne3A_351 = arith.cmpi ne, %rem3A_349, %ne3A_350 : i32
    %lt3A_352 = arith.constant 0 : i32
    %lt3A_353 = arith.cmpi slt, %rem3A_349, %lt3A_352 : i32
    %lt3A_354 = arith.constant 0 : i32
    %lt3A_355 = arith.cmpi slt, %select_n3A_348, %lt3A_354 : i32
    %ne3A_356 = arith.xori %lt3A_353, %lt3A_355 : i1
    %and3A_357 = arith.andi %ne3A_356, %ne3A_351 : i1
    %add3A_358 = arith.addi %rem3A_349, %select_n3A_348 : i32
    %select_n3A_359 = arith.select %and3A_357, %add3A_358, %rem3A_349 : i32
    %add3A_360 = arith.constant 192 : i32
    %add3A_361 = arith.addi %mul3A_2, %add3A_360 : i32
    %eq3A_362 = arith.cmpi eq, %select_n3A_359, %squeeze3A : i32
    %convert_element_type3A_363 = arith.extui %eq3A_362 : i1 to i32
    %cond3A_364 = arith.constant 0 : i32
    %cond3A_365 = arith.cmpi ne, %convert_element_type3A_363, %cond3A_364 : i32
    scf.if %cond3A_365 {
      "tpu.region"() ({
        %run_scoped3A = tpu.sem_alloc : memref<!tpu.dma_semaphore, #tpu.memory_space<semaphore_mem>>
        %dma_start3A_725 = arith.constant 0 : i32
        %dma_start3A_726 = tpu.memref_slice %arg4[%add3A_361, %dma_start3A_725] : memref<8192x256xf32, #tpu.memory_space<hbm>> -> memref<64x256xf32, #tpu.memory_space<hbm>>
        %dma_start3A_727 = arith.constant 0 : i32
        %dma_start3A_728 = tpu.memref_slice %arg4[%add3A_361, %dma_start3A_727] : memref<8192x256xf32, #tpu.memory_space<hbm>> -> memref<64x256xf32, #tpu.memory_space<hbm>>
        tpu.enqueue_dma source(%dma_start3A_728 : memref<64x256xf32, #tpu.memory_space<hbm>>) target(%arg11 : memref<64x256xf32, #tpu.memory_space<vmem>>) target_semaphore(%run_scoped3A : memref<!tpu.dma_semaphore, #tpu.memory_space<semaphore_mem>>)
        %dma_wait3A_729 = arith.constant 0 : i32
        %dma_wait3A_730 = tpu.memref_slice %arg4[%add3A_361, %dma_wait3A_729] : memref<8192x256xf32, #tpu.memory_space<hbm>> -> memref<64x256xf32, #tpu.memory_space<hbm>>
        %dma_wait3A_731 = arith.constant 0 : i32
        %dma_wait3A_732 = tpu.memref_slice %arg4[%add3A_361, %dma_wait3A_731] : memref<8192x256xf32, #tpu.memory_space<hbm>> -> memref<64x256xf32, #tpu.memory_space<hbm>>
        tpu.wait_dma2 semaphore(%run_scoped3A : memref<!tpu.dma_semaphore, #tpu.memory_space<semaphore_mem>>) src(%dma_wait3A_732 : memref<64x256xf32, #tpu.memory_space<hbm>>) dst(%arg11 : memref<64x256xf32, #tpu.memory_space<vmem>>)
        tpu.yield
      }) : () -> ()
      %scan3A_719 = arith.constant 0 : i32
      %scan3A_720 = arith.constant 0 : i32
      %scan3A_721 = arith.constant 1024 : i32
      %scan3A_722 = arith.addi %scan3A_720, %scan3A_721 : i32
      %scan3A_723 = arith.constant 1 : i32
      scf.for %scan3A_725 = %scan3A_720 to %scan3A_722 step %scan3A_723  : i32 {
        %jit3A_726 = arith.constant 16 : i32
        %div3A = arith.divsi %scan3A_725, %jit3A_726 : i32
        %sign3A = arith.constant 0 : i32
        %sign3A_727 = arith.cmpi sgt, %scan3A_725, %sign3A : i32
        %sign3A_728 = arith.extui %sign3A_727 : i1 to i32
        %sign3A_729 = arith.constant 0 : i32
        %sign3A_730 = arith.cmpi slt, %scan3A_725, %sign3A_729 : i32
        %sign3A_731 = arith.extui %sign3A_730 : i1 to i32
        %sign3A_732 = arith.subi %sign3A_728, %sign3A_731 : i32
        %sign3A_733 = arith.constant 0 : i32
        %sign3A_734 = arith.cmpi sgt, %jit3A_726, %sign3A_733 : i32
        %sign3A_735 = arith.extui %sign3A_734 : i1 to i32
        %sign3A_736 = arith.constant 0 : i32
        %sign3A_737 = arith.cmpi slt, %jit3A_726, %sign3A_736 : i32
        %sign3A_738 = arith.extui %sign3A_737 : i1 to i32
        %sign3A_739 = arith.subi %sign3A_735, %sign3A_738 : i32
        %ne3A_740 = arith.cmpi ne, %sign3A_732, %sign3A_739 : i32
        %rem3A_741 = arith.remsi %scan3A_725, %jit3A_726 : i32
        %ne3A_742 = arith.constant 0 : i32
        %ne3A_743 = arith.cmpi ne, %rem3A_741, %ne3A_742 : i32
        %and3A_744 = arith.andi %ne3A_740, %ne3A_743 : i1
        %sub3A = arith.constant 1 : i32
        %sub3A_745 = arith.subi %div3A, %sub3A : i32
        %select_n3A_746 = arith.select %and3A_744, %sub3A_745, %div3A : i32
        %jit3A_747 = arith.constant 16 : i32
        %eq3A_748 = arith.constant 0 : i32
        %eq3A_749 = arith.cmpi eq, %jit3A_747, %eq3A_748 : i32
        %jit3A_750 = arith.constant 1 : i32
        %select_n3A_751 = arith.select %eq3A_749, %jit3A_750, %jit3A_747 : i32
        %rem3A_752 = arith.remsi %scan3A_725, %select_n3A_751 : i32
        %ne3A_753 = arith.constant 0 : i32
        %ne3A_754 = arith.cmpi ne, %rem3A_752, %ne3A_753 : i32
        %lt3A_755 = arith.constant 0 : i32
        %lt3A_756 = arith.cmpi slt, %rem3A_752, %lt3A_755 : i32
        %lt3A_757 = arith.constant 0 : i32
        %lt3A_758 = arith.cmpi slt, %select_n3A_751, %lt3A_757 : i32
        %ne3A_759 = arith.xori %lt3A_756, %lt3A_758 : i1
        %and3A_760 = arith.andi %ne3A_759, %ne3A_754 : i1
        %add3A_761 = arith.addi %rem3A_752, %select_n3A_751 : i32
        %select_n3A_762 = arith.select %and3A_760, %add3A_761, %rem3A_752 : i32
        %mul3A_763 = arith.constant 16 : i32
        %mul3A_764 = arith.muli %select_n3A_762, %mul3A_763 : i32
        %get3A_765 = arith.index_cast %select_n3A_746 : i32 to index
        %get3A_766 = arith.index_cast %mul3A_764 : i32 to index
        %get3A_767 = tpu.vector_load %arg10[%get3A_765, %get3A_766] {strides = array<i32>} : memref<64x256xf32, #tpu.memory_space<vmem>>, vector<1x16xf32>,
        %get3A_768 = vector.shape_cast %get3A_767 : vector<1x16xf32> to vector<16xf32>
        %get3A_769 = arith.index_cast %select_n3A_746 : i32 to index
        %get3A_770 = arith.index_cast %mul3A_764 : i32 to index
        %get3A_771 = tpu.vector_load %arg11[%get3A_769, %get3A_770] {strides = array<i32>} : memref<64x256xf32, #tpu.memory_space<vmem>>, vector<1x16xf32>,
        %get3A_772 = vector.shape_cast %get3A_771 : vector<1x16xf32> to vector<16xf32>
        %mul3A_773 = arith.constant 6.250000e-02 : f32
        %mul3A_774 = vector.broadcast %mul3A_773 : f32 to vector<16xf32>
        %mul3A_775 = arith.mulf %get3A_772, %mul3A_774 : vector<16xf32>
        %add3A_776 = arith.addf %get3A_768, %mul3A_775 : vector<16xf32>
        %swap3A = arith.index_cast %select_n3A_746 : i32 to index
        %swap3A_777 = arith.index_cast %mul3A_764 : i32 to index
        %swap3A_778 = tpu.vector_load %arg10[%swap3A, %swap3A_777] {strides = array<i32>} : memref<64x256xf32, #tpu.memory_space<vmem>>, vector<1x16xf32>,
        %swap3A_779 = vector.shape_cast %swap3A_778 : vector<1x16xf32> to vector<16xf32>
        %swap3A_780 = vector.shape_cast %add3A_776 : vector<16xf32> to vector<1x16xf32>
        tpu.vector_store %arg10[%swap3A, %swap3A_777], %swap3A_780 {strides = array<i32>} : memref<64x256xf32, #tpu.memory_space<vmem>>, vector<1x16xf32>,
      }
      %scan3A_724 = arith.constant 1024 : i32
    } else {
    }
    %add3A_366 = arith.constant 0 : i32
    %add3A_367 = arith.addi %add3A_366, %add3A : i32
    %jit3A_368 = arith.constant 16 : i32
    %eq3A_369 = arith.constant 0 : i32
    %eq3A_370 = arith.cmpi eq, %jit3A_368, %eq3A_369 : i32
    %jit3A_371 = arith.constant 1 : i32
    %select_n3A_372 = arith.select %eq3A_370, %jit3A_371, %jit3A_368 : i32
    %rem3A_373 = arith.remsi %add3A_367, %select_n3A_372 : i32
    %ne3A_374 = arith.constant 0 : i32
    %ne3A_375 = arith.cmpi ne, %rem3A_373, %ne3A_374 : i32
    %lt3A_376 = arith.constant 0 : i32
    %lt3A_377 = arith.cmpi slt, %rem3A_373, %lt3A_376 : i32
    %lt3A_378 = arith.constant 0 : i32
    %lt3A_379 = arith.cmpi slt, %select_n3A_372, %lt3A_378 : i32
    %ne3A_380 = arith.xori %lt3A_377, %lt3A_379 : i1
    %and3A_381 = arith.andi %ne3A_380, %ne3A_375 : i1
    %add3A_382 = arith.addi %rem3A_373, %select_n3A_372 : i32
    %select_n3A_383 = arith.select %and3A_381, %add3A_382, %rem3A_373 : i32
    %add3A_384 = arith.constant 192 : i32
    %add3A_385 = arith.addi %mul3A_2, %add3A_384 : i32
    %dma_start3A_386 = arith.constant 0 : i32
    %dma_start3A_387 = tpu.memref_slice %arg5[%select_n3A_383, %add3A_385, %dma_start3A_386] : memref<16x8192x256xf32, #tpu.memory_space<hbm>> -> memref<1x64x256xf32, #tpu.memory_space<hbm>>
    %dma_start3A_388 = tpu.memref_squeeze %dma_start3A_387 : memref<1x64x256xf32, #tpu.memory_space<hbm>> -> memref<64x256xf32, #tpu.memory_space<hbm>>
    %dma_start3A_389 = arith.constant 0 : i32
    %dma_start3A_390 = tpu.memref_slice %arg5[%select_n3A_383, %add3A_385, %dma_start3A_389] : memref<16x8192x256xf32, #tpu.memory_space<hbm>> -> memref<1x64x256xf32, #tpu.memory_space<hbm>>
    %dma_start3A_391 = tpu.memref_squeeze %dma_start3A_390 : memref<1x64x256xf32, #tpu.memory_space<hbm>> -> memref<64x256xf32, #tpu.memory_space<hbm>>
    tpu.enqueue_dma source(%arg10 : memref<64x256xf32, #tpu.memory_space<vmem>>) target(%dma_start3A_391 : memref<64x256xf32, #tpu.memory_space<hbm>>) target_semaphore(%arg19 : memref<!tpu.dma_semaphore, #tpu.memory_space<semaphore_mem>>)
    %scan3A = arith.constant 0 : i32
    %scan3A_392 = arith.constant 1 : i32
    %scan3A_393 = arith.constant 14 : i32
    %scan3A_394 = arith.addi %scan3A_392, %scan3A_393 : i32
    %scan3A_395 = arith.constant 1 : i32
    scf.for %scan3A_719 = %scan3A_392 to %scan3A_394 step %scan3A_395  : i32 {
      %mul3A_720 = arith.constant 4 : i32
      %mul3A_721 = arith.muli %scan3A_719, %mul3A_720 : i32
      %add3A_722 = arith.constant 0 : i32
      %add3A_723 = arith.addi %mul3A_721, %add3A_722 : i32
      %dma_wait3A_724 = arith.constant 0 : i32
      %dma_wait3A_725 = arith.constant 0 : i32
      %dma_wait3A_726 = tpu.memref_slice %arg5[%dma_wait3A_724, %mul3A_2, %dma_wait3A_725] : memref<16x8192x256xf32, #tpu.memory_space<hbm>> -> memref<1x64x256xf32, #tpu.memory_space<hbm>>
      %dma_wait3A_727 = tpu.memref_squeeze %dma_wait3A_726 : memref<1x64x256xf32, #tpu.memory_space<hbm>> -> memref<64x256xf32, #tpu.memory_space<hbm>>
      %dma_wait3A_728 = arith.constant 0 : i32
      %dma_wait3A_729 = tpu.memref_slice %arg5[%dma_wait3A_724, %mul3A_2, %dma_wait3A_728] : memref<16x8192x256xf32, #tpu.memory_space<hbm>> -> memref<1x64x256xf32, #tpu.memory_space<hbm>>
      %dma_wait3A_730 = tpu.memref_squeeze %dma_wait3A_729 : memref<1x64x256xf32, #tpu.memory_space<hbm>> -> memref<64x256xf32, #tpu.memory_space<hbm>>
      tpu.wait_dma2 semaphore(%arg18 : memref<!tpu.dma_semaphore, #tpu.memory_space<semaphore_mem>>) src(%arg9 : memref<64x256xf32, #tpu.memory_space<vmem>>) dst(%dma_wait3A_730 : memref<64x256xf32, #tpu.memory_space<hbm>>)
      %add3A_731 = arith.constant 2 : i32
      %add3A_732 = arith.addi %add3A_723, %add3A_731 : i32
      %jit3A_733 = arith.constant 4 : i32
      %div3A = arith.divsi %add3A_732, %jit3A_733 : i32
      %sign3A = arith.constant 0 : i32
      %sign3A_734 = arith.cmpi sgt, %add3A_732, %sign3A : i32
      %sign3A_735 = arith.extui %sign3A_734 : i1 to i32
      %sign3A_736 = arith.constant 0 : i32
      %sign3A_737 = arith.cmpi slt, %add3A_732, %sign3A_736 : i32
      %sign3A_738 = arith.extui %sign3A_737 : i1 to i32
      %sign3A_739 = arith.subi %sign3A_735, %sign3A_738 : i32
      %sign3A_740 = arith.constant 0 : i32
      %sign3A_741 = arith.cmpi sgt, %jit3A_733, %sign3A_740 : i32
      %sign3A_742 = arith.extui %sign3A_741 : i1 to i32
      %sign3A_743 = arith.constant 0 : i32
      %sign3A_744 = arith.cmpi slt, %jit3A_733, %sign3A_743 : i32
      %sign3A_745 = arith.extui %sign3A_744 : i1 to i32
      %sign3A_746 = arith.subi %sign3A_742, %sign3A_745 : i32
      %ne3A_747 = arith.cmpi ne, %sign3A_739, %sign3A_746 : i32
      %rem3A_748 = arith.remsi %add3A_732, %jit3A_733 : i32
      %ne3A_749 = arith.constant 0 : i32
      %ne3A_750 = arith.cmpi ne, %rem3A_748, %ne3A_749 : i32
      %and3A_751 = arith.andi %ne3A_747, %ne3A_750 : i1
      %sub3A = arith.constant 1 : i32
      %sub3A_752 = arith.subi %div3A, %sub3A : i32
      %select_n3A_753 = arith.select %and3A_751, %sub3A_752, %div3A : i32
      %add3A_754 = arith.addi %select_n3A_753, %add3A : i32
      %jit3A_755 = arith.constant 16 : i32
      %eq3A_756 = arith.constant 0 : i32
      %eq3A_757 = arith.cmpi eq, %jit3A_755, %eq3A_756 : i32
      %jit3A_758 = arith.constant 1 : i32
      %select_n3A_759 = arith.select %eq3A_757, %jit3A_758, %jit3A_755 : i32
      %rem3A_760 = arith.remsi %add3A_754, %select_n3A_759 : i32
      %ne3A_761 = arith.constant 0 : i32
      %ne3A_762 = arith.cmpi ne, %rem3A_760, %ne3A_761 : i32
      %lt3A_763 = arith.constant 0 : i32
      %lt3A_764 = arith.cmpi slt, %rem3A_760, %lt3A_763 : i32
      %lt3A_765 = arith.constant 0 : i32
      %lt3A_766 = arith.cmpi slt, %select_n3A_759, %lt3A_765 : i32
      %ne3A_767 = arith.xori %lt3A_764, %lt3A_766 : i1
      %and3A_768 = arith.andi %ne3A_767, %ne3A_762 : i1
      %add3A_769 = arith.addi %rem3A_760, %select_n3A_759 : i32
      %select_n3A_770 = arith.select %and3A_768, %add3A_769, %rem3A_760 : i32
      %jit3A_771 = arith.constant 4 : i32
      %eq3A_772 = arith.constant 0 : i32
      %eq3A_773 = arith.cmpi eq, %jit3A_771, %eq3A_772 : i32
      %jit3A_774 = arith.constant 1 : i32
      %select_n3A_775 = arith.select %eq3A_773, %jit3A_774, %jit3A_771 : i32
      %rem3A_776 = arith.remsi %add3A_732, %select_n3A_775 : i32
      %ne3A_777 = arith.constant 0 : i32
      %ne3A_778 = arith.cmpi ne, %rem3A_776, %ne3A_777 : i32
      %lt3A_779 = arith.constant 0 : i32
      %lt3A_780 = arith.cmpi slt, %rem3A_776, %lt3A_779 : i32
      %lt3A_781 = arith.constant 0 : i32
      %lt3A_782 = arith.cmpi slt, %select_n3A_775, %lt3A_781 : i32
      %ne3A_783 = arith.xori %lt3A_780, %lt3A_782 : i1
      %and3A_784 = arith.andi %ne3A_783, %ne3A_778 : i1
      %add3A_785 = arith.addi %rem3A_776, %select_n3A_775 : i32
      %select_n3A_786 = arith.select %and3A_784, %add3A_785, %rem3A_776 : i32
      %mul3A_787 = arith.constant 64 : i32
      %mul3A_788 = arith.muli %select_n3A_786, %mul3A_787 : i32
      %add3A_789 = arith.addi %mul3A_2, %mul3A_788 : i32
      %dma_start3A_790 = arith.constant 0 : i32
      %dma_start3A_791 = tpu.memref_slice %arg3[%select_n3A_770, %add3A_789, %dma_start3A_790] : memref<16x8192x256xf32, #tpu.memory_space<hbm>> -> memref<1x64x256xf32, #tpu.memory_space<hbm>>
      %dma_start3A_792 = tpu.memref_squeeze %dma_start3A_791 : memref<1x64x256xf32, #tpu.memory_space<hbm>> -> memref<64x256xf32, #tpu.memory_space<hbm>>
      %dma_start3A_793 = arith.constant 0 : i32
      %dma_start3A_794 = tpu.memref_slice %arg3[%select_n3A_770, %add3A_789, %dma_start3A_793] : memref<16x8192x256xf32, #tpu.memory_space<hbm>> -> memref<1x64x256xf32, #tpu.memory_space<hbm>>
      %dma_start3A_795 = tpu.memref_squeeze %dma_start3A_794 : memref<1x64x256xf32, #tpu.memory_space<hbm>> -> memref<64x256xf32, #tpu.memory_space<hbm>>
      tpu.enqueue_dma source(%dma_start3A_795 : memref<64x256xf32, #tpu.memory_space<hbm>>) target(%arg9 : memref<64x256xf32, #tpu.memory_space<vmem>>) target_semaphore(%arg14 : memref<!tpu.dma_semaphore, #tpu.memory_space<semaphore_mem>>)
      %dma_wait3A_796 = arith.constant 0 : i32
      %dma_wait3A_797 = arith.constant 0 : i32
      %dma_wait3A_798 = tpu.memref_slice %arg3[%dma_wait3A_796, %mul3A_2, %dma_wait3A_797] : memref<16x8192x256xf32, #tpu.memory_space<hbm>> -> memref<1x64x256xf32, #tpu.memory_space<hbm>>
      %dma_wait3A_799 = tpu.memref_squeeze %dma_wait3A_798 : memref<1x64x256xf32, #tpu.memory_space<hbm>> -> memref<64x256xf32, #tpu.memory_space<hbm>>
      %dma_wait3A_800 = arith.constant 0 : i32
      %dma_wait3A_801 = tpu.memref_slice %arg3[%dma_wait3A_796, %mul3A_2, %dma_wait3A_800] : memref<16x8192x256xf32, #tpu.memory_space<hbm>> -> memref<1x64x256xf32, #tpu.memory_space<hbm>>
      %dma_wait3A_802 = tpu.memref_squeeze %dma_wait3A_801 : memref<1x64x256xf32, #tpu.memory_space<hbm>> -> memref<64x256xf32, #tpu.memory_space<hbm>>
      tpu.wait_dma2 semaphore(%arg12 : memref<!tpu.dma_semaphore, #tpu.memory_space<semaphore_mem>>) src(%dma_wait3A_802 : memref<64x256xf32, #tpu.memory_space<hbm>>) dst(%arg7 : memref<64x256xf32, #tpu.memory_space<vmem>>)
      %jit3A_803 = arith.constant 4 : i32
      %div3A_804 = arith.divsi %add3A_723, %jit3A_803 : i32
      %sign3A_805 = arith.constant 0 : i32
      %sign3A_806 = arith.cmpi sgt, %add3A_723, %sign3A_805 : i32
      %sign3A_807 = arith.extui %sign3A_806 : i1 to i32
      %sign3A_808 = arith.constant 0 : i32
      %sign3A_809 = arith.cmpi slt, %add3A_723, %sign3A_808 : i32
      %sign3A_810 = arith.extui %sign3A_809 : i1 to i32
      %sign3A_811 = arith.subi %sign3A_807, %sign3A_810 : i32
      %sign3A_812 = arith.constant 0 : i32
      %sign3A_813 = arith.cmpi sgt, %jit3A_803, %sign3A_812 : i32
      %sign3A_814 = arith.extui %sign3A_813 : i1 to i32
      %sign3A_815 = arith.constant 0 : i32
      %sign3A_816 = arith.cmpi slt, %jit3A_803, %sign3A_815 : i32
      %sign3A_817 = arith.extui %sign3A_816 : i1 to i32
      %sign3A_818 = arith.subi %sign3A_814, %sign3A_817 : i32
      %ne3A_819 = arith.cmpi ne, %sign3A_811, %sign3A_818 : i32
      %rem3A_820 = arith.remsi %add3A_723, %jit3A_803 : i32
      %ne3A_821 = arith.constant 0 : i32
      %ne3A_822 = arith.cmpi ne, %rem3A_820, %ne3A_821 : i32
      %and3A_823 = arith.andi %ne3A_819, %ne3A_822 : i1
      %sub3A_824 = arith.constant 1 : i32
      %sub3A_825 = arith.subi %div3A_804, %sub3A_824 : i32
      %select_n3A_826 = arith.select %and3A_823, %sub3A_825, %div3A_804 : i32
      %add3A_827 = arith.addi %select_n3A_826, %add3A : i32
      %jit3A_828 = arith.constant 16 : i32
      %eq3A_829 = arith.constant 0 : i32
      %eq3A_830 = arith.cmpi eq, %jit3A_828, %eq3A_829 : i32
      %jit3A_831 = arith.constant 1 : i32
      %select_n3A_832 = arith.select %eq3A_830, %jit3A_831, %jit3A_828 : i32
      %rem3A_833 = arith.remsi %add3A_827, %select_n3A_832 : i32
      %ne3A_834 = arith.constant 0 : i32
      %ne3A_835 = arith.cmpi ne, %rem3A_833, %ne3A_834 : i32
      %lt3A_836 = arith.constant 0 : i32
      %lt3A_837 = arith.cmpi slt, %rem3A_833, %lt3A_836 : i32
      %lt3A_838 = arith.constant 0 : i32
      %lt3A_839 = arith.cmpi slt, %select_n3A_832, %lt3A_838 : i32
      %ne3A_840 = arith.xori %lt3A_837, %lt3A_839 : i1
      %and3A_841 = arith.andi %ne3A_840, %ne3A_835 : i1
      %add3A_842 = arith.addi %rem3A_833, %select_n3A_832 : i32
      %select_n3A_843 = arith.select %and3A_841, %add3A_842, %rem3A_833 : i32
      %jit3A_844 = arith.constant 4 : i32
      %eq3A_845 = arith.constant 0 : i32
      %eq3A_846 = arith.cmpi eq, %jit3A_844, %eq3A_845 : i32
      %jit3A_847 = arith.constant 1 : i32
      %select_n3A_848 = arith.select %eq3A_846, %jit3A_847, %jit3A_844 : i32
      %rem3A_849 = arith.remsi %add3A_723, %select_n3A_848 : i32
      %ne3A_850 = arith.constant 0 : i32
      %ne3A_851 = arith.cmpi ne, %rem3A_849, %ne3A_850 : i32
      %lt3A_852 = arith.constant 0 : i32
      %lt3A_853 = arith.cmpi slt, %rem3A_849, %lt3A_852 : i32
      %lt3A_854 = arith.constant 0 : i32
      %lt3A_855 = arith.cmpi slt, %select_n3A_848, %lt3A_854 : i32
      %ne3A_856 = arith.xori %lt3A_853, %lt3A_855 : i1
      %and3A_857 = arith.andi %ne3A_856, %ne3A_851 : i1
      %add3A_858 = arith.addi %rem3A_849, %select_n3A_848 : i32
      %select_n3A_859 = arith.select %and3A_857, %add3A_858, %rem3A_849 : i32
      %mul3A_860 = arith.constant 64 : i32
      %mul3A_861 = arith.muli %select_n3A_859, %mul3A_860 : i32
      %add3A_862 = arith.addi %mul3A_2, %mul3A_861 : i32
      %eq3A_863 = arith.cmpi eq, %select_n3A_843, %squeeze3A : i32
      %convert_element_type3A_864 = arith.extui %eq3A_863 : i1 to i32
      %cond3A_865 = arith.constant 0 : i32
      %cond3A_866 = arith.cmpi ne, %convert_element_type3A_864, %cond3A_865 : i32
      scf.if %cond3A_866 {
        "tpu.region"() ({
          %run_scoped3A = tpu.sem_alloc : memref<!tpu.dma_semaphore, #tpu.memory_space<semaphore_mem>>
          %dma_start3A_1587 = arith.constant 0 : i32
          %dma_start3A_1588 = tpu.memref_slice %arg4[%add3A_862, %dma_start3A_1587] : memref<8192x256xf32, #tpu.memory_space<hbm>> -> memref<64x256xf32, #tpu.memory_space<hbm>>
          %dma_start3A_1589 = arith.constant 0 : i32
          %dma_start3A_1590 = tpu.memref_slice %arg4[%add3A_862, %dma_start3A_1589] : memref<8192x256xf32, #tpu.memory_space<hbm>> -> memref<64x256xf32, #tpu.memory_space<hbm>>
          tpu.enqueue_dma source(%dma_start3A_1590 : memref<64x256xf32, #tpu.memory_space<hbm>>) target(%arg11 : memref<64x256xf32, #tpu.memory_space<vmem>>) target_semaphore(%run_scoped3A : memref<!tpu.dma_semaphore, #tpu.memory_space<semaphore_mem>>)
          %dma_wait3A_1591 = arith.constant 0 : i32
          %dma_wait3A_1592 = tpu.memref_slice %arg4[%add3A_862, %dma_wait3A_1591] : memref<8192x256xf32, #tpu.memory_space<hbm>> -> memref<64x256xf32, #tpu.memory_space<hbm>>
          %dma_wait3A_1593 = arith.constant 0 : i32
          %dma_wait3A_1594 = tpu.memref_slice %arg4[%add3A_862, %dma_wait3A_1593] : memref<8192x256xf32, #tpu.memory_space<hbm>> -> memref<64x256xf32, #tpu.memory_space<hbm>>
          tpu.wait_dma2 semaphore(%run_scoped3A : memref<!tpu.dma_semaphore, #tpu.memory_space<semaphore_mem>>) src(%dma_wait3A_1594 : memref<64x256xf32, #tpu.memory_space<hbm>>) dst(%arg11 : memref<64x256xf32, #tpu.memory_space<vmem>>)
          tpu.yield
        }) : () -> ()
        %scan3A_1581 = arith.constant 0 : i32
        %scan3A_1582 = arith.constant 0 : i32
        %scan3A_1583 = arith.constant 1024 : i32
        %scan3A_1584 = arith.addi %scan3A_1582, %scan3A_1583 : i32
        %scan3A_1585 = arith.constant 1 : i32
        scf.for %scan3A_1587 = %scan3A_1582 to %scan3A_1584 step %scan3A_1585  : i32 {
          %jit3A_1588 = arith.constant 16 : i32
          %div3A_1589 = arith.divsi %scan3A_1587, %jit3A_1588 : i32
          %sign3A_1590 = arith.constant 0 : i32
          %sign3A_1591 = arith.cmpi sgt, %scan3A_1587, %sign3A_1590 : i32
          %sign3A_1592 = arith.extui %sign3A_1591 : i1 to i32
          %sign3A_1593 = arith.constant 0 : i32
          %sign3A_1594 = arith.cmpi slt, %scan3A_1587, %sign3A_1593 : i32
          %sign3A_1595 = arith.extui %sign3A_1594 : i1 to i32
          %sign3A_1596 = arith.subi %sign3A_1592, %sign3A_1595 : i32
          %sign3A_1597 = arith.constant 0 : i32
          %sign3A_1598 = arith.cmpi sgt, %jit3A_1588, %sign3A_1597 : i32
          %sign3A_1599 = arith.extui %sign3A_1598 : i1 to i32
          %sign3A_1600 = arith.constant 0 : i32
          %sign3A_1601 = arith.cmpi slt, %jit3A_1588, %sign3A_1600 : i32
          %sign3A_1602 = arith.extui %sign3A_1601 : i1 to i32
          %sign3A_1603 = arith.subi %sign3A_1599, %sign3A_1602 : i32
          %ne3A_1604 = arith.cmpi ne, %sign3A_1596, %sign3A_1603 : i32
          %rem3A_1605 = arith.remsi %scan3A_1587, %jit3A_1588 : i32
          %ne3A_1606 = arith.constant 0 : i32
          %ne3A_1607 = arith.cmpi ne, %rem3A_1605, %ne3A_1606 : i32
          %and3A_1608 = arith.andi %ne3A_1604, %ne3A_1607 : i1
          %sub3A_1609 = arith.constant 1 : i32
          %sub3A_1610 = arith.subi %div3A_1589, %sub3A_1609 : i32
          %select_n3A_1611 = arith.select %and3A_1608, %sub3A_1610, %div3A_1589 : i32
          %jit3A_1612 = arith.constant 16 : i32
          %eq3A_1613 = arith.constant 0 : i32
          %eq3A_1614 = arith.cmpi eq, %jit3A_1612, %eq3A_1613 : i32
          %jit3A_1615 = arith.constant 1 : i32
          %select_n3A_1616 = arith.select %eq3A_1614, %jit3A_1615, %jit3A_1612 : i32
          %rem3A_1617 = arith.remsi %scan3A_1587, %select_n3A_1616 : i32
          %ne3A_1618 = arith.constant 0 : i32
          %ne3A_1619 = arith.cmpi ne, %rem3A_1617, %ne3A_1618 : i32
          %lt3A_1620 = arith.constant 0 : i32
          %lt3A_1621 = arith.cmpi slt, %rem3A_1617, %lt3A_1620 : i32
          %lt3A_1622 = arith.constant 0 : i32
          %lt3A_1623 = arith.cmpi slt, %select_n3A_1616, %lt3A_1622 : i32
          %ne3A_1624 = arith.xori %lt3A_1621, %lt3A_1623 : i1
          %and3A_1625 = arith.andi %ne3A_1624, %ne3A_1619 : i1
          %add3A_1626 = arith.addi %rem3A_1617, %select_n3A_1616 : i32
          %select_n3A_1627 = arith.select %and3A_1625, %add3A_1626, %rem3A_1617 : i32
          %mul3A_1628 = arith.constant 16 : i32
          %mul3A_1629 = arith.muli %select_n3A_1627, %mul3A_1628 : i32
          %get3A_1630 = arith.index_cast %select_n3A_1611 : i32 to index
          %get3A_1631 = arith.index_cast %mul3A_1629 : i32 to index
          %get3A_1632 = tpu.vector_load %arg7[%get3A_1630, %get3A_1631] {strides = array<i32>} : memref<64x256xf32, #tpu.memory_space<vmem>>, vector<1x16xf32>,
          %get3A_1633 = vector.shape_cast %get3A_1632 : vector<1x16xf32> to vector<16xf32>
          %get3A_1634 = arith.index_cast %select_n3A_1611 : i32 to index
          %get3A_1635 = arith.index_cast %mul3A_1629 : i32 to index
          %get3A_1636 = tpu.vector_load %arg11[%get3A_1634, %get3A_1635] {strides = array<i32>} : memref<64x256xf32, #tpu.memory_space<vmem>>, vector<1x16xf32>,
          %get3A_1637 = vector.shape_cast %get3A_1636 : vector<1x16xf32> to vector<16xf32>
          %mul3A_1638 = arith.constant 6.250000e-02 : f32
          %mul3A_1639 = vector.broadcast %mul3A_1638 : f32 to vector<16xf32>
          %mul3A_1640 = arith.mulf %get3A_1637, %mul3A_1639 : vector<16xf32>
          %add3A_1641 = arith.addf %get3A_1633, %mul3A_1640 : vector<16xf32>
          %swap3A = arith.index_cast %select_n3A_1611 : i32 to index
          %swap3A_1642 = arith.index_cast %mul3A_1629 : i32 to index
          %swap3A_1643 = tpu.vector_load %arg7[%swap3A, %swap3A_1642] {strides = array<i32>} : memref<64x256xf32, #tpu.memory_space<vmem>>, vector<1x16xf32>,
          %swap3A_1644 = vector.shape_cast %swap3A_1643 : vector<1x16xf32> to vector<16xf32>
          %swap3A_1645 = vector.shape_cast %add3A_1641 : vector<16xf32> to vector<1x16xf32>
          tpu.vector_store %arg7[%swap3A, %swap3A_1642], %swap3A_1645 {strides = array<i32>} : memref<64x256xf32, #tpu.memory_space<vmem>>, vector<1x16xf32>,
        }
        %scan3A_1586 = arith.constant 1024 : i32
      } else {
      }
      %jit3A_867 = arith.constant 4 : i32
      %div3A_868 = arith.divsi %add3A_723, %jit3A_867 : i32
      %sign3A_869 = arith.constant 0 : i32
      %sign3A_870 = arith.cmpi sgt, %add3A_723, %sign3A_869 : i32
      %sign3A_871 = arith.extui %sign3A_870 : i1 to i32
      %sign3A_872 = arith.constant 0 : i32
      %sign3A_873 = arith.cmpi slt, %add3A_723, %sign3A_872 : i32
      %sign3A_874 = arith.extui %sign3A_873 : i1 to i32
      %sign3A_875 = arith.subi %sign3A_871, %sign3A_874 : i32
      %sign3A_876 = arith.constant 0 : i32
      %sign3A_877 = arith.cmpi sgt, %jit3A_867, %sign3A_876 : i32
      %sign3A_878 = arith.extui %sign3A_877 : i1 to i32
      %sign3A_879 = arith.constant 0 : i32
      %sign3A_880 = arith.cmpi slt, %jit3A_867, %sign3A_879 : i32
      %sign3A_881 = arith.extui %sign3A_880 : i1 to i32
      %sign3A_882 = arith.subi %sign3A_878, %sign3A_881 : i32
      %ne3A_883 = arith.cmpi ne, %sign3A_875, %sign3A_882 : i32
      %rem3A_884 = arith.remsi %add3A_723, %jit3A_867 : i32
      %ne3A_885 = arith.constant 0 : i32
      %ne3A_886 = arith.cmpi ne, %rem3A_884, %ne3A_885 : i32
      %and3A_887 = arith.andi %ne3A_883, %ne3A_886 : i1
      %sub3A_888 = arith.constant 1 : i32
      %sub3A_889 = arith.subi %div3A_868, %sub3A_888 : i32
      %select_n3A_890 = arith.select %and3A_887, %sub3A_889, %div3A_868 : i32
      %add3A_891 = arith.addi %select_n3A_890, %add3A : i32
      %jit3A_892 = arith.constant 16 : i32
      %eq3A_893 = arith.constant 0 : i32
      %eq3A_894 = arith.cmpi eq, %jit3A_892, %eq3A_893 : i32
      %jit3A_895 = arith.constant 1 : i32
      %select_n3A_896 = arith.select %eq3A_894, %jit3A_895, %jit3A_892 : i32
      %rem3A_897 = arith.remsi %add3A_891, %select_n3A_896 : i32
      %ne3A_898 = arith.constant 0 : i32
      %ne3A_899 = arith.cmpi ne, %rem3A_897, %ne3A_898 : i32
      %lt3A_900 = arith.constant 0 : i32
      %lt3A_901 = arith.cmpi slt, %rem3A_897, %lt3A_900 : i32
      %lt3A_902 = arith.constant 0 : i32
      %lt3A_903 = arith.cmpi slt, %select_n3A_896, %lt3A_902 : i32
      %ne3A_904 = arith.xori %lt3A_901, %lt3A_903 : i1
      %and3A_905 = arith.andi %ne3A_904, %ne3A_899 : i1
      %add3A_906 = arith.addi %rem3A_897, %select_n3A_896 : i32
      %select_n3A_907 = arith.select %and3A_905, %add3A_906, %rem3A_897 : i32
      %jit3A_908 = arith.constant 4 : i32
      %eq3A_909 = arith.constant 0 : i32
      %eq3A_910 = arith.cmpi eq, %jit3A_908, %eq3A_909 : i32
      %jit3A_911 = arith.constant 1 : i32
      %select_n3A_912 = arith.select %eq3A_910, %jit3A_911, %jit3A_908 : i32
      %rem3A_913 = arith.remsi %add3A_723, %select_n3A_912 : i32
      %ne3A_914 = arith.constant 0 : i32
      %ne3A_915 = arith.cmpi ne, %rem3A_913, %ne3A_914 : i32
      %lt3A_916 = arith.constant 0 : i32
      %lt3A_917 = arith.cmpi slt, %rem3A_913, %lt3A_916 : i32
      %lt3A_918 = arith.constant 0 : i32
      %lt3A_919 = arith.cmpi slt, %select_n3A_912, %lt3A_918 : i32
      %ne3A_920 = arith.xori %lt3A_917, %lt3A_919 : i1
      %and3A_921 = arith.andi %ne3A_920, %ne3A_915 : i1
      %add3A_922 = arith.addi %rem3A_913, %select_n3A_912 : i32
      %select_n3A_923 = arith.select %and3A_921, %add3A_922, %rem3A_913 : i32
      %mul3A_924 = arith.constant 64 : i32
      %mul3A_925 = arith.muli %select_n3A_923, %mul3A_924 : i32
      %add3A_926 = arith.addi %mul3A_2, %mul3A_925 : i32
      %dma_start3A_927 = arith.constant 0 : i32
      %dma_start3A_928 = tpu.memref_slice %arg5[%select_n3A_907, %add3A_926, %dma_start3A_927] : memref<16x8192x256xf32, #tpu.memory_space<hbm>> -> memref<1x64x256xf32, #tpu.memory_space<hbm>>
      %dma_start3A_929 = tpu.memref_squeeze %dma_start3A_928 : memref<1x64x256xf32, #tpu.memory_space<hbm>> -> memref<64x256xf32, #tpu.memory_space<hbm>>
      %dma_start3A_930 = arith.constant 0 : i32
      %dma_start3A_931 = tpu.memref_slice %arg5[%select_n3A_907, %add3A_926, %dma_start3A_930] : memref<16x8192x256xf32, #tpu.memory_space<hbm>> -> memref<1x64x256xf32, #tpu.memory_space<hbm>>
      %dma_start3A_932 = tpu.memref_squeeze %dma_start3A_931 : memref<1x64x256xf32, #tpu.memory_space<hbm>> -> memref<64x256xf32, #tpu.memory_space<hbm>>
      tpu.enqueue_dma source(%arg7 : memref<64x256xf32, #tpu.memory_space<vmem>>) target(%dma_start3A_932 : memref<64x256xf32, #tpu.memory_space<hbm>>) target_semaphore(%arg16 : memref<!tpu.dma_semaphore, #tpu.memory_space<semaphore_mem>>)
      %mul3A_933 = arith.constant 4 : i32
      %mul3A_934 = arith.muli %scan3A_719, %mul3A_933 : i32
      %add3A_935 = arith.constant 1 : i32
      %add3A_936 = arith.addi %mul3A_934, %add3A_935 : i32
      %dma_wait3A_937 = arith.constant 0 : i32
      %dma_wait3A_938 = arith.constant 0 : i32
      %dma_wait3A_939 = tpu.memref_slice %arg5[%dma_wait3A_937, %mul3A_2, %dma_wait3A_938] : memref<16x8192x256xf32, #tpu.memory_space<hbm>> -> memref<1x64x256xf32, #tpu.memory_space<hbm>>
      %dma_wait3A_940 = tpu.memref_squeeze %dma_wait3A_939 : memref<1x64x256xf32, #tpu.memory_space<hbm>> -> memref<64x256xf32, #tpu.memory_space<hbm>>
      %dma_wait3A_941 = arith.constant 0 : i32
      %dma_wait3A_942 = tpu.memref_slice %arg5[%dma_wait3A_937, %mul3A_2, %dma_wait3A_941] : memref<16x8192x256xf32, #tpu.memory_space<hbm>> -> memref<1x64x256xf32, #tpu.memory_space<hbm>>
      %dma_wait3A_943 = tpu.memref_squeeze %dma_wait3A_942 : memref<1x64x256xf32, #tpu.memory_space<hbm>> -> memref<64x256xf32, #tpu.memory_space<hbm>>
      tpu.wait_dma2 semaphore(%arg19 : memref<!tpu.dma_semaphore, #tpu.memory_space<semaphore_mem>>) src(%arg10 : memref<64x256xf32, #tpu.memory_space<vmem>>) dst(%dma_wait3A_943 : memref<64x256xf32, #tpu.memory_space<hbm>>)
      %add3A_944 = arith.constant 2 : i32
      %add3A_945 = arith.addi %add3A_936, %add3A_944 : i32
      %jit3A_946 = arith.constant 4 : i32
      %div3A_947 = arith.divsi %add3A_945, %jit3A_946 : i32
      %sign3A_948 = arith.constant 0 : i32
      %sign3A_949 = arith.cmpi sgt, %add3A_945, %sign3A_948 : i32
      %sign3A_950 = arith.extui %sign3A_949 : i1 to i32
      %sign3A_951 = arith.constant 0 : i32
      %sign3A_952 = arith.cmpi slt, %add3A_945, %sign3A_951 : i32
      %sign3A_953 = arith.extui %sign3A_952 : i1 to i32
      %sign3A_954 = arith.subi %sign3A_950, %sign3A_953 : i32
      %sign3A_955 = arith.constant 0 : i32
      %sign3A_956 = arith.cmpi sgt, %jit3A_946, %sign3A_955 : i32
      %sign3A_957 = arith.extui %sign3A_956 : i1 to i32
      %sign3A_958 = arith.constant 0 : i32
      %sign3A_959 = arith.cmpi slt, %jit3A_946, %sign3A_958 : i32
      %sign3A_960 = arith.extui %sign3A_959 : i1 to i32
      %sign3A_961 = arith.subi %sign3A_957, %sign3A_960 : i32
      %ne3A_962 = arith.cmpi ne, %sign3A_954, %sign3A_961 : i32
      %rem3A_963 = arith.remsi %add3A_945, %jit3A_946 : i32
      %ne3A_964 = arith.constant 0 : i32
      %ne3A_965 = arith.cmpi ne, %rem3A_963, %ne3A_964 : i32
      %and3A_966 = arith.andi %ne3A_962, %ne3A_965 : i1
      %sub3A_967 = arith.constant 1 : i32
      %sub3A_968 = arith.subi %div3A_947, %sub3A_967 : i32
      %select_n3A_969 = arith.select %and3A_966, %sub3A_968, %div3A_947 : i32
      %add3A_970 = arith.addi %select_n3A_969, %add3A : i32
      %jit3A_971 = arith.constant 16 : i32
      %eq3A_972 = arith.constant 0 : i32
      %eq3A_973 = arith.cmpi eq, %jit3A_971, %eq3A_972 : i32
      %jit3A_974 = arith.constant 1 : i32
      %select_n3A_975 = arith.select %eq3A_973, %jit3A_974, %jit3A_971 : i32
      %rem3A_976 = arith.remsi %add3A_970, %select_n3A_975 : i32
      %ne3A_977 = arith.constant 0 : i32
      %ne3A_978 = arith.cmpi ne, %rem3A_976, %ne3A_977 : i32
      %lt3A_979 = arith.constant 0 : i32
      %lt3A_980 = arith.cmpi slt, %rem3A_976, %lt3A_979 : i32
      %lt3A_981 = arith.constant 0 : i32
      %lt3A_982 = arith.cmpi slt, %select_n3A_975, %lt3A_981 : i32
      %ne3A_983 = arith.xori %lt3A_980, %lt3A_982 : i1
      %and3A_984 = arith.andi %ne3A_983, %ne3A_978 : i1
      %add3A_985 = arith.addi %rem3A_976, %select_n3A_975 : i32
      %select_n3A_986 = arith.select %and3A_984, %add3A_985, %rem3A_976 : i32
      %jit3A_987 = arith.constant 4 : i32
      %eq3A_988 = arith.constant 0 : i32
      %eq3A_989 = arith.cmpi eq, %jit3A_987, %eq3A_988 : i32
      %jit3A_990 = arith.constant 1 : i32
      %select_n3A_991 = arith.select %eq3A_989, %jit3A_990, %jit3A_987 : i32
      %rem3A_992 = arith.remsi %add3A_945, %select_n3A_991 : i32
      %ne3A_993 = arith.constant 0 : i32
      %ne3A_994 = arith.cmpi ne, %rem3A_992, %ne3A_993 : i32
      %lt3A_995 = arith.constant 0 : i32
      %lt3A_996 = arith.cmpi slt, %rem3A_992, %lt3A_995 : i32
      %lt3A_997 = arith.constant 0 : i32
      %lt3A_998 = arith.cmpi slt, %select_n3A_991, %lt3A_997 : i32
      %ne3A_999 = arith.xori %lt3A_996, %lt3A_998 : i1
      %and3A_1000 = arith.andi %ne3A_999, %ne3A_994 : i1
      %add3A_1001 = arith.addi %rem3A_992, %select_n3A_991 : i32
      %select_n3A_1002 = arith.select %and3A_1000, %add3A_1001, %rem3A_992 : i32
      %mul3A_1003 = arith.constant 64 : i32
      %mul3A_1004 = arith.muli %select_n3A_1002, %mul3A_1003 : i32
      %add3A_1005 = arith.addi %mul3A_2, %mul3A_1004 : i32
      %dma_start3A_1006 = arith.constant 0 : i32
      %dma_start3A_1007 = tpu.memref_slice %arg3[%select_n3A_986, %add3A_1005, %dma_start3A_1006] : memref<16x8192x256xf32, #tpu.memory_space<hbm>> -> memref<1x64x256xf32, #tpu.memory_space<hbm>>
      %dma_start3A_1008 = tpu.memref_squeeze %dma_start3A_1007 : memref<1x64x256xf32, #tpu.memory_space<hbm>> -> memref<64x256xf32, #tpu.memory_space<hbm>>
      %dma_start3A_1009 = arith.constant 0 : i32
      %dma_start3A_1010 = tpu.memref_slice %arg3[%select_n3A_986, %add3A_1005, %dma_start3A_1009] : memref<16x8192x256xf32, #tpu.memory_space<hbm>> -> memref<1x64x256xf32, #tpu.memory_space<hbm>>
      %dma_start3A_1011 = tpu.memref_squeeze %dma_start3A_1010 : memref<1x64x256xf32, #tpu.memory_space<hbm>> -> memref<64x256xf32, #tpu.memory_space<hbm>>
      tpu.enqueue_dma source(%dma_start3A_1011 : memref<64x256xf32, #tpu.memory_space<hbm>>) target(%arg10 : memref<64x256xf32, #tpu.memory_space<vmem>>) target_semaphore(%arg15 : memref<!tpu.dma_semaphore, #tpu.memory_space<semaphore_mem>>)
      %dma_wait3A_1012 = arith.constant 0 : i32
      %dma_wait3A_1013 = arith.constant 0 : i32
      %dma_wait3A_1014 = tpu.memref_slice %arg3[%dma_wait3A_1012, %mul3A_2, %dma_wait3A_1013] : memref<16x8192x256xf32, #tpu.memory_space<hbm>> -> memref<1x64x256xf32, #tpu.memory_space<hbm>>
      %dma_wait3A_1015 = tpu.memref_squeeze %dma_wait3A_1014 : memref<1x64x256xf32, #tpu.memory_space<hbm>> -> memref<64x256xf32, #tpu.memory_space<hbm>>
      %dma_wait3A_1016 = arith.constant 0 : i32
      %dma_wait3A_1017 = tpu.memref_slice %arg3[%dma_wait3A_1012, %mul3A_2, %dma_wait3A_1016] : memref<16x8192x256xf32, #tpu.memory_space<hbm>> -> memref<1x64x256xf32, #tpu.memory_space<hbm>>
      %dma_wait3A_1018 = tpu.memref_squeeze %dma_wait3A_1017 : memref<1x64x256xf32, #tpu.memory_space<hbm>> -> memref<64x256xf32, #tpu.memory_space<hbm>>
      tpu.wait_dma2 semaphore(%arg13 : memref<!tpu.dma_semaphore, #tpu.memory_space<semaphore_mem>>) src(%dma_wait3A_1018 : memref<64x256xf32, #tpu.memory_space<hbm>>) dst(%arg8 : memref<64x256xf32, #tpu.memory_space<vmem>>)
      %jit3A_1019 = arith.constant 4 : i32
      %div3A_1020 = arith.divsi %add3A_936, %jit3A_1019 : i32
      %sign3A_1021 = arith.constant 0 : i32
      %sign3A_1022 = arith.cmpi sgt, %add3A_936, %sign3A_1021 : i32
      %sign3A_1023 = arith.extui %sign3A_1022 : i1 to i32
      %sign3A_1024 = arith.constant 0 : i32
      %sign3A_1025 = arith.cmpi slt, %add3A_936, %sign3A_1024 : i32
      %sign3A_1026 = arith.extui %sign3A_1025 : i1 to i32
      %sign3A_1027 = arith.subi %sign3A_1023, %sign3A_1026 : i32
      %sign3A_1028 = arith.constant 0 : i32
      %sign3A_1029 = arith.cmpi sgt, %jit3A_1019, %sign3A_1028 : i32
      %sign3A_1030 = arith.extui %sign3A_1029 : i1 to i32
      %sign3A_1031 = arith.constant 0 : i32
      %sign3A_1032 = arith.cmpi slt, %jit3A_1019, %sign3A_1031 : i32
      %sign3A_1033 = arith.extui %sign3A_1032 : i1 to i32
      %sign3A_1034 = arith.subi %sign3A_1030, %sign3A_1033 : i32
      %ne3A_1035 = arith.cmpi ne, %sign3A_1027, %sign3A_1034 : i32
      %rem3A_1036 = arith.remsi %add3A_936, %jit3A_1019 : i32
      %ne3A_1037 = arith.constant 0 : i32
      %ne3A_1038 = arith.cmpi ne, %rem3A_1036, %ne3A_1037 : i32
      %and3A_1039 = arith.andi %ne3A_1035, %ne3A_1038 : i1
      %sub3A_1040 = arith.constant 1 : i32
      %sub3A_1041 = arith.subi %div3A_1020, %sub3A_1040 : i32
      %select_n3A_1042 = arith.select %and3A_1039, %sub3A_1041, %div3A_1020 : i32
      %add3A_1043 = arith.addi %select_n3A_1042, %add3A : i32
      %jit3A_1044 = arith.constant 16 : i32
      %eq3A_1045 = arith.constant 0 : i32
      %eq3A_1046 = arith.cmpi eq, %jit3A_1044, %eq3A_1045 : i32
      %jit3A_1047 = arith.constant 1 : i32
      %select_n3A_1048 = arith.select %eq3A_1046, %jit3A_1047, %jit3A_1044 : i32
      %rem3A_1049 = arith.remsi %add3A_1043, %select_n3A_1048 : i32
      %ne3A_1050 = arith.constant 0 : i32
      %ne3A_1051 = arith.cmpi ne, %rem3A_1049, %ne3A_1050 : i32
      %lt3A_1052 = arith.constant 0 : i32
      %lt3A_1053 = arith.cmpi slt, %rem3A_1049, %lt3A_1052 : i32
      %lt3A_1054 = arith.constant 0 : i32
      %lt3A_1055 = arith.cmpi slt, %select_n3A_1048, %lt3A_1054 : i32
      %ne3A_1056 = arith.xori %lt3A_1053, %lt3A_1055 : i1
      %and3A_1057 = arith.andi %ne3A_1056, %ne3A_1051 : i1
      %add3A_1058 = arith.addi %rem3A_1049, %select_n3A_1048 : i32
      %select_n3A_1059 = arith.select %and3A_1057, %add3A_1058, %rem3A_1049 : i32
      %jit3A_1060 = arith.constant 4 : i32
      %eq3A_1061 = arith.constant 0 : i32
      %eq3A_1062 = arith.cmpi eq, %jit3A_1060, %eq3A_1061 : i32
      %jit3A_1063 = arith.constant 1 : i32
      %select_n3A_1064 = arith.select %eq3A_1062, %jit3A_1063, %jit3A_1060 : i32
      %rem3A_1065 = arith.remsi %add3A_936, %select_n3A_1064 : i32
      %ne3A_1066 = arith.constant 0 : i32
      %ne3A_1067 = arith.cmpi ne, %rem3A_1065, %ne3A_1066 : i32
      %lt3A_1068 = arith.constant 0 : i32
      %lt3A_1069 = arith.cmpi slt, %rem3A_1065, %lt3A_1068 : i32
      %lt3A_1070 = arith.constant 0 : i32
      %lt3A_1071 = arith.cmpi slt, %select_n3A_1064, %lt3A_1070 : i32
      %ne3A_1072 = arith.xori %lt3A_1069, %lt3A_1071 : i1
      %and3A_1073 = arith.andi %ne3A_1072, %ne3A_1067 : i1
      %add3A_1074 = arith.addi %rem3A_1065, %select_n3A_1064 : i32
      %select_n3A_1075 = arith.select %and3A_1073, %add3A_1074, %rem3A_1065 : i32
      %mul3A_1076 = arith.constant 64 : i32
      %mul3A_1077 = arith.muli %select_n3A_1075, %mul3A_1076 : i32
      %add3A_1078 = arith.addi %mul3A_2, %mul3A_1077 : i32
      %eq3A_1079 = arith.cmpi eq, %select_n3A_1059, %squeeze3A : i32
      %convert_element_type3A_1080 = arith.extui %eq3A_1079 : i1 to i32
      %cond3A_1081 = arith.constant 0 : i32
      %cond3A_1082 = arith.cmpi ne, %convert_element_type3A_1080, %cond3A_1081 : i32
      scf.if %cond3A_1082 {
        "tpu.region"() ({
          %run_scoped3A = tpu.sem_alloc : memref<!tpu.dma_semaphore, #tpu.memory_space<semaphore_mem>>
          %dma_start3A_1587 = arith.constant 0 : i32
          %dma_start3A_1588 = tpu.memref_slice %arg4[%add3A_1078, %dma_start3A_1587] : memref<8192x256xf32, #tpu.memory_space<hbm>> -> memref<64x256xf32, #tpu.memory_space<hbm>>
          %dma_start3A_1589 = arith.constant 0 : i32
          %dma_start3A_1590 = tpu.memref_slice %arg4[%add3A_1078, %dma_start3A_1589] : memref<8192x256xf32, #tpu.memory_space<hbm>> -> memref<64x256xf32, #tpu.memory_space<hbm>>
          tpu.enqueue_dma source(%dma_start3A_1590 : memref<64x256xf32, #tpu.memory_space<hbm>>) target(%arg11 : memref<64x256xf32, #tpu.memory_space<vmem>>) target_semaphore(%run_scoped3A : memref<!tpu.dma_semaphore, #tpu.memory_space<semaphore_mem>>)
          %dma_wait3A_1591 = arith.constant 0 : i32
          %dma_wait3A_1592 = tpu.memref_slice %arg4[%add3A_1078, %dma_wait3A_1591] : memref<8192x256xf32, #tpu.memory_space<hbm>> -> memref<64x256xf32, #tpu.memory_space<hbm>>
          %dma_wait3A_1593 = arith.constant 0 : i32
          %dma_wait3A_1594 = tpu.memref_slice %arg4[%add3A_1078, %dma_wait3A_1593] : memref<8192x256xf32, #tpu.memory_space<hbm>> -> memref<64x256xf32, #tpu.memory_space<hbm>>
          tpu.wait_dma2 semaphore(%run_scoped3A : memref<!tpu.dma_semaphore, #tpu.memory_space<semaphore_mem>>) src(%dma_wait3A_1594 : memref<64x256xf32, #tpu.memory_space<hbm>>) dst(%arg11 : memref<64x256xf32, #tpu.memory_space<vmem>>)
          tpu.yield
        }) : () -> ()
        %scan3A_1581 = arith.constant 0 : i32
        %scan3A_1582 = arith.constant 0 : i32
        %scan3A_1583 = arith.constant 1024 : i32
        %scan3A_1584 = arith.addi %scan3A_1582, %scan3A_1583 : i32
        %scan3A_1585 = arith.constant 1 : i32
        scf.for %scan3A_1587 = %scan3A_1582 to %scan3A_1584 step %scan3A_1585  : i32 {
          %jit3A_1588 = arith.constant 16 : i32
          %div3A_1589 = arith.divsi %scan3A_1587, %jit3A_1588 : i32
          %sign3A_1590 = arith.constant 0 : i32
          %sign3A_1591 = arith.cmpi sgt, %scan3A_1587, %sign3A_1590 : i32
          %sign3A_1592 = arith.extui %sign3A_1591 : i1 to i32
          %sign3A_1593 = arith.constant 0 : i32
          %sign3A_1594 = arith.cmpi slt, %scan3A_1587, %sign3A_1593 : i32
          %sign3A_1595 = arith.extui %sign3A_1594 : i1 to i32
          %sign3A_1596 = arith.subi %sign3A_1592, %sign3A_1595 : i32
          %sign3A_1597 = arith.constant 0 : i32
          %sign3A_1598 = arith.cmpi sgt, %jit3A_1588, %sign3A_1597 : i32
          %sign3A_1599 = arith.extui %sign3A_1598 : i1 to i32
          %sign3A_1600 = arith.constant 0 : i32
          %sign3A_1601 = arith.cmpi slt, %jit3A_1588, %sign3A_1600 : i32
          %sign3A_1602 = arith.extui %sign3A_1601 : i1 to i32
          %sign3A_1603 = arith.subi %sign3A_1599, %sign3A_1602 : i32
          %ne3A_1604 = arith.cmpi ne, %sign3A_1596, %sign3A_1603 : i32
          %rem3A_1605 = arith.remsi %scan3A_1587, %jit3A_1588 : i32
          %ne3A_1606 = arith.constant 0 : i32
          %ne3A_1607 = arith.cmpi ne, %rem3A_1605, %ne3A_1606 : i32
          %and3A_1608 = arith.andi %ne3A_1604, %ne3A_1607 : i1
          %sub3A_1609 = arith.constant 1 : i32
          %sub3A_1610 = arith.subi %div3A_1589, %sub3A_1609 : i32
          %select_n3A_1611 = arith.select %and3A_1608, %sub3A_1610, %div3A_1589 : i32
          %jit3A_1612 = arith.constant 16 : i32
          %eq3A_1613 = arith.constant 0 : i32
          %eq3A_1614 = arith.cmpi eq, %jit3A_1612, %eq3A_1613 : i32
          %jit3A_1615 = arith.constant 1 : i32
          %select_n3A_1616 = arith.select %eq3A_1614, %jit3A_1615, %jit3A_1612 : i32
          %rem3A_1617 = arith.remsi %scan3A_1587, %select_n3A_1616 : i32
          %ne3A_1618 = arith.constant 0 : i32
          %ne3A_1619 = arith.cmpi ne, %rem3A_1617, %ne3A_1618 : i32
          %lt3A_1620 = arith.constant 0 : i32
          %lt3A_1621 = arith.cmpi slt, %rem3A_1617, %lt3A_1620 : i32
          %lt3A_1622 = arith.constant 0 : i32
          %lt3A_1623 = arith.cmpi slt, %select_n3A_1616, %lt3A_1622 : i32
          %ne3A_1624 = arith.xori %lt3A_1621, %lt3A_1623 : i1
          %and3A_1625 = arith.andi %ne3A_1624, %ne3A_1619 : i1
          %add3A_1626 = arith.addi %rem3A_1617, %select_n3A_1616 : i32
          %select_n3A_1627 = arith.select %and3A_1625, %add3A_1626, %rem3A_1617 : i32
          %mul3A_1628 = arith.constant 16 : i32
          %mul3A_1629 = arith.muli %select_n3A_1627, %mul3A_1628 : i32
          %get3A_1630 = arith.index_cast %select_n3A_1611 : i32 to index
          %get3A_1631 = arith.index_cast %mul3A_1629 : i32 to index
          %get3A_1632 = tpu.vector_load %arg8[%get3A_1630, %get3A_1631] {strides = array<i32>} : memref<64x256xf32, #tpu.memory_space<vmem>>, vector<1x16xf32>,
          %get3A_1633 = vector.shape_cast %get3A_1632 : vector<1x16xf32> to vector<16xf32>
          %get3A_1634 = arith.index_cast %select_n3A_1611 : i32 to index
          %get3A_1635 = arith.index_cast %mul3A_1629 : i32 to index
          %get3A_1636 = tpu.vector_load %arg11[%get3A_1634, %get3A_1635] {strides = array<i32>} : memref<64x256xf32, #tpu.memory_space<vmem>>, vector<1x16xf32>,
          %get3A_1637 = vector.shape_cast %get3A_1636 : vector<1x16xf32> to vector<16xf32>
          %mul3A_1638 = arith.constant 6.250000e-02 : f32
          %mul3A_1639 = vector.broadcast %mul3A_1638 : f32 to vector<16xf32>
          %mul3A_1640 = arith.mulf %get3A_1637, %mul3A_1639 : vector<16xf32>
          %add3A_1641 = arith.addf %get3A_1633, %mul3A_1640 : vector<16xf32>
          %swap3A = arith.index_cast %select_n3A_1611 : i32 to index
          %swap3A_1642 = arith.index_cast %mul3A_1629 : i32 to index
          %swap3A_1643 = tpu.vector_load %arg8[%swap3A, %swap3A_1642] {strides = array<i32>} : memref<64x256xf32, #tpu.memory_space<vmem>>, vector<1x16xf32>,
          %swap3A_1644 = vector.shape_cast %swap3A_1643 : vector<1x16xf32> to vector<16xf32>
          %swap3A_1645 = vector.shape_cast %add3A_1641 : vector<16xf32> to vector<1x16xf32>
          tpu.vector_store %arg8[%swap3A, %swap3A_1642], %swap3A_1645 {strides = array<i32>} : memref<64x256xf32, #tpu.memory_space<vmem>>, vector<1x16xf32>,
        }
        %scan3A_1586 = arith.constant 1024 : i32
      } else {
      }
      %jit3A_1083 = arith.constant 4 : i32
      %div3A_1084 = arith.divsi %add3A_936, %jit3A_1083 : i32
      %sign3A_1085 = arith.constant 0 : i32
      %sign3A_1086 = arith.cmpi sgt, %add3A_936, %sign3A_1085 : i32
      %sign3A_1087 = arith.extui %sign3A_1086 : i1 to i32
      %sign3A_1088 = arith.constant 0 : i32
      %sign3A_1089 = arith.cmpi slt, %add3A_936, %sign3A_1088 : i32
      %sign3A_1090 = arith.extui %sign3A_1089 : i1 to i32
      %sign3A_1091 = arith.subi %sign3A_1087, %sign3A_1090 : i32
      %sign3A_1092 = arith.constant 0 : i32
      %sign3A_1093 = arith.cmpi sgt, %jit3A_1083, %sign3A_1092 : i32
      %sign3A_1094 = arith.extui %sign3A_1093 : i1 to i32
      %sign3A_1095 = arith.constant 0 : i32
      %sign3A_1096 = arith.cmpi slt, %jit3A_1083, %sign3A_1095 : i32
      %sign3A_1097 = arith.extui %sign3A_1096 : i1 to i32
      %sign3A_1098 = arith.subi %sign3A_1094, %sign3A_1097 : i32
      %ne3A_1099 = arith.cmpi ne, %sign3A_1091, %sign3A_1098 : i32
      %rem3A_1100 = arith.remsi %add3A_936, %jit3A_1083 : i32
      %ne3A_1101 = arith.constant 0 : i32
      %ne3A_1102 = arith.cmpi ne, %rem3A_1100, %ne3A_1101 : i32
      %and3A_1103 = arith.andi %ne3A_1099, %ne3A_1102 : i1
      %sub3A_1104 = arith.constant 1 : i32
      %sub3A_1105 = arith.subi %div3A_1084, %sub3A_1104 : i32
      %select_n3A_1106 = arith.select %and3A_1103, %sub3A_1105, %div3A_1084 : i32
      %add3A_1107 = arith.addi %select_n3A_1106, %add3A : i32
      %jit3A_1108 = arith.constant 16 : i32
      %eq3A_1109 = arith.constant 0 : i32
      %eq3A_1110 = arith.cmpi eq, %jit3A_1108, %eq3A_1109 : i32
      %jit3A_1111 = arith.constant 1 : i32
      %select_n3A_1112 = arith.select %eq3A_1110, %jit3A_1111, %jit3A_1108 : i32
      %rem3A_1113 = arith.remsi %add3A_1107, %select_n3A_1112 : i32
      %ne3A_1114 = arith.constant 0 : i32
      %ne3A_1115 = arith.cmpi ne, %rem3A_1113, %ne3A_1114 : i32
      %lt3A_1116 = arith.constant 0 : i32
      %lt3A_1117 = arith.cmpi slt, %rem3A_1113, %lt3A_1116 : i32
      %lt3A_1118 = arith.constant 0 : i32
      %lt3A_1119 = arith.cmpi slt, %select_n3A_1112, %lt3A_1118 : i32
      %ne3A_1120 = arith.xori %lt3A_1117, %lt3A_1119 : i1
      %and3A_1121 = arith.andi %ne3A_1120, %ne3A_1115 : i1
      %add3A_1122 = arith.addi %rem3A_1113, %select_n3A_1112 : i32
      %select_n3A_1123 = arith.select %and3A_1121, %add3A_1122, %rem3A_1113 : i32
      %jit3A_1124 = arith.constant 4 : i32
      %eq3A_1125 = arith.constant 0 : i32
      %eq3A_1126 = arith.cmpi eq, %jit3A_1124, %eq3A_1125 : i32
      %jit3A_1127 = arith.constant 1 : i32
      %select_n3A_1128 = arith.select %eq3A_1126, %jit3A_1127, %jit3A_1124 : i32
      %rem3A_1129 = arith.remsi %add3A_936, %select_n3A_1128 : i32
      %ne3A_1130 = arith.constant 0 : i32
      %ne3A_1131 = arith.cmpi ne, %rem3A_1129, %ne3A_1130 : i32
      %lt3A_1132 = arith.constant 0 : i32
      %lt3A_1133 = arith.cmpi slt, %rem3A_1129, %lt3A_1132 : i32
      %lt3A_1134 = arith.constant 0 : i32
      %lt3A_1135 = arith.cmpi slt, %select_n3A_1128, %lt3A_1134 : i32
      %ne3A_1136 = arith.xori %lt3A_1133, %lt3A_1135 : i1
      %and3A_1137 = arith.andi %ne3A_1136, %ne3A_1131 : i1
      %add3A_1138 = arith.addi %rem3A_1129, %select_n3A_1128 : i32
      %select_n3A_1139 = arith.select %and3A_1137, %add3A_1138, %rem3A_1129 : i32
      %mul3A_1140 = arith.constant 64 : i32
      %mul3A_1141 = arith.muli %select_n3A_1139, %mul3A_1140 : i32
      %add3A_1142 = arith.addi %mul3A_2, %mul3A_1141 : i32
      %dma_start3A_1143 = arith.constant 0 : i32
      %dma_start3A_1144 = tpu.memref_slice %arg5[%select_n3A_1123, %add3A_1142, %dma_start3A_1143] : memref<16x8192x256xf32, #tpu.memory_space<hbm>> -> memref<1x64x256xf32, #tpu.memory_space<hbm>>
      %dma_start3A_1145 = tpu.memref_squeeze %dma_start3A_1144 : memref<1x64x256xf32, #tpu.memory_space<hbm>> -> memref<64x256xf32, #tpu.memory_space<hbm>>
      %dma_start3A_1146 = arith.constant 0 : i32
      %dma_start3A_1147 = tpu.memref_slice %arg5[%select_n3A_1123, %add3A_1142, %dma_start3A_1146] : memref<16x8192x256xf32, #tpu.memory_space<hbm>> -> memref<1x64x256xf32, #tpu.memory_space<hbm>>
      %dma_start3A_1148 = tpu.memref_squeeze %dma_start3A_1147 : memref<1x64x256xf32, #tpu.memory_space<hbm>> -> memref<64x256xf32, #tpu.memory_space<hbm>>
      tpu.enqueue_dma source(%arg8 : memref<64x256xf32, #tpu.memory_space<vmem>>) target(%dma_start3A_1148 : memref<64x256xf32, #tpu.memory_space<hbm>>) target_semaphore(%arg17 : memref<!tpu.dma_semaphore, #tpu.memory_space<semaphore_mem>>)
      %mul3A_1149 = arith.constant 4 : i32
      %mul3A_1150 = arith.muli %scan3A_719, %mul3A_1149 : i32
      %add3A_1151 = arith.constant 2 : i32
      %add3A_1152 = arith.addi %mul3A_1150, %add3A_1151 : i32
      %dma_wait3A_1153 = arith.constant 0 : i32
      %dma_wait3A_1154 = arith.constant 0 : i32
      %dma_wait3A_1155 = tpu.memref_slice %arg5[%dma_wait3A_1153, %mul3A_2, %dma_wait3A_1154] : memref<16x8192x256xf32, #tpu.memory_space<hbm>> -> memref<1x64x256xf32, #tpu.memory_space<hbm>>
      %dma_wait3A_1156 = tpu.memref_squeeze %dma_wait3A_1155 : memref<1x64x256xf32, #tpu.memory_space<hbm>> -> memref<64x256xf32, #tpu.memory_space<hbm>>
      %dma_wait3A_1157 = arith.constant 0 : i32
      %dma_wait3A_1158 = tpu.memref_slice %arg5[%dma_wait3A_1153, %mul3A_2, %dma_wait3A_1157] : memref<16x8192x256xf32, #tpu.memory_space<hbm>> -> memref<1x64x256xf32, #tpu.memory_space<hbm>>
      %dma_wait3A_1159 = tpu.memref_squeeze %dma_wait3A_1158 : memref<1x64x256xf32, #tpu.memory_space<hbm>> -> memref<64x256xf32, #tpu.memory_space<hbm>>
      tpu.wait_dma2 semaphore(%arg16 : memref<!tpu.dma_semaphore, #tpu.memory_space<semaphore_mem>>) src(%arg7 : memref<64x256xf32, #tpu.memory_space<vmem>>) dst(%dma_wait3A_1159 : memref<64x256xf32, #tpu.memory_space<hbm>>)
      %add3A_1160 = arith.constant 2 : i32
      %add3A_1161 = arith.addi %add3A_1152, %add3A_1160 : i32
      %jit3A_1162 = arith.constant 4 : i32
      %div3A_1163 = arith.divsi %add3A_1161, %jit3A_1162 : i32
      %sign3A_1164 = arith.constant 0 : i32
      %sign3A_1165 = arith.cmpi sgt, %add3A_1161, %sign3A_1164 : i32
      %sign3A_1166 = arith.extui %sign3A_1165 : i1 to i32
      %sign3A_1167 = arith.constant 0 : i32
      %sign3A_1168 = arith.cmpi slt, %add3A_1161, %sign3A_1167 : i32
      %sign3A_1169 = arith.extui %sign3A_1168 : i1 to i32
      %sign3A_1170 = arith.subi %sign3A_1166, %sign3A_1169 : i32
      %sign3A_1171 = arith.constant 0 : i32
      %sign3A_1172 = arith.cmpi sgt, %jit3A_1162, %sign3A_1171 : i32
      %sign3A_1173 = arith.extui %sign3A_1172 : i1 to i32
      %sign3A_1174 = arith.constant 0 : i32
      %sign3A_1175 = arith.cmpi slt, %jit3A_1162, %sign3A_1174 : i32
      %sign3A_1176 = arith.extui %sign3A_1175 : i1 to i32
      %sign3A_1177 = arith.subi %sign3A_1173, %sign3A_1176 : i32
      %ne3A_1178 = arith.cmpi ne, %sign3A_1170, %sign3A_1177 : i32
      %rem3A_1179 = arith.remsi %add3A_1161, %jit3A_1162 : i32
      %ne3A_1180 = arith.constant 0 : i32
      %ne3A_1181 = arith.cmpi ne, %rem3A_1179, %ne3A_1180 : i32
      %and3A_1182 = arith.andi %ne3A_1178, %ne3A_1181 : i1
      %sub3A_1183 = arith.constant 1 : i32
      %sub3A_1184 = arith.subi %div3A_1163, %sub3A_1183 : i32
      %select_n3A_1185 = arith.select %and3A_1182, %sub3A_1184, %div3A_1163 : i32
      %add3A_1186 = arith.addi %select_n3A_1185, %add3A : i32
      %jit3A_1187 = arith.constant 16 : i32
      %eq3A_1188 = arith.constant 0 : i32
      %eq3A_1189 = arith.cmpi eq, %jit3A_1187, %eq3A_1188 : i32
      %jit3A_1190 = arith.constant 1 : i32
      %select_n3A_1191 = arith.select %eq3A_1189, %jit3A_1190, %jit3A_1187 : i32
      %rem3A_1192 = arith.remsi %add3A_1186, %select_n3A_1191 : i32
      %ne3A_1193 = arith.constant 0 : i32
      %ne3A_1194 = arith.cmpi ne, %rem3A_1192, %ne3A_1193 : i32
      %lt3A_1195 = arith.constant 0 : i32
      %lt3A_1196 = arith.cmpi slt, %rem3A_1192, %lt3A_1195 : i32
      %lt3A_1197 = arith.constant 0 : i32
      %lt3A_1198 = arith.cmpi slt, %select_n3A_1191, %lt3A_1197 : i32
      %ne3A_1199 = arith.xori %lt3A_1196, %lt3A_1198 : i1
      %and3A_1200 = arith.andi %ne3A_1199, %ne3A_1194 : i1
      %add3A_1201 = arith.addi %rem3A_1192, %select_n3A_1191 : i32
      %select_n3A_1202 = arith.select %and3A_1200, %add3A_1201, %rem3A_1192 : i32
      %jit3A_1203 = arith.constant 4 : i32
      %eq3A_1204 = arith.constant 0 : i32
      %eq3A_1205 = arith.cmpi eq, %jit3A_1203, %eq3A_1204 : i32
      %jit3A_1206 = arith.constant 1 : i32
      %select_n3A_1207 = arith.select %eq3A_1205, %jit3A_1206, %jit3A_1203 : i32
      %rem3A_1208 = arith.remsi %add3A_1161, %select_n3A_1207 : i32
      %ne3A_1209 = arith.constant 0 : i32
      %ne3A_1210 = arith.cmpi ne, %rem3A_1208, %ne3A_1209 : i32
      %lt3A_1211 = arith.constant 0 : i32
      %lt3A_1212 = arith.cmpi slt, %rem3A_1208, %lt3A_1211 : i32
      %lt3A_1213 = arith.constant 0 : i32
      %lt3A_1214 = arith.cmpi slt, %select_n3A_1207, %lt3A_1213 : i32
      %ne3A_1215 = arith.xori %lt3A_1212, %lt3A_1214 : i1
      %and3A_1216 = arith.andi %ne3A_1215, %ne3A_1210 : i1
      %add3A_1217 = arith.addi %rem3A_1208, %select_n3A_1207 : i32
      %select_n3A_1218 = arith.select %and3A_1216, %add3A_1217, %rem3A_1208 : i32
      %mul3A_1219 = arith.constant 64 : i32
      %mul3A_1220 = arith.muli %select_n3A_1218, %mul3A_1219 : i32
      %add3A_1221 = arith.addi %mul3A_2, %mul3A_1220 : i32
      %dma_start3A_1222 = arith.constant 0 : i32
      %dma_start3A_1223 = tpu.memref_slice %arg3[%select_n3A_1202, %add3A_1221, %dma_start3A_1222] : memref<16x8192x256xf32, #tpu.memory_space<hbm>> -> memref<1x64x256xf32, #tpu.memory_space<hbm>>
      %dma_start3A_1224 = tpu.memref_squeeze %dma_start3A_1223 : memref<1x64x256xf32, #tpu.memory_space<hbm>> -> memref<64x256xf32, #tpu.memory_space<hbm>>
      %dma_start3A_1225 = arith.constant 0 : i32
      %dma_start3A_1226 = tpu.memref_slice %arg3[%select_n3A_1202, %add3A_1221, %dma_start3A_1225] : memref<16x8192x256xf32, #tpu.memory_space<hbm>> -> memref<1x64x256xf32, #tpu.memory_space<hbm>>
      %dma_start3A_1227 = tpu.memref_squeeze %dma_start3A_1226 : memref<1x64x256xf32, #tpu.memory_space<hbm>> -> memref<64x256xf32, #tpu.memory_space<hbm>>
      tpu.enqueue_dma source(%dma_start3A_1227 : memref<64x256xf32, #tpu.memory_space<hbm>>) target(%arg7 : memref<64x256xf32, #tpu.memory_space<vmem>>) target_semaphore(%arg12 : memref<!tpu.dma_semaphore, #tpu.memory_space<semaphore_mem>>)
      %dma_wait3A_1228 = arith.constant 0 : i32
      %dma_wait3A_1229 = arith.constant 0 : i32
      %dma_wait3A_1230 = tpu.memref_slice %arg3[%dma_wait3A_1228, %mul3A_2, %dma_wait3A_1229] : memref<16x8192x256xf32, #tpu.memory_space<hbm>> -> memref<1x64x256xf32, #tpu.memory_space<hbm>>
      %dma_wait3A_1231 = tpu.memref_squeeze %dma_wait3A_1230 : memref<1x64x256xf32, #tpu.memory_space<hbm>> -> memref<64x256xf32, #tpu.memory_space<hbm>>
      %dma_wait3A_1232 = arith.constant 0 : i32
      %dma_wait3A_1233 = tpu.memref_slice %arg3[%dma_wait3A_1228, %mul3A_2, %dma_wait3A_1232] : memref<16x8192x256xf32, #tpu.memory_space<hbm>> -> memref<1x64x256xf32, #tpu.memory_space<hbm>>
      %dma_wait3A_1234 = tpu.memref_squeeze %dma_wait3A_1233 : memref<1x64x256xf32, #tpu.memory_space<hbm>> -> memref<64x256xf32, #tpu.memory_space<hbm>>
      tpu.wait_dma2 semaphore(%arg14 : memref<!tpu.dma_semaphore, #tpu.memory_space<semaphore_mem>>) src(%dma_wait3A_1234 : memref<64x256xf32, #tpu.memory_space<hbm>>) dst(%arg9 : memref<64x256xf32, #tpu.memory_space<vmem>>)
      %jit3A_1235 = arith.constant 4 : i32
      %div3A_1236 = arith.divsi %add3A_1152, %jit3A_1235 : i32
      %sign3A_1237 = arith.constant 0 : i32
      %sign3A_1238 = arith.cmpi sgt, %add3A_1152, %sign3A_1237 : i32
      %sign3A_1239 = arith.extui %sign3A_1238 : i1 to i32
      %sign3A_1240 = arith.constant 0 : i32
      %sign3A_1241 = arith.cmpi slt, %add3A_1152, %sign3A_1240 : i32
      %sign3A_1242 = arith.extui %sign3A_1241 : i1 to i32
      %sign3A_1243 = arith.subi %sign3A_1239, %sign3A_1242 : i32
      %sign3A_1244 = arith.constant 0 : i32
      %sign3A_1245 = arith.cmpi sgt, %jit3A_1235, %sign3A_1244 : i32
      %sign3A_1246 = arith.extui %sign3A_1245 : i1 to i32
      %sign3A_1247 = arith.constant 0 : i32
      %sign3A_1248 = arith.cmpi slt, %jit3A_1235, %sign3A_1247 : i32
      %sign3A_1249 = arith.extui %sign3A_1248 : i1 to i32
      %sign3A_1250 = arith.subi %sign3A_1246, %sign3A_1249 : i32
      %ne3A_1251 = arith.cmpi ne, %sign3A_1243, %sign3A_1250 : i32
      %rem3A_1252 = arith.remsi %add3A_1152, %jit3A_1235 : i32
      %ne3A_1253 = arith.constant 0 : i32
      %ne3A_1254 = arith.cmpi ne, %rem3A_1252, %ne3A_1253 : i32
      %and3A_1255 = arith.andi %ne3A_1251, %ne3A_1254 : i1
      %sub3A_1256 = arith.constant 1 : i32
      %sub3A_1257 = arith.subi %div3A_1236, %sub3A_1256 : i32
      %select_n3A_1258 = arith.select %and3A_1255, %sub3A_1257, %div3A_1236 : i32
      %add3A_1259 = arith.addi %select_n3A_1258, %add3A : i32
      %jit3A_1260 = arith.constant 16 : i32
      %eq3A_1261 = arith.constant 0 : i32
      %eq3A_1262 = arith.cmpi eq, %jit3A_1260, %eq3A_1261 : i32
      %jit3A_1263 = arith.constant 1 : i32
      %select_n3A_1264 = arith.select %eq3A_1262, %jit3A_1263, %jit3A_1260 : i32
      %rem3A_1265 = arith.remsi %add3A_1259, %select_n3A_1264 : i32
      %ne3A_1266 = arith.constant 0 : i32
      %ne3A_1267 = arith.cmpi ne, %rem3A_1265, %ne3A_1266 : i32
      %lt3A_1268 = arith.constant 0 : i32
      %lt3A_1269 = arith.cmpi slt, %rem3A_1265, %lt3A_1268 : i32
      %lt3A_1270 = arith.constant 0 : i32
      %lt3A_1271 = arith.cmpi slt, %select_n3A_1264, %lt3A_1270 : i32
      %ne3A_1272 = arith.xori %lt3A_1269, %lt3A_1271 : i1
      %and3A_1273 = arith.andi %ne3A_1272, %ne3A_1267 : i1
      %add3A_1274 = arith.addi %rem3A_1265, %select_n3A_1264 : i32
      %select_n3A_1275 = arith.select %and3A_1273, %add3A_1274, %rem3A_1265 : i32
      %jit3A_1276 = arith.constant 4 : i32
      %eq3A_1277 = arith.constant 0 : i32
      %eq3A_1278 = arith.cmpi eq, %jit3A_1276, %eq3A_1277 : i32
      %jit3A_1279 = arith.constant 1 : i32
      %select_n3A_1280 = arith.select %eq3A_1278, %jit3A_1279, %jit3A_1276 : i32
      %rem3A_1281 = arith.remsi %add3A_1152, %select_n3A_1280 : i32
      %ne3A_1282 = arith.constant 0 : i32
      %ne3A_1283 = arith.cmpi ne, %rem3A_1281, %ne3A_1282 : i32
      %lt3A_1284 = arith.constant 0 : i32
      %lt3A_1285 = arith.cmpi slt, %rem3A_1281, %lt3A_1284 : i32
      %lt3A_1286 = arith.constant 0 : i32
      %lt3A_1287 = arith.cmpi slt, %select_n3A_1280, %lt3A_1286 : i32
      %ne3A_1288 = arith.xori %lt3A_1285, %lt3A_1287 : i1
      %and3A_1289 = arith.andi %ne3A_1288, %ne3A_1283 : i1
      %add3A_1290 = arith.addi %rem3A_1281, %select_n3A_1280 : i32
      %select_n3A_1291 = arith.select %and3A_1289, %add3A_1290, %rem3A_1281 : i32
      %mul3A_1292 = arith.constant 64 : i32
      %mul3A_1293 = arith.muli %select_n3A_1291, %mul3A_1292 : i32
      %add3A_1294 = arith.addi %mul3A_2, %mul3A_1293 : i32
      %eq3A_1295 = arith.cmpi eq, %select_n3A_1275, %squeeze3A : i32
      %convert_element_type3A_1296 = arith.extui %eq3A_1295 : i1 to i32
      %cond3A_1297 = arith.constant 0 : i32
      %cond3A_1298 = arith.cmpi ne, %convert_element_type3A_1296, %cond3A_1297 : i32
      scf.if %cond3A_1298 {
        "tpu.region"() ({
          %run_scoped3A = tpu.sem_alloc : memref<!tpu.dma_semaphore, #tpu.memory_space<semaphore_mem>>
          %dma_start3A_1587 = arith.constant 0 : i32
          %dma_start3A_1588 = tpu.memref_slice %arg4[%add3A_1294, %dma_start3A_1587] : memref<8192x256xf32, #tpu.memory_space<hbm>> -> memref<64x256xf32, #tpu.memory_space<hbm>>
          %dma_start3A_1589 = arith.constant 0 : i32
          %dma_start3A_1590 = tpu.memref_slice %arg4[%add3A_1294, %dma_start3A_1589] : memref<8192x256xf32, #tpu.memory_space<hbm>> -> memref<64x256xf32, #tpu.memory_space<hbm>>
          tpu.enqueue_dma source(%dma_start3A_1590 : memref<64x256xf32, #tpu.memory_space<hbm>>) target(%arg11 : memref<64x256xf32, #tpu.memory_space<vmem>>) target_semaphore(%run_scoped3A : memref<!tpu.dma_semaphore, #tpu.memory_space<semaphore_mem>>)
          %dma_wait3A_1591 = arith.constant 0 : i32
          %dma_wait3A_1592 = tpu.memref_slice %arg4[%add3A_1294, %dma_wait3A_1591] : memref<8192x256xf32, #tpu.memory_space<hbm>> -> memref<64x256xf32, #tpu.memory_space<hbm>>
          %dma_wait3A_1593 = arith.constant 0 : i32
          %dma_wait3A_1594 = tpu.memref_slice %arg4[%add3A_1294, %dma_wait3A_1593] : memref<8192x256xf32, #tpu.memory_space<hbm>> -> memref<64x256xf32, #tpu.memory_space<hbm>>
          tpu.wait_dma2 semaphore(%run_scoped3A : memref<!tpu.dma_semaphore, #tpu.memory_space<semaphore_mem>>) src(%dma_wait3A_1594 : memref<64x256xf32, #tpu.memory_space<hbm>>) dst(%arg11 : memref<64x256xf32, #tpu.memory_space<vmem>>)
          tpu.yield
        }) : () -> ()
        %scan3A_1581 = arith.constant 0 : i32
        %scan3A_1582 = arith.constant 0 : i32
        %scan3A_1583 = arith.constant 1024 : i32
        %scan3A_1584 = arith.addi %scan3A_1582, %scan3A_1583 : i32
        %scan3A_1585 = arith.constant 1 : i32
        scf.for %scan3A_1587 = %scan3A_1582 to %scan3A_1584 step %scan3A_1585  : i32 {
          %jit3A_1588 = arith.constant 16 : i32
          %div3A_1589 = arith.divsi %scan3A_1587, %jit3A_1588 : i32
          %sign3A_1590 = arith.constant 0 : i32
          %sign3A_1591 = arith.cmpi sgt, %scan3A_1587, %sign3A_1590 : i32
          %sign3A_1592 = arith.extui %sign3A_1591 : i1 to i32
          %sign3A_1593 = arith.constant 0 : i32
          %sign3A_1594 = arith.cmpi slt, %scan3A_1587, %sign3A_1593 : i32
          %sign3A_1595 = arith.extui %sign3A_1594 : i1 to i32
          %sign3A_1596 = arith.subi %sign3A_1592, %sign3A_1595 : i32
          %sign3A_1597 = arith.constant 0 : i32
          %sign3A_1598 = arith.cmpi sgt, %jit3A_1588, %sign3A_1597 : i32
          %sign3A_1599 = arith.extui %sign3A_1598 : i1 to i32
          %sign3A_1600 = arith.constant 0 : i32
          %sign3A_1601 = arith.cmpi slt, %jit3A_1588, %sign3A_1600 : i32
          %sign3A_1602 = arith.extui %sign3A_1601 : i1 to i32
          %sign3A_1603 = arith.subi %sign3A_1599, %sign3A_1602 : i32
          %ne3A_1604 = arith.cmpi ne, %sign3A_1596, %sign3A_1603 : i32
          %rem3A_1605 = arith.remsi %scan3A_1587, %jit3A_1588 : i32
          %ne3A_1606 = arith.constant 0 : i32
          %ne3A_1607 = arith.cmpi ne, %rem3A_1605, %ne3A_1606 : i32
          %and3A_1608 = arith.andi %ne3A_1604, %ne3A_1607 : i1
          %sub3A_1609 = arith.constant 1 : i32
          %sub3A_1610 = arith.subi %div3A_1589, %sub3A_1609 : i32
          %select_n3A_1611 = arith.select %and3A_1608, %sub3A_1610, %div3A_1589 : i32
          %jit3A_1612 = arith.constant 16 : i32
          %eq3A_1613 = arith.constant 0 : i32
          %eq3A_1614 = arith.cmpi eq, %jit3A_1612, %eq3A_1613 : i32
          %jit3A_1615 = arith.constant 1 : i32
          %select_n3A_1616 = arith.select %eq3A_1614, %jit3A_1615, %jit3A_1612 : i32
          %rem3A_1617 = arith.remsi %scan3A_1587, %select_n3A_1616 : i32
          %ne3A_1618 = arith.constant 0 : i32
          %ne3A_1619 = arith.cmpi ne, %rem3A_1617, %ne3A_1618 : i32
          %lt3A_1620 = arith.constant 0 : i32
          %lt3A_1621 = arith.cmpi slt, %rem3A_1617, %lt3A_1620 : i32
          %lt3A_1622 = arith.constant 0 : i32
          %lt3A_1623 = arith.cmpi slt, %select_n3A_1616, %lt3A_1622 : i32
          %ne3A_1624 = arith.xori %lt3A_1621, %lt3A_1623 : i1
          %and3A_1625 = arith.andi %ne3A_1624, %ne3A_1619 : i1
          %add3A_1626 = arith.addi %rem3A_1617, %select_n3A_1616 : i32
          %select_n3A_1627 = arith.select %and3A_1625, %add3A_1626, %rem3A_1617 : i32
          %mul3A_1628 = arith.constant 16 : i32
          %mul3A_1629 = arith.muli %select_n3A_1627, %mul3A_1628 : i32
          %get3A_1630 = arith.index_cast %select_n3A_1611 : i32 to index
          %get3A_1631 = arith.index_cast %mul3A_1629 : i32 to index
          %get3A_1632 = tpu.vector_load %arg9[%get3A_1630, %get3A_1631] {strides = array<i32>} : memref<64x256xf32, #tpu.memory_space<vmem>>, vector<1x16xf32>,
          %get3A_1633 = vector.shape_cast %get3A_1632 : vector<1x16xf32> to vector<16xf32>
          %get3A_1634 = arith.index_cast %select_n3A_1611 : i32 to index
          %get3A_1635 = arith.index_cast %mul3A_1629 : i32 to index
          %get3A_1636 = tpu.vector_load %arg11[%get3A_1634, %get3A_1635] {strides = array<i32>} : memref<64x256xf32, #tpu.memory_space<vmem>>, vector<1x16xf32>,
          %get3A_1637 = vector.shape_cast %get3A_1636 : vector<1x16xf32> to vector<16xf32>
          %mul3A_1638 = arith.constant 6.250000e-02 : f32
          %mul3A_1639 = vector.broadcast %mul3A_1638 : f32 to vector<16xf32>
          %mul3A_1640 = arith.mulf %get3A_1637, %mul3A_1639 : vector<16xf32>
          %add3A_1641 = arith.addf %get3A_1633, %mul3A_1640 : vector<16xf32>
          %swap3A = arith.index_cast %select_n3A_1611 : i32 to index
          %swap3A_1642 = arith.index_cast %mul3A_1629 : i32 to index
          %swap3A_1643 = tpu.vector_load %arg9[%swap3A, %swap3A_1642] {strides = array<i32>} : memref<64x256xf32, #tpu.memory_space<vmem>>, vector<1x16xf32>,
          %swap3A_1644 = vector.shape_cast %swap3A_1643 : vector<1x16xf32> to vector<16xf32>
          %swap3A_1645 = vector.shape_cast %add3A_1641 : vector<16xf32> to vector<1x16xf32>
          tpu.vector_store %arg9[%swap3A, %swap3A_1642], %swap3A_1645 {strides = array<i32>} : memref<64x256xf32, #tpu.memory_space<vmem>>, vector<1x16xf32>,
        }
        %scan3A_1586 = arith.constant 1024 : i32
      } else {
      }
      %jit3A_1299 = arith.constant 4 : i32
      %div3A_1300 = arith.divsi %add3A_1152, %jit3A_1299 : i32
      %sign3A_1301 = arith.constant 0 : i32
      %sign3A_1302 = arith.cmpi sgt, %add3A_1152, %sign3A_1301 : i32
      %sign3A_1303 = arith.extui %sign3A_1302 : i1 to i32
      %sign3A_1304 = arith.constant 0 : i32
      %sign3A_1305 = arith.cmpi slt, %add3A_1152, %sign3A_1304 : i32
      %sign3A_1306 = arith.extui %sign3A_1305 : i1 to i32
      %sign3A_1307 = arith.subi %sign3A_1303, %sign3A_1306 : i32
      %sign3A_1308 = arith.constant 0 : i32
      %sign3A_1309 = arith.cmpi sgt, %jit3A_1299, %sign3A_1308 : i32
      %sign3A_1310 = arith.extui %sign3A_1309 : i1 to i32
      %sign3A_1311 = arith.constant 0 : i32
      %sign3A_1312 = arith.cmpi slt, %jit3A_1299, %sign3A_1311 : i32
      %sign3A_1313 = arith.extui %sign3A_1312 : i1 to i32
      %sign3A_1314 = arith.subi %sign3A_1310, %sign3A_1313 : i32
      %ne3A_1315 = arith.cmpi ne, %sign3A_1307, %sign3A_1314 : i32
      %rem3A_1316 = arith.remsi %add3A_1152, %jit3A_1299 : i32
      %ne3A_1317 = arith.constant 0 : i32
      %ne3A_1318 = arith.cmpi ne, %rem3A_1316, %ne3A_1317 : i32
      %and3A_1319 = arith.andi %ne3A_1315, %ne3A_1318 : i1
      %sub3A_1320 = arith.constant 1 : i32
      %sub3A_1321 = arith.subi %div3A_1300, %sub3A_1320 : i32
      %select_n3A_1322 = arith.select %and3A_1319, %sub3A_1321, %div3A_1300 : i32
      %add3A_1323 = arith.addi %select_n3A_1322, %add3A : i32
      %jit3A_1324 = arith.constant 16 : i32
      %eq3A_1325 = arith.constant 0 : i32
      %eq3A_1326 = arith.cmpi eq, %jit3A_1324, %eq3A_1325 : i32
      %jit3A_1327 = arith.constant 1 : i32
      %select_n3A_1328 = arith.select %eq3A_1326, %jit3A_1327, %jit3A_1324 : i32
      %rem3A_1329 = arith.remsi %add3A_1323, %select_n3A_1328 : i32
      %ne3A_1330 = arith.constant 0 : i32
      %ne3A_1331 = arith.cmpi ne, %rem3A_1329, %ne3A_1330 : i32
      %lt3A_1332 = arith.constant 0 : i32
      %lt3A_1333 = arith.cmpi slt, %rem3A_1329, %lt3A_1332 : i32
      %lt3A_1334 = arith.constant 0 : i32
      %lt3A_1335 = arith.cmpi slt, %select_n3A_1328, %lt3A_1334 : i32
      %ne3A_1336 = arith.xori %lt3A_1333, %lt3A_1335 : i1
      %and3A_1337 = arith.andi %ne3A_1336, %ne3A_1331 : i1
      %add3A_1338 = arith.addi %rem3A_1329, %select_n3A_1328 : i32
      %select_n3A_1339 = arith.select %and3A_1337, %add3A_1338, %rem3A_1329 : i32
      %jit3A_1340 = arith.constant 4 : i32
      %eq3A_1341 = arith.constant 0 : i32
      %eq3A_1342 = arith.cmpi eq, %jit3A_1340, %eq3A_1341 : i32
      %jit3A_1343 = arith.constant 1 : i32
      %select_n3A_1344 = arith.select %eq3A_1342, %jit3A_1343, %jit3A_1340 : i32
      %rem3A_1345 = arith.remsi %add3A_1152, %select_n3A_1344 : i32
      %ne3A_1346 = arith.constant 0 : i32
      %ne3A_1347 = arith.cmpi ne, %rem3A_1345, %ne3A_1346 : i32
      %lt3A_1348 = arith.constant 0 : i32
      %lt3A_1349 = arith.cmpi slt, %rem3A_1345, %lt3A_1348 : i32
      %lt3A_1350 = arith.constant 0 : i32
      %lt3A_1351 = arith.cmpi slt, %select_n3A_1344, %lt3A_1350 : i32
      %ne3A_1352 = arith.xori %lt3A_1349, %lt3A_1351 : i1
      %and3A_1353 = arith.andi %ne3A_1352, %ne3A_1347 : i1
      %add3A_1354 = arith.addi %rem3A_1345, %select_n3A_1344 : i32
      %select_n3A_1355 = arith.select %and3A_1353, %add3A_1354, %rem3A_1345 : i32
      %mul3A_1356 = arith.constant 64 : i32
      %mul3A_1357 = arith.muli %select_n3A_1355, %mul3A_1356 : i32
      %add3A_1358 = arith.addi %mul3A_2, %mul3A_1357 : i32
      %dma_start3A_1359 = arith.constant 0 : i32
      %dma_start3A_1360 = tpu.memref_slice %arg5[%select_n3A_1339, %add3A_1358, %dma_start3A_1359] : memref<16x8192x256xf32, #tpu.memory_space<hbm>> -> memref<1x64x256xf32, #tpu.memory_space<hbm>>
      %dma_start3A_1361 = tpu.memref_squeeze %dma_start3A_1360 : memref<1x64x256xf32, #tpu.memory_space<hbm>> -> memref<64x256xf32, #tpu.memory_space<hbm>>
      %dma_start3A_1362 = arith.constant 0 : i32
      %dma_start3A_1363 = tpu.memref_slice %arg5[%select_n3A_1339, %add3A_1358, %dma_start3A_1362] : memref<16x8192x256xf32, #tpu.memory_space<hbm>> -> memref<1x64x256xf32, #tpu.memory_space<hbm>>
      %dma_start3A_1364 = tpu.memref_squeeze %dma_start3A_1363 : memref<1x64x256xf32, #tpu.memory_space<hbm>> -> memref<64x256xf32, #tpu.memory_space<hbm>>
      tpu.enqueue_dma source(%arg9 : memref<64x256xf32, #tpu.memory_space<vmem>>) target(%dma_start3A_1364 : memref<64x256xf32, #tpu.memory_space<hbm>>) target_semaphore(%arg18 : memref<!tpu.dma_semaphore, #tpu.memory_space<semaphore_mem>>)
      %mul3A_1365 = arith.constant 4 : i32
      %mul3A_1366 = arith.muli %scan3A_719, %mul3A_1365 : i32
      %add3A_1367 = arith.constant 3 : i32
      %add3A_1368 = arith.addi %mul3A_1366, %add3A_1367 : i32
      %dma_wait3A_1369 = arith.constant 0 : i32
      %dma_wait3A_1370 = arith.constant 0 : i32
      %dma_wait3A_1371 = tpu.memref_slice %arg5[%dma_wait3A_1369, %mul3A_2, %dma_wait3A_1370] : memref<16x8192x256xf32, #tpu.memory_space<hbm>> -> memref<1x64x256xf32, #tpu.memory_space<hbm>>
      %dma_wait3A_1372 = tpu.memref_squeeze %dma_wait3A_1371 : memref<1x64x256xf32, #tpu.memory_space<hbm>> -> memref<64x256xf32, #tpu.memory_space<hbm>>
      %dma_wait3A_1373 = arith.constant 0 : i32
      %dma_wait3A_1374 = tpu.memref_slice %arg5[%dma_wait3A_1369, %mul3A_2, %dma_wait3A_1373] : memref<16x8192x256xf32, #tpu.memory_space<hbm>> -> memref<1x64x256xf32, #tpu.memory_space<hbm>>
      %dma_wait3A_1375 = tpu.memref_squeeze %dma_wait3A_1374 : memref<1x64x256xf32, #tpu.memory_space<hbm>> -> memref<64x256xf32, #tpu.memory_space<hbm>>
      tpu.wait_dma2 semaphore(%arg17 : memref<!tpu.dma_semaphore, #tpu.memory_space<semaphore_mem>>) src(%arg8 : memref<64x256xf32, #tpu.memory_space<vmem>>) dst(%dma_wait3A_1375 : memref<64x256xf32, #tpu.memory_space<hbm>>)
      %add3A_1376 = arith.constant 2 : i32
      %add3A_1377 = arith.addi %add3A_1368, %add3A_1376 : i32
      %jit3A_1378 = arith.constant 4 : i32
      %div3A_1379 = arith.divsi %add3A_1377, %jit3A_1378 : i32
      %sign3A_1380 = arith.constant 0 : i32
      %sign3A_1381 = arith.cmpi sgt, %add3A_1377, %sign3A_1380 : i32
      %sign3A_1382 = arith.extui %sign3A_1381 : i1 to i32
      %sign3A_1383 = arith.constant 0 : i32
      %sign3A_1384 = arith.cmpi slt, %add3A_1377, %sign3A_1383 : i32
      %sign3A_1385 = arith.extui %sign3A_1384 : i1 to i32
      %sign3A_1386 = arith.subi %sign3A_1382, %sign3A_1385 : i32
      %sign3A_1387 = arith.constant 0 : i32
      %sign3A_1388 = arith.cmpi sgt, %jit3A_1378, %sign3A_1387 : i32
      %sign3A_1389 = arith.extui %sign3A_1388 : i1 to i32
      %sign3A_1390 = arith.constant 0 : i32
      %sign3A_1391 = arith.cmpi slt, %jit3A_1378, %sign3A_1390 : i32
      %sign3A_1392 = arith.extui %sign3A_1391 : i1 to i32
      %sign3A_1393 = arith.subi %sign3A_1389, %sign3A_1392 : i32
      %ne3A_1394 = arith.cmpi ne, %sign3A_1386, %sign3A_1393 : i32
      %rem3A_1395 = arith.remsi %add3A_1377, %jit3A_1378 : i32
      %ne3A_1396 = arith.constant 0 : i32
      %ne3A_1397 = arith.cmpi ne, %rem3A_1395, %ne3A_1396 : i32
      %and3A_1398 = arith.andi %ne3A_1394, %ne3A_1397 : i1
      %sub3A_1399 = arith.constant 1 : i32
      %sub3A_1400 = arith.subi %div3A_1379, %sub3A_1399 : i32
      %select_n3A_1401 = arith.select %and3A_1398, %sub3A_1400, %div3A_1379 : i32
      %add3A_1402 = arith.addi %select_n3A_1401, %add3A : i32
      %jit3A_1403 = arith.constant 16 : i32
      %eq3A_1404 = arith.constant 0 : i32
      %eq3A_1405 = arith.cmpi eq, %jit3A_1403, %eq3A_1404 : i32
      %jit3A_1406 = arith.constant 1 : i32
      %select_n3A_1407 = arith.select %eq3A_1405, %jit3A_1406, %jit3A_1403 : i32
      %rem3A_1408 = arith.remsi %add3A_1402, %select_n3A_1407 : i32
      %ne3A_1409 = arith.constant 0 : i32
      %ne3A_1410 = arith.cmpi ne, %rem3A_1408, %ne3A_1409 : i32
      %lt3A_1411 = arith.constant 0 : i32
      %lt3A_1412 = arith.cmpi slt, %rem3A_1408, %lt3A_1411 : i32
      %lt3A_1413 = arith.constant 0 : i32
      %lt3A_1414 = arith.cmpi slt, %select_n3A_1407, %lt3A_1413 : i32
      %ne3A_1415 = arith.xori %lt3A_1412, %lt3A_1414 : i1
      %and3A_1416 = arith.andi %ne3A_1415, %ne3A_1410 : i1
      %add3A_1417 = arith.addi %rem3A_1408, %select_n3A_1407 : i32
      %select_n3A_1418 = arith.select %and3A_1416, %add3A_1417, %rem3A_1408 : i32
      %jit3A_1419 = arith.constant 4 : i32
      %eq3A_1420 = arith.constant 0 : i32
      %eq3A_1421 = arith.cmpi eq, %jit3A_1419, %eq3A_1420 : i32
      %jit3A_1422 = arith.constant 1 : i32
      %select_n3A_1423 = arith.select %eq3A_1421, %jit3A_1422, %jit3A_1419 : i32
      %rem3A_1424 = arith.remsi %add3A_1377, %select_n3A_1423 : i32
      %ne3A_1425 = arith.constant 0 : i32
      %ne3A_1426 = arith.cmpi ne, %rem3A_1424, %ne3A_1425 : i32
      %lt3A_1427 = arith.constant 0 : i32
      %lt3A_1428 = arith.cmpi slt, %rem3A_1424, %lt3A_1427 : i32
      %lt3A_1429 = arith.constant 0 : i32
      %lt3A_1430 = arith.cmpi slt, %select_n3A_1423, %lt3A_1429 : i32
      %ne3A_1431 = arith.xori %lt3A_1428, %lt3A_1430 : i1
      %and3A_1432 = arith.andi %ne3A_1431, %ne3A_1426 : i1
      %add3A_1433 = arith.addi %rem3A_1424, %select_n3A_1423 : i32
      %select_n3A_1434 = arith.select %and3A_1432, %add3A_1433, %rem3A_1424 : i32
      %mul3A_1435 = arith.constant 64 : i32
      %mul3A_1436 = arith.muli %select_n3A_1434, %mul3A_1435 : i32
      %add3A_1437 = arith.addi %mul3A_2, %mul3A_1436 : i32
      %dma_start3A_1438 = arith.constant 0 : i32
      %dma_start3A_1439 = tpu.memref_slice %arg3[%select_n3A_1418, %add3A_1437, %dma_start3A_1438] : memref<16x8192x256xf32, #tpu.memory_space<hbm>> -> memref<1x64x256xf32, #tpu.memory_space<hbm>>
      %dma_start3A_1440 = tpu.memref_squeeze %dma_start3A_1439 : memref<1x64x256xf32, #tpu.memory_space<hbm>> -> memref<64x256xf32, #tpu.memory_space<hbm>>
      %dma_start3A_1441 = arith.constant 0 : i32
      %dma_start3A_1442 = tpu.memref_slice %arg3[%select_n3A_1418, %add3A_1437, %dma_start3A_1441] : memref<16x8192x256xf32, #tpu.memory_space<hbm>> -> memref<1x64x256xf32, #tpu.memory_space<hbm>>
      %dma_start3A_1443 = tpu.memref_squeeze %dma_start3A_1442 : memref<1x64x256xf32, #tpu.memory_space<hbm>> -> memref<64x256xf32, #tpu.memory_space<hbm>>
      tpu.enqueue_dma source(%dma_start3A_1443 : memref<64x256xf32, #tpu.memory_space<hbm>>) target(%arg8 : memref<64x256xf32, #tpu.memory_space<vmem>>) target_semaphore(%arg13 : memref<!tpu.dma_semaphore, #tpu.memory_space<semaphore_mem>>)
      %dma_wait3A_1444 = arith.constant 0 : i32
      %dma_wait3A_1445 = arith.constant 0 : i32
      %dma_wait3A_1446 = tpu.memref_slice %arg3[%dma_wait3A_1444, %mul3A_2, %dma_wait3A_1445] : memref<16x8192x256xf32, #tpu.memory_space<hbm>> -> memref<1x64x256xf32, #tpu.memory_space<hbm>>
      %dma_wait3A_1447 = tpu.memref_squeeze %dma_wait3A_1446 : memref<1x64x256xf32, #tpu.memory_space<hbm>> -> memref<64x256xf32, #tpu.memory_space<hbm>>
      %dma_wait3A_1448 = arith.constant 0 : i32
      %dma_wait3A_1449 = tpu.memref_slice %arg3[%dma_wait3A_1444, %mul3A_2, %dma_wait3A_1448] : memref<16x8192x256xf32, #tpu.memory_space<hbm>> -> memref<1x64x256xf32, #tpu.memory_space<hbm>>
      %dma_wait3A_1450 = tpu.memref_squeeze %dma_wait3A_1449 : memref<1x64x256xf32, #tpu.memory_space<hbm>> -> memref<64x256xf32, #tpu.memory_space<hbm>>
      tpu.wait_dma2 semaphore(%arg15 : memref<!tpu.dma_semaphore, #tpu.memory_space<semaphore_mem>>) src(%dma_wait3A_1450 : memref<64x256xf32, #tpu.memory_space<hbm>>) dst(%arg10 : memref<64x256xf32, #tpu.memory_space<vmem>>)
      %jit3A_1451 = arith.constant 4 : i32
      %div3A_1452 = arith.divsi %add3A_1368, %jit3A_1451 : i32
      %sign3A_1453 = arith.constant 0 : i32
      %sign3A_1454 = arith.cmpi sgt, %add3A_1368, %sign3A_1453 : i32
      %sign3A_1455 = arith.extui %sign3A_1454 : i1 to i32
      %sign3A_1456 = arith.constant 0 : i32
      %sign3A_1457 = arith.cmpi slt, %add3A_1368, %sign3A_1456 : i32
      %sign3A_1458 = arith.extui %sign3A_1457 : i1 to i32
      %sign3A_1459 = arith.subi %sign3A_1455, %sign3A_1458 : i32
      %sign3A_1460 = arith.constant 0 : i32
      %sign3A_1461 = arith.cmpi sgt, %jit3A_1451, %sign3A_1460 : i32
      %sign3A_1462 = arith.extui %sign3A_1461 : i1 to i32
      %sign3A_1463 = arith.constant 0 : i32
      %sign3A_1464 = arith.cmpi slt, %jit3A_1451, %sign3A_1463 : i32
      %sign3A_1465 = arith.extui %sign3A_1464 : i1 to i32
      %sign3A_1466 = arith.subi %sign3A_1462, %sign3A_1465 : i32
      %ne3A_1467 = arith.cmpi ne, %sign3A_1459, %sign3A_1466 : i32
      %rem3A_1468 = arith.remsi %add3A_1368, %jit3A_1451 : i32
      %ne3A_1469 = arith.constant 0 : i32
      %ne3A_1470 = arith.cmpi ne, %rem3A_1468, %ne3A_1469 : i32
      %and3A_1471 = arith.andi %ne3A_1467, %ne3A_1470 : i1
      %sub3A_1472 = arith.constant 1 : i32
      %sub3A_1473 = arith.subi %div3A_1452, %sub3A_1472 : i32
      %select_n3A_1474 = arith.select %and3A_1471, %sub3A_1473, %div3A_1452 : i32
      %add3A_1475 = arith.addi %select_n3A_1474, %add3A : i32
      %jit3A_1476 = arith.constant 16 : i32
      %eq3A_1477 = arith.constant 0 : i32
      %eq3A_1478 = arith.cmpi eq, %jit3A_1476, %eq3A_1477 : i32
      %jit3A_1479 = arith.constant 1 : i32
      %select_n3A_1480 = arith.select %eq3A_1478, %jit3A_1479, %jit3A_1476 : i32
      %rem3A_1481 = arith.remsi %add3A_1475, %select_n3A_1480 : i32
      %ne3A_1482 = arith.constant 0 : i32
      %ne3A_1483 = arith.cmpi ne, %rem3A_1481, %ne3A_1482 : i32
      %lt3A_1484 = arith.constant 0 : i32
      %lt3A_1485 = arith.cmpi slt, %rem3A_1481, %lt3A_1484 : i32
      %lt3A_1486 = arith.constant 0 : i32
      %lt3A_1487 = arith.cmpi slt, %select_n3A_1480, %lt3A_1486 : i32
      %ne3A_1488 = arith.xori %lt3A_1485, %lt3A_1487 : i1
      %and3A_1489 = arith.andi %ne3A_1488, %ne3A_1483 : i1
      %add3A_1490 = arith.addi %rem3A_1481, %select_n3A_1480 : i32
      %select_n3A_1491 = arith.select %and3A_1489, %add3A_1490, %rem3A_1481 : i32
      %jit3A_1492 = arith.constant 4 : i32
      %eq3A_1493 = arith.constant 0 : i32
      %eq3A_1494 = arith.cmpi eq, %jit3A_1492, %eq3A_1493 : i32
      %jit3A_1495 = arith.constant 1 : i32
      %select_n3A_1496 = arith.select %eq3A_1494, %jit3A_1495, %jit3A_1492 : i32
      %rem3A_1497 = arith.remsi %add3A_1368, %select_n3A_1496 : i32
      %ne3A_1498 = arith.constant 0 : i32
      %ne3A_1499 = arith.cmpi ne, %rem3A_1497, %ne3A_1498 : i32
      %lt3A_1500 = arith.constant 0 : i32
      %lt3A_1501 = arith.cmpi slt, %rem3A_1497, %lt3A_1500 : i32
      %lt3A_1502 = arith.constant 0 : i32
      %lt3A_1503 = arith.cmpi slt, %select_n3A_1496, %lt3A_1502 : i32
      %ne3A_1504 = arith.xori %lt3A_1501, %lt3A_1503 : i1
      %and3A_1505 = arith.andi %ne3A_1504, %ne3A_1499 : i1
      %add3A_1506 = arith.addi %rem3A_1497, %select_n3A_1496 : i32
      %select_n3A_1507 = arith.select %and3A_1505, %add3A_1506, %rem3A_1497 : i32
      %mul3A_1508 = arith.constant 64 : i32
      %mul3A_1509 = arith.muli %select_n3A_1507, %mul3A_1508 : i32
      %add3A_1510 = arith.addi %mul3A_2, %mul3A_1509 : i32
      %eq3A_1511 = arith.cmpi eq, %select_n3A_1491, %squeeze3A : i32
      %convert_element_type3A_1512 = arith.extui %eq3A_1511 : i1 to i32
      %cond3A_1513 = arith.constant 0 : i32
      %cond3A_1514 = arith.cmpi ne, %convert_element_type3A_1512, %cond3A_1513 : i32
      scf.if %cond3A_1514 {
        "tpu.region"() ({
          %run_scoped3A = tpu.sem_alloc : memref<!tpu.dma_semaphore, #tpu.memory_space<semaphore_mem>>
          %dma_start3A_1587 = arith.constant 0 : i32
          %dma_start3A_1588 = tpu.memref_slice %arg4[%add3A_1510, %dma_start3A_1587] : memref<8192x256xf32, #tpu.memory_space<hbm>> -> memref<64x256xf32, #tpu.memory_space<hbm>>
          %dma_start3A_1589 = arith.constant 0 : i32
          %dma_start3A_1590 = tpu.memref_slice %arg4[%add3A_1510, %dma_start3A_1589] : memref<8192x256xf32, #tpu.memory_space<hbm>> -> memref<64x256xf32, #tpu.memory_space<hbm>>
          tpu.enqueue_dma source(%dma_start3A_1590 : memref<64x256xf32, #tpu.memory_space<hbm>>) target(%arg11 : memref<64x256xf32, #tpu.memory_space<vmem>>) target_semaphore(%run_scoped3A : memref<!tpu.dma_semaphore, #tpu.memory_space<semaphore_mem>>)
          %dma_wait3A_1591 = arith.constant 0 : i32
          %dma_wait3A_1592 = tpu.memref_slice %arg4[%add3A_1510, %dma_wait3A_1591] : memref<8192x256xf32, #tpu.memory_space<hbm>> -> memref<64x256xf32, #tpu.memory_space<hbm>>
          %dma_wait3A_1593 = arith.constant 0 : i32
          %dma_wait3A_1594 = tpu.memref_slice %arg4[%add3A_1510, %dma_wait3A_1593] : memref<8192x256xf32, #tpu.memory_space<hbm>> -> memref<64x256xf32, #tpu.memory_space<hbm>>
          tpu.wait_dma2 semaphore(%run_scoped3A : memref<!tpu.dma_semaphore, #tpu.memory_space<semaphore_mem>>) src(%dma_wait3A_1594 : memref<64x256xf32, #tpu.memory_space<hbm>>) dst(%arg11 : memref<64x256xf32, #tpu.memory_space<vmem>>)
          tpu.yield
        }) : () -> ()
        %scan3A_1581 = arith.constant 0 : i32
        %scan3A_1582 = arith.constant 0 : i32
        %scan3A_1583 = arith.constant 1024 : i32
        %scan3A_1584 = arith.addi %scan3A_1582, %scan3A_1583 : i32
        %scan3A_1585 = arith.constant 1 : i32
        scf.for %scan3A_1587 = %scan3A_1582 to %scan3A_1584 step %scan3A_1585  : i32 {
          %jit3A_1588 = arith.constant 16 : i32
          %div3A_1589 = arith.divsi %scan3A_1587, %jit3A_1588 : i32
          %sign3A_1590 = arith.constant 0 : i32
          %sign3A_1591 = arith.cmpi sgt, %scan3A_1587, %sign3A_1590 : i32
          %sign3A_1592 = arith.extui %sign3A_1591 : i1 to i32
          %sign3A_1593 = arith.constant 0 : i32
          %sign3A_1594 = arith.cmpi slt, %scan3A_1587, %sign3A_1593 : i32
          %sign3A_1595 = arith.extui %sign3A_1594 : i1 to i32
          %sign3A_1596 = arith.subi %sign3A_1592, %sign3A_1595 : i32
          %sign3A_1597 = arith.constant 0 : i32
          %sign3A_1598 = arith.cmpi sgt, %jit3A_1588, %sign3A_1597 : i32
          %sign3A_1599 = arith.extui %sign3A_1598 : i1 to i32
          %sign3A_1600 = arith.constant 0 : i32
          %sign3A_1601 = arith.cmpi slt, %jit3A_1588, %sign3A_1600 : i32
          %sign3A_1602 = arith.extui %sign3A_1601 : i1 to i32
          %sign3A_1603 = arith.subi %sign3A_1599, %sign3A_1602 : i32
          %ne3A_1604 = arith.cmpi ne, %sign3A_1596, %sign3A_1603 : i32
          %rem3A_1605 = arith.remsi %scan3A_1587, %jit3A_1588 : i32
          %ne3A_1606 = arith.constant 0 : i32
          %ne3A_1607 = arith.cmpi ne, %rem3A_1605, %ne3A_1606 : i32
          %and3A_1608 = arith.andi %ne3A_1604, %ne3A_1607 : i1
          %sub3A_1609 = arith.constant 1 : i32
          %sub3A_1610 = arith.subi %div3A_1589, %sub3A_1609 : i32
          %select_n3A_1611 = arith.select %and3A_1608, %sub3A_1610, %div3A_1589 : i32
          %jit3A_1612 = arith.constant 16 : i32
          %eq3A_1613 = arith.constant 0 : i32
          %eq3A_1614 = arith.cmpi eq, %jit3A_1612, %eq3A_1613 : i32
          %jit3A_1615 = arith.constant 1 : i32
          %select_n3A_1616 = arith.select %eq3A_1614, %jit3A_1615, %jit3A_1612 : i32
          %rem3A_1617 = arith.remsi %scan3A_1587, %select_n3A_1616 : i32
          %ne3A_1618 = arith.constant 0 : i32
          %ne3A_1619 = arith.cmpi ne, %rem3A_1617, %ne3A_1618 : i32
          %lt3A_1620 = arith.constant 0 : i32
          %lt3A_1621 = arith.cmpi slt, %rem3A_1617, %lt3A_1620 : i32
          %lt3A_1622 = arith.constant 0 : i32
          %lt3A_1623 = arith.cmpi slt, %select_n3A_1616, %lt3A_1622 : i32
          %ne3A_1624 = arith.xori %lt3A_1621, %lt3A_1623 : i1
          %and3A_1625 = arith.andi %ne3A_1624, %ne3A_1619 : i1
          %add3A_1626 = arith.addi %rem3A_1617, %select_n3A_1616 : i32
          %select_n3A_1627 = arith.select %and3A_1625, %add3A_1626, %rem3A_1617 : i32
          %mul3A_1628 = arith.constant 16 : i32
          %mul3A_1629 = arith.muli %select_n3A_1627, %mul3A_1628 : i32
          %get3A_1630 = arith.index_cast %select_n3A_1611 : i32 to index
          %get3A_1631 = arith.index_cast %mul3A_1629 : i32 to index
          %get3A_1632 = tpu.vector_load %arg10[%get3A_1630, %get3A_1631] {strides = array<i32>} : memref<64x256xf32, #tpu.memory_space<vmem>>, vector<1x16xf32>,
          %get3A_1633 = vector.shape_cast %get3A_1632 : vector<1x16xf32> to vector<16xf32>
          %get3A_1634 = arith.index_cast %select_n3A_1611 : i32 to index
          %get3A_1635 = arith.index_cast %mul3A_1629 : i32 to index
          %get3A_1636 = tpu.vector_load %arg11[%get3A_1634, %get3A_1635] {strides = array<i32>} : memref<64x256xf32, #tpu.memory_space<vmem>>, vector<1x16xf32>,
          %get3A_1637 = vector.shape_cast %get3A_1636 : vector<1x16xf32> to vector<16xf32>
          %mul3A_1638 = arith.constant 6.250000e-02 : f32
          %mul3A_1639 = vector.broadcast %mul3A_1638 : f32 to vector<16xf32>
          %mul3A_1640 = arith.mulf %get3A_1637, %mul3A_1639 : vector<16xf32>
          %add3A_1641 = arith.addf %get3A_1633, %mul3A_1640 : vector<16xf32>
          %swap3A = arith.index_cast %select_n3A_1611 : i32 to index
          %swap3A_1642 = arith.index_cast %mul3A_1629 : i32 to index
          %swap3A_1643 = tpu.vector_load %arg10[%swap3A, %swap3A_1642] {strides = array<i32>} : memref<64x256xf32, #tpu.memory_space<vmem>>, vector<1x16xf32>,
          %swap3A_1644 = vector.shape_cast %swap3A_1643 : vector<1x16xf32> to vector<16xf32>
          %swap3A_1645 = vector.shape_cast %add3A_1641 : vector<16xf32> to vector<1x16xf32>
          tpu.vector_store %arg10[%swap3A, %swap3A_1642], %swap3A_1645 {strides = array<i32>} : memref<64x256xf32, #tpu.memory_space<vmem>>, vector<1x16xf32>,
        }
        %scan3A_1586 = arith.constant 1024 : i32
      } else {
      }
      %jit3A_1515 = arith.constant 4 : i32
      %div3A_1516 = arith.divsi %add3A_1368, %jit3A_1515 : i32
      %sign3A_1517 = arith.constant 0 : i32
      %sign3A_1518 = arith.cmpi sgt, %add3A_1368, %sign3A_1517 : i32
      %sign3A_1519 = arith.extui %sign3A_1518 : i1 to i32
      %sign3A_1520 = arith.constant 0 : i32
      %sign3A_1521 = arith.cmpi slt, %add3A_1368, %sign3A_1520 : i32
      %sign3A_1522 = arith.extui %sign3A_1521 : i1 to i32
      %sign3A_1523 = arith.subi %sign3A_1519, %sign3A_1522 : i32
      %sign3A_1524 = arith.constant 0 : i32
      %sign3A_1525 = arith.cmpi sgt, %jit3A_1515, %sign3A_1524 : i32
      %sign3A_1526 = arith.extui %sign3A_1525 : i1 to i32
      %sign3A_1527 = arith.constant 0 : i32
      %sign3A_1528 = arith.cmpi slt, %jit3A_1515, %sign3A_1527 : i32
      %sign3A_1529 = arith.extui %sign3A_1528 : i1 to i32
      %sign3A_1530 = arith.subi %sign3A_1526, %sign3A_1529 : i32
      %ne3A_1531 = arith.cmpi ne, %sign3A_1523, %sign3A_1530 : i32
      %rem3A_1532 = arith.remsi %add3A_1368, %jit3A_1515 : i32
      %ne3A_1533 = arith.constant 0 : i32
      %ne3A_1534 = arith.cmpi ne, %rem3A_1532, %ne3A_1533 : i32
      %and3A_1535 = arith.andi %ne3A_1531, %ne3A_1534 : i1
      %sub3A_1536 = arith.constant 1 : i32
      %sub3A_1537 = arith.subi %div3A_1516, %sub3A_1536 : i32
      %select_n3A_1538 = arith.select %and3A_1535, %sub3A_1537, %div3A_1516 : i32
      %add3A_1539 = arith.addi %select_n3A_1538, %add3A : i32
      %jit3A_1540 = arith.constant 16 : i32
      %eq3A_1541 = arith.constant 0 : i32
      %eq3A_1542 = arith.cmpi eq, %jit3A_1540, %eq3A_1541 : i32
      %jit3A_1543 = arith.constant 1 : i32
      %select_n3A_1544 = arith.select %eq3A_1542, %jit3A_1543, %jit3A_1540 : i32
      %rem3A_1545 = arith.remsi %add3A_1539, %select_n3A_1544 : i32
      %ne3A_1546 = arith.constant 0 : i32
      %ne3A_1547 = arith.cmpi ne, %rem3A_1545, %ne3A_1546 : i32
      %lt3A_1548 = arith.constant 0 : i32
      %lt3A_1549 = arith.cmpi slt, %rem3A_1545, %lt3A_1548 : i32
      %lt3A_1550 = arith.constant 0 : i32
      %lt3A_1551 = arith.cmpi slt, %select_n3A_1544, %lt3A_1550 : i32
      %ne3A_1552 = arith.xori %lt3A_1549, %lt3A_1551 : i1
      %and3A_1553 = arith.andi %ne3A_1552, %ne3A_1547 : i1
      %add3A_1554 = arith.addi %rem3A_1545, %select_n3A_1544 : i32
      %select_n3A_1555 = arith.select %and3A_1553, %add3A_1554, %rem3A_1545 : i32
      %jit3A_1556 = arith.constant 4 : i32
      %eq3A_1557 = arith.constant 0 : i32
      %eq3A_1558 = arith.cmpi eq, %jit3A_1556, %eq3A_1557 : i32
      %jit3A_1559 = arith.constant 1 : i32
      %select_n3A_1560 = arith.select %eq3A_1558, %jit3A_1559, %jit3A_1556 : i32
      %rem3A_1561 = arith.remsi %add3A_1368, %select_n3A_1560 : i32
      %ne3A_1562 = arith.constant 0 : i32
      %ne3A_1563 = arith.cmpi ne, %rem3A_1561, %ne3A_1562 : i32
      %lt3A_1564 = arith.constant 0 : i32
      %lt3A_1565 = arith.cmpi slt, %rem3A_1561, %lt3A_1564 : i32
      %lt3A_1566 = arith.constant 0 : i32
      %lt3A_1567 = arith.cmpi slt, %select_n3A_1560, %lt3A_1566 : i32
      %ne3A_1568 = arith.xori %lt3A_1565, %lt3A_1567 : i1
      %and3A_1569 = arith.andi %ne3A_1568, %ne3A_1563 : i1
      %add3A_1570 = arith.addi %rem3A_1561, %select_n3A_1560 : i32
      %select_n3A_1571 = arith.select %and3A_1569, %add3A_1570, %rem3A_1561 : i32
      %mul3A_1572 = arith.constant 64 : i32
      %mul3A_1573 = arith.muli %select_n3A_1571, %mul3A_1572 : i32
      %add3A_1574 = arith.addi %mul3A_2, %mul3A_1573 : i32
      %dma_start3A_1575 = arith.constant 0 : i32
      %dma_start3A_1576 = tpu.memref_slice %arg5[%select_n3A_1555, %add3A_1574, %dma_start3A_1575] : memref<16x8192x256xf32, #tpu.memory_space<hbm>> -> memref<1x64x256xf32, #tpu.memory_space<hbm>>
      %dma_start3A_1577 = tpu.memref_squeeze %dma_start3A_1576 : memref<1x64x256xf32, #tpu.memory_space<hbm>> -> memref<64x256xf32, #tpu.memory_space<hbm>>
      %dma_start3A_1578 = arith.constant 0 : i32
      %dma_start3A_1579 = tpu.memref_slice %arg5[%select_n3A_1555, %add3A_1574, %dma_start3A_1578] : memref<16x8192x256xf32, #tpu.memory_space<hbm>> -> memref<1x64x256xf32, #tpu.memory_space<hbm>>
      %dma_start3A_1580 = tpu.memref_squeeze %dma_start3A_1579 : memref<1x64x256xf32, #tpu.memory_space<hbm>> -> memref<64x256xf32, #tpu.memory_space<hbm>>
      tpu.enqueue_dma source(%arg10 : memref<64x256xf32, #tpu.memory_space<vmem>>) target(%dma_start3A_1580 : memref<64x256xf32, #tpu.memory_space<hbm>>) target_semaphore(%arg19 : memref<!tpu.dma_semaphore, #tpu.memory_space<semaphore_mem>>)
    }
    %scan3A_396 = arith.constant 14 : i32
    %dma_wait3A_397 = arith.constant 0 : i32
    %dma_wait3A_398 = arith.constant 0 : i32
    %dma_wait3A_399 = tpu.memref_slice %arg5[%dma_wait3A_397, %mul3A_2, %dma_wait3A_398] : memref<16x8192x256xf32, #tpu.memory_space<hbm>> -> memref<1x64x256xf32, #tpu.memory_space<hbm>>
    %dma_wait3A_400 = tpu.memref_squeeze %dma_wait3A_399 : memref<1x64x256xf32, #tpu.memory_space<hbm>> -> memref<64x256xf32, #tpu.memory_space<hbm>>
    %dma_wait3A_401 = arith.constant 0 : i32
    %dma_wait3A_402 = tpu.memref_slice %arg5[%dma_wait3A_397, %mul3A_2, %dma_wait3A_401] : memref<16x8192x256xf32, #tpu.memory_space<hbm>> -> memref<1x64x256xf32, #tpu.memory_space<hbm>>
    %dma_wait3A_403 = tpu.memref_squeeze %dma_wait3A_402 : memref<1x64x256xf32, #tpu.memory_space<hbm>> -> memref<64x256xf32, #tpu.memory_space<hbm>>
    tpu.wait_dma2 semaphore(%arg18 : memref<!tpu.dma_semaphore, #tpu.memory_space<semaphore_mem>>) src(%arg9 : memref<64x256xf32, #tpu.memory_space<vmem>>) dst(%dma_wait3A_403 : memref<64x256xf32, #tpu.memory_space<hbm>>)
    %add3A_404 = arith.constant 15 : i32
    %add3A_405 = arith.addi %add3A_404, %add3A : i32
    %jit3A_406 = arith.constant 16 : i32
    %eq3A_407 = arith.constant 0 : i32
    %eq3A_408 = arith.cmpi eq, %jit3A_406, %eq3A_407 : i32
    %jit3A_409 = arith.constant 1 : i32
    %select_n3A_410 = arith.select %eq3A_408, %jit3A_409, %jit3A_406 : i32
    %rem3A_411 = arith.remsi %add3A_405, %select_n3A_410 : i32
    %ne3A_412 = arith.constant 0 : i32
    %ne3A_413 = arith.cmpi ne, %rem3A_411, %ne3A_412 : i32
    %lt3A_414 = arith.constant 0 : i32
    %lt3A_415 = arith.cmpi slt, %rem3A_411, %lt3A_414 : i32
    %lt3A_416 = arith.constant 0 : i32
    %lt3A_417 = arith.cmpi slt, %select_n3A_410, %lt3A_416 : i32
    %ne3A_418 = arith.xori %lt3A_415, %lt3A_417 : i1
    %and3A_419 = arith.andi %ne3A_418, %ne3A_413 : i1
    %add3A_420 = arith.addi %rem3A_411, %select_n3A_410 : i32
    %select_n3A_421 = arith.select %and3A_419, %add3A_420, %rem3A_411 : i32
    %add3A_422 = arith.constant 128 : i32
    %add3A_423 = arith.addi %mul3A_2, %add3A_422 : i32
    %dma_start3A_424 = arith.constant 0 : i32
    %dma_start3A_425 = tpu.memref_slice %arg3[%select_n3A_421, %add3A_423, %dma_start3A_424] : memref<16x8192x256xf32, #tpu.memory_space<hbm>> -> memref<1x64x256xf32, #tpu.memory_space<hbm>>
    %dma_start3A_426 = tpu.memref_squeeze %dma_start3A_425 : memref<1x64x256xf32, #tpu.memory_space<hbm>> -> memref<64x256xf32, #tpu.memory_space<hbm>>
    %dma_start3A_427 = arith.constant 0 : i32
    %dma_start3A_428 = tpu.memref_slice %arg3[%select_n3A_421, %add3A_423, %dma_start3A_427] : memref<16x8192x256xf32, #tpu.memory_space<hbm>> -> memref<1x64x256xf32, #tpu.memory_space<hbm>>
    %dma_start3A_429 = tpu.memref_squeeze %dma_start3A_428 : memref<1x64x256xf32, #tpu.memory_space<hbm>> -> memref<64x256xf32, #tpu.memory_space<hbm>>
    tpu.enqueue_dma source(%dma_start3A_429 : memref<64x256xf32, #tpu.memory_space<hbm>>) target(%arg9 : memref<64x256xf32, #tpu.memory_space<vmem>>) target_semaphore(%arg14 : memref<!tpu.dma_semaphore, #tpu.memory_space<semaphore_mem>>)
    %dma_wait3A_430 = arith.constant 0 : i32
    %dma_wait3A_431 = arith.constant 0 : i32
    %dma_wait3A_432 = tpu.memref_slice %arg3[%dma_wait3A_430, %mul3A_2, %dma_wait3A_431] : memref<16x8192x256xf32, #tpu.memory_space<hbm>> -> memref<1x64x256xf32, #tpu.memory_space<hbm>>
    %dma_wait3A_433 = tpu.memref_squeeze %dma_wait3A_432 : memref<1x64x256xf32, #tpu.memory_space<hbm>> -> memref<64x256xf32, #tpu.memory_space<hbm>>
    %dma_wait3A_434 = arith.constant 0 : i32
    %dma_wait3A_435 = tpu.memref_slice %arg3[%dma_wait3A_430, %mul3A_2, %dma_wait3A_434] : memref<16x8192x256xf32, #tpu.memory_space<hbm>> -> memref<1x64x256xf32, #tpu.memory_space<hbm>>
    %dma_wait3A_436 = tpu.memref_squeeze %dma_wait3A_435 : memref<1x64x256xf32, #tpu.memory_space<hbm>> -> memref<64x256xf32, #tpu.memory_space<hbm>>
    tpu.wait_dma2 semaphore(%arg12 : memref<!tpu.dma_semaphore, #tpu.memory_space<semaphore_mem>>) src(%dma_wait3A_436 : memref<64x256xf32, #tpu.memory_space<hbm>>) dst(%arg7 : memref<64x256xf32, #tpu.memory_space<vmem>>)
    %add3A_437 = arith.constant 15 : i32
    %add3A_438 = arith.addi %add3A_437, %add3A : i32
    %jit3A_439 = arith.constant 16 : i32
    %eq3A_440 = arith.constant 0 : i32
    %eq3A_441 = arith.cmpi eq, %jit3A_439, %eq3A_440 : i32
    %jit3A_442 = arith.constant 1 : i32
    %select_n3A_443 = arith.select %eq3A_441, %jit3A_442, %jit3A_439 : i32
    %rem3A_444 = arith.remsi %add3A_438, %select_n3A_443 : i32
    %ne3A_445 = arith.constant 0 : i32
    %ne3A_446 = arith.cmpi ne, %rem3A_444, %ne3A_445 : i32
    %lt3A_447 = arith.constant 0 : i32
    %lt3A_448 = arith.cmpi slt, %rem3A_444, %lt3A_447 : i32
    %lt3A_449 = arith.constant 0 : i32
    %lt3A_450 = arith.cmpi slt, %select_n3A_443, %lt3A_449 : i32
    %ne3A_451 = arith.xori %lt3A_448, %lt3A_450 : i1
    %and3A_452 = arith.andi %ne3A_451, %ne3A_446 : i1
    %add3A_453 = arith.addi %rem3A_444, %select_n3A_443 : i32
    %select_n3A_454 = arith.select %and3A_452, %add3A_453, %rem3A_444 : i32
    %add3A_455 = arith.constant 0 : i32
    %add3A_456 = arith.addi %mul3A_2, %add3A_455 : i32
    %eq3A_457 = arith.cmpi eq, %select_n3A_454, %squeeze3A : i32
    %convert_element_type3A_458 = arith.extui %eq3A_457 : i1 to i32
    %cond3A_459 = arith.constant 0 : i32
    %cond3A_460 = arith.cmpi ne, %convert_element_type3A_458, %cond3A_459 : i32
    scf.if %cond3A_460 {
      "tpu.region"() ({
        %run_scoped3A = tpu.sem_alloc : memref<!tpu.dma_semaphore, #tpu.memory_space<semaphore_mem>>
        %dma_start3A_725 = arith.constant 0 : i32
        %dma_start3A_726 = tpu.memref_slice %arg4[%add3A_456, %dma_start3A_725] : memref<8192x256xf32, #tpu.memory_space<hbm>> -> memref<64x256xf32, #tpu.memory_space<hbm>>
        %dma_start3A_727 = arith.constant 0 : i32
        %dma_start3A_728 = tpu.memref_slice %arg4[%add3A_456, %dma_start3A_727] : memref<8192x256xf32, #tpu.memory_space<hbm>> -> memref<64x256xf32, #tpu.memory_space<hbm>>
        tpu.enqueue_dma source(%dma_start3A_728 : memref<64x256xf32, #tpu.memory_space<hbm>>) target(%arg11 : memref<64x256xf32, #tpu.memory_space<vmem>>) target_semaphore(%run_scoped3A : memref<!tpu.dma_semaphore, #tpu.memory_space<semaphore_mem>>)
        %dma_wait3A_729 = arith.constant 0 : i32
        %dma_wait3A_730 = tpu.memref_slice %arg4[%add3A_456, %dma_wait3A_729] : memref<8192x256xf32, #tpu.memory_space<hbm>> -> memref<64x256xf32, #tpu.memory_space<hbm>>
        %dma_wait3A_731 = arith.constant 0 : i32
        %dma_wait3A_732 = tpu.memref_slice %arg4[%add3A_456, %dma_wait3A_731] : memref<8192x256xf32, #tpu.memory_space<hbm>> -> memref<64x256xf32, #tpu.memory_space<hbm>>
        tpu.wait_dma2 semaphore(%run_scoped3A : memref<!tpu.dma_semaphore, #tpu.memory_space<semaphore_mem>>) src(%dma_wait3A_732 : memref<64x256xf32, #tpu.memory_space<hbm>>) dst(%arg11 : memref<64x256xf32, #tpu.memory_space<vmem>>)
        tpu.yield
      }) : () -> ()
      %scan3A_719 = arith.constant 0 : i32
      %scan3A_720 = arith.constant 0 : i32
      %scan3A_721 = arith.constant 1024 : i32
      %scan3A_722 = arith.addi %scan3A_720, %scan3A_721 : i32
      %scan3A_723 = arith.constant 1 : i32
      scf.for %scan3A_725 = %scan3A_720 to %scan3A_722 step %scan3A_723  : i32 {
        %jit3A_726 = arith.constant 16 : i32
        %div3A = arith.divsi %scan3A_725, %jit3A_726 : i32
        %sign3A = arith.constant 0 : i32
        %sign3A_727 = arith.cmpi sgt, %scan3A_725, %sign3A : i32
        %sign3A_728 = arith.extui %sign3A_727 : i1 to i32
        %sign3A_729 = arith.constant 0 : i32
        %sign3A_730 = arith.cmpi slt, %scan3A_725, %sign3A_729 : i32
        %sign3A_731 = arith.extui %sign3A_730 : i1 to i32
        %sign3A_732 = arith.subi %sign3A_728, %sign3A_731 : i32
        %sign3A_733 = arith.constant 0 : i32
        %sign3A_734 = arith.cmpi sgt, %jit3A_726, %sign3A_733 : i32
        %sign3A_735 = arith.extui %sign3A_734 : i1 to i32
        %sign3A_736 = arith.constant 0 : i32
        %sign3A_737 = arith.cmpi slt, %jit3A_726, %sign3A_736 : i32
        %sign3A_738 = arith.extui %sign3A_737 : i1 to i32
        %sign3A_739 = arith.subi %sign3A_735, %sign3A_738 : i32
        %ne3A_740 = arith.cmpi ne, %sign3A_732, %sign3A_739 : i32
        %rem3A_741 = arith.remsi %scan3A_725, %jit3A_726 : i32
        %ne3A_742 = arith.constant 0 : i32
        %ne3A_743 = arith.cmpi ne, %rem3A_741, %ne3A_742 : i32
        %and3A_744 = arith.andi %ne3A_740, %ne3A_743 : i1
        %sub3A = arith.constant 1 : i32
        %sub3A_745 = arith.subi %div3A, %sub3A : i32
        %select_n3A_746 = arith.select %and3A_744, %sub3A_745, %div3A : i32
        %jit3A_747 = arith.constant 16 : i32
        %eq3A_748 = arith.constant 0 : i32
        %eq3A_749 = arith.cmpi eq, %jit3A_747, %eq3A_748 : i32
        %jit3A_750 = arith.constant 1 : i32
        %select_n3A_751 = arith.select %eq3A_749, %jit3A_750, %jit3A_747 : i32
        %rem3A_752 = arith.remsi %scan3A_725, %select_n3A_751 : i32
        %ne3A_753 = arith.constant 0 : i32
        %ne3A_754 = arith.cmpi ne, %rem3A_752, %ne3A_753 : i32
        %lt3A_755 = arith.constant 0 : i32
        %lt3A_756 = arith.cmpi slt, %rem3A_752, %lt3A_755 : i32
        %lt3A_757 = arith.constant 0 : i32
        %lt3A_758 = arith.cmpi slt, %select_n3A_751, %lt3A_757 : i32
        %ne3A_759 = arith.xori %lt3A_756, %lt3A_758 : i1
        %and3A_760 = arith.andi %ne3A_759, %ne3A_754 : i1
        %add3A_761 = arith.addi %rem3A_752, %select_n3A_751 : i32
        %select_n3A_762 = arith.select %and3A_760, %add3A_761, %rem3A_752 : i32
        %mul3A_763 = arith.constant 16 : i32
        %mul3A_764 = arith.muli %select_n3A_762, %mul3A_763 : i32
        %get3A_765 = arith.index_cast %select_n3A_746 : i32 to index
        %get3A_766 = arith.index_cast %mul3A_764 : i32 to index
        %get3A_767 = tpu.vector_load %arg7[%get3A_765, %get3A_766] {strides = array<i32>} : memref<64x256xf32, #tpu.memory_space<vmem>>, vector<1x16xf32>,
        %get3A_768 = vector.shape_cast %get3A_767 : vector<1x16xf32> to vector<16xf32>
        %get3A_769 = arith.index_cast %select_n3A_746 : i32 to index
        %get3A_770 = arith.index_cast %mul3A_764 : i32 to index
        %get3A_771 = tpu.vector_load %arg11[%get3A_769, %get3A_770] {strides = array<i32>} : memref<64x256xf32, #tpu.memory_space<vmem>>, vector<1x16xf32>,
        %get3A_772 = vector.shape_cast %get3A_771 : vector<1x16xf32> to vector<16xf32>
        %mul3A_773 = arith.constant 6.250000e-02 : f32
        %mul3A_774 = vector.broadcast %mul3A_773 : f32 to vector<16xf32>
        %mul3A_775 = arith.mulf %get3A_772, %mul3A_774 : vector<16xf32>
        %add3A_776 = arith.addf %get3A_768, %mul3A_775 : vector<16xf32>
        %swap3A = arith.index_cast %select_n3A_746 : i32 to index
        %swap3A_777 = arith.index_cast %mul3A_764 : i32 to index
        %swap3A_778 = tpu.vector_load %arg7[%swap3A, %swap3A_777] {strides = array<i32>} : memref<64x256xf32, #tpu.memory_space<vmem>>, vector<1x16xf32>,
        %swap3A_779 = vector.shape_cast %swap3A_778 : vector<1x16xf32> to vector<16xf32>
        %swap3A_780 = vector.shape_cast %add3A_776 : vector<16xf32> to vector<1x16xf32>
        tpu.vector_store %arg7[%swap3A, %swap3A_777], %swap3A_780 {strides = array<i32>} : memref<64x256xf32, #tpu.memory_space<vmem>>, vector<1x16xf32>,
      }
      %scan3A_724 = arith.constant 1024 : i32
    } else {
    }
    %add3A_461 = arith.constant 15 : i32
    %add3A_462 = arith.addi %add3A_461, %add3A : i32
    %jit3A_463 = arith.constant 16 : i32
    %eq3A_464 = arith.constant 0 : i32
    %eq3A_465 = arith.cmpi eq, %jit3A_463, %eq3A_464 : i32
    %jit3A_466 = arith.constant 1 : i32
    %select_n3A_467 = arith.select %eq3A_465, %jit3A_466, %jit3A_463 : i32
    %rem3A_468 = arith.remsi %add3A_462, %select_n3A_467 : i32
    %ne3A_469 = arith.constant 0 : i32
    %ne3A_470 = arith.cmpi ne, %rem3A_468, %ne3A_469 : i32
    %lt3A_471 = arith.constant 0 : i32
    %lt3A_472 = arith.cmpi slt, %rem3A_468, %lt3A_471 : i32
    %lt3A_473 = arith.constant 0 : i32
    %lt3A_474 = arith.cmpi slt, %select_n3A_467, %lt3A_473 : i32
    %ne3A_475 = arith.xori %lt3A_472, %lt3A_474 : i1
    %and3A_476 = arith.andi %ne3A_475, %ne3A_470 : i1
    %add3A_477 = arith.addi %rem3A_468, %select_n3A_467 : i32
    %select_n3A_478 = arith.select %and3A_476, %add3A_477, %rem3A_468 : i32
    %add3A_479 = arith.constant 0 : i32
    %add3A_480 = arith.addi %mul3A_2, %add3A_479 : i32
    %dma_start3A_481 = arith.constant 0 : i32
    %dma_start3A_482 = tpu.memref_slice %arg5[%select_n3A_478, %add3A_480, %dma_start3A_481] : memref<16x8192x256xf32, #tpu.memory_space<hbm>> -> memref<1x64x256xf32, #tpu.memory_space<hbm>>
    %dma_start3A_483 = tpu.memref_squeeze %dma_start3A_482 : memref<1x64x256xf32, #tpu.memory_space<hbm>> -> memref<64x256xf32, #tpu.memory_space<hbm>>
    %dma_start3A_484 = arith.constant 0 : i32
    %dma_start3A_485 = tpu.memref_slice %arg5[%select_n3A_478, %add3A_480, %dma_start3A_484] : memref<16x8192x256xf32, #tpu.memory_space<hbm>> -> memref<1x64x256xf32, #tpu.memory_space<hbm>>
    %dma_start3A_486 = tpu.memref_squeeze %dma_start3A_485 : memref<1x64x256xf32, #tpu.memory_space<hbm>> -> memref<64x256xf32, #tpu.memory_space<hbm>>
    tpu.enqueue_dma source(%arg7 : memref<64x256xf32, #tpu.memory_space<vmem>>) target(%dma_start3A_486 : memref<64x256xf32, #tpu.memory_space<hbm>>) target_semaphore(%arg16 : memref<!tpu.dma_semaphore, #tpu.memory_space<semaphore_mem>>)
    %dma_wait3A_487 = arith.constant 0 : i32
    %dma_wait3A_488 = arith.constant 0 : i32
    %dma_wait3A_489 = tpu.memref_slice %arg5[%dma_wait3A_487, %mul3A_2, %dma_wait3A_488] : memref<16x8192x256xf32, #tpu.memory_space<hbm>> -> memref<1x64x256xf32, #tpu.memory_space<hbm>>
    %dma_wait3A_490 = tpu.memref_squeeze %dma_wait3A_489 : memref<1x64x256xf32, #tpu.memory_space<hbm>> -> memref<64x256xf32, #tpu.memory_space<hbm>>
    %dma_wait3A_491 = arith.constant 0 : i32
    %dma_wait3A_492 = tpu.memref_slice %arg5[%dma_wait3A_487, %mul3A_2, %dma_wait3A_491] : memref<16x8192x256xf32, #tpu.memory_space<hbm>> -> memref<1x64x256xf32, #tpu.memory_space<hbm>>
    %dma_wait3A_493 = tpu.memref_squeeze %dma_wait3A_492 : memref<1x64x256xf32, #tpu.memory_space<hbm>> -> memref<64x256xf32, #tpu.memory_space<hbm>>
    tpu.wait_dma2 semaphore(%arg19 : memref<!tpu.dma_semaphore, #tpu.memory_space<semaphore_mem>>) src(%arg10 : memref<64x256xf32, #tpu.memory_space<vmem>>) dst(%dma_wait3A_493 : memref<64x256xf32, #tpu.memory_space<hbm>>)
    %add3A_494 = arith.constant 15 : i32
    %add3A_495 = arith.addi %add3A_494, %add3A : i32
    %jit3A_496 = arith.constant 16 : i32
    %eq3A_497 = arith.constant 0 : i32
    %eq3A_498 = arith.cmpi eq, %jit3A_496, %eq3A_497 : i32
    %jit3A_499 = arith.constant 1 : i32
    %select_n3A_500 = arith.select %eq3A_498, %jit3A_499, %jit3A_496 : i32
    %rem3A_501 = arith.remsi %add3A_495, %select_n3A_500 : i32
    %ne3A_502 = arith.constant 0 : i32
    %ne3A_503 = arith.cmpi ne, %rem3A_501, %ne3A_502 : i32
    %lt3A_504 = arith.constant 0 : i32
    %lt3A_505 = arith.cmpi slt, %rem3A_501, %lt3A_504 : i32
    %lt3A_506 = arith.constant 0 : i32
    %lt3A_507 = arith.cmpi slt, %select_n3A_500, %lt3A_506 : i32
    %ne3A_508 = arith.xori %lt3A_505, %lt3A_507 : i1
    %and3A_509 = arith.andi %ne3A_508, %ne3A_503 : i1
    %add3A_510 = arith.addi %rem3A_501, %select_n3A_500 : i32
    %select_n3A_511 = arith.select %and3A_509, %add3A_510, %rem3A_501 : i32
    %add3A_512 = arith.constant 192 : i32
    %add3A_513 = arith.addi %mul3A_2, %add3A_512 : i32
    %dma_start3A_514 = arith.constant 0 : i32
    %dma_start3A_515 = tpu.memref_slice %arg3[%select_n3A_511, %add3A_513, %dma_start3A_514] : memref<16x8192x256xf32, #tpu.memory_space<hbm>> -> memref<1x64x256xf32, #tpu.memory_space<hbm>>
    %dma_start3A_516 = tpu.memref_squeeze %dma_start3A_515 : memref<1x64x256xf32, #tpu.memory_space<hbm>> -> memref<64x256xf32, #tpu.memory_space<hbm>>
    %dma_start3A_517 = arith.constant 0 : i32
    %dma_start3A_518 = tpu.memref_slice %arg3[%select_n3A_511, %add3A_513, %dma_start3A_517] : memref<16x8192x256xf32, #tpu.memory_space<hbm>> -> memref<1x64x256xf32, #tpu.memory_space<hbm>>
    %dma_start3A_519 = tpu.memref_squeeze %dma_start3A_518 : memref<1x64x256xf32, #tpu.memory_space<hbm>> -> memref<64x256xf32, #tpu.memory_space<hbm>>
    tpu.enqueue_dma source(%dma_start3A_519 : memref<64x256xf32, #tpu.memory_space<hbm>>) target(%arg10 : memref<64x256xf32, #tpu.memory_space<vmem>>) target_semaphore(%arg15 : memref<!tpu.dma_semaphore, #tpu.memory_space<semaphore_mem>>)
    %dma_wait3A_520 = arith.constant 0 : i32
    %dma_wait3A_521 = arith.constant 0 : i32
    %dma_wait3A_522 = tpu.memref_slice %arg3[%dma_wait3A_520, %mul3A_2, %dma_wait3A_521] : memref<16x8192x256xf32, #tpu.memory_space<hbm>> -> memref<1x64x256xf32, #tpu.memory_space<hbm>>
    %dma_wait3A_523 = tpu.memref_squeeze %dma_wait3A_522 : memref<1x64x256xf32, #tpu.memory_space<hbm>> -> memref<64x256xf32, #tpu.memory_space<hbm>>
    %dma_wait3A_524 = arith.constant 0 : i32
    %dma_wait3A_525 = tpu.memref_slice %arg3[%dma_wait3A_520, %mul3A_2, %dma_wait3A_524] : memref<16x8192x256xf32, #tpu.memory_space<hbm>> -> memref<1x64x256xf32, #tpu.memory_space<hbm>>
    %dma_wait3A_526 = tpu.memref_squeeze %dma_wait3A_525 : memref<1x64x256xf32, #tpu.memory_space<hbm>> -> memref<64x256xf32, #tpu.memory_space<hbm>>
    tpu.wait_dma2 semaphore(%arg13 : memref<!tpu.dma_semaphore, #tpu.memory_space<semaphore_mem>>) src(%dma_wait3A_526 : memref<64x256xf32, #tpu.memory_space<hbm>>) dst(%arg8 : memref<64x256xf32, #tpu.memory_space<vmem>>)
    %add3A_527 = arith.constant 15 : i32
    %add3A_528 = arith.addi %add3A_527, %add3A : i32
    %jit3A_529 = arith.constant 16 : i32
    %eq3A_530 = arith.constant 0 : i32
    %eq3A_531 = arith.cmpi eq, %jit3A_529, %eq3A_530 : i32
    %jit3A_532 = arith.constant 1 : i32
    %select_n3A_533 = arith.select %eq3A_531, %jit3A_532, %jit3A_529 : i32
    %rem3A_534 = arith.remsi %add3A_528, %select_n3A_533 : i32
    %ne3A_535 = arith.constant 0 : i32
    %ne3A_536 = arith.cmpi ne, %rem3A_534, %ne3A_535 : i32
    %lt3A_537 = arith.constant 0 : i32
    %lt3A_538 = arith.cmpi slt, %rem3A_534, %lt3A_537 : i32
    %lt3A_539 = arith.constant 0 : i32
    %lt3A_540 = arith.cmpi slt, %select_n3A_533, %lt3A_539 : i32
    %ne3A_541 = arith.xori %lt3A_538, %lt3A_540 : i1
    %and3A_542 = arith.andi %ne3A_541, %ne3A_536 : i1
    %add3A_543 = arith.addi %rem3A_534, %select_n3A_533 : i32
    %select_n3A_544 = arith.select %and3A_542, %add3A_543, %rem3A_534 : i32
    %add3A_545 = arith.constant 64 : i32
    %add3A_546 = arith.addi %mul3A_2, %add3A_545 : i32
    %eq3A_547 = arith.cmpi eq, %select_n3A_544, %squeeze3A : i32
    %convert_element_type3A_548 = arith.extui %eq3A_547 : i1 to i32
    %cond3A_549 = arith.constant 0 : i32
    %cond3A_550 = arith.cmpi ne, %convert_element_type3A_548, %cond3A_549 : i32
    scf.if %cond3A_550 {
      "tpu.region"() ({
        %run_scoped3A = tpu.sem_alloc : memref<!tpu.dma_semaphore, #tpu.memory_space<semaphore_mem>>
        %dma_start3A_725 = arith.constant 0 : i32
        %dma_start3A_726 = tpu.memref_slice %arg4[%add3A_546, %dma_start3A_725] : memref<8192x256xf32, #tpu.memory_space<hbm>> -> memref<64x256xf32, #tpu.memory_space<hbm>>
        %dma_start3A_727 = arith.constant 0 : i32
        %dma_start3A_728 = tpu.memref_slice %arg4[%add3A_546, %dma_start3A_727] : memref<8192x256xf32, #tpu.memory_space<hbm>> -> memref<64x256xf32, #tpu.memory_space<hbm>>
        tpu.enqueue_dma source(%dma_start3A_728 : memref<64x256xf32, #tpu.memory_space<hbm>>) target(%arg11 : memref<64x256xf32, #tpu.memory_space<vmem>>) target_semaphore(%run_scoped3A : memref<!tpu.dma_semaphore, #tpu.memory_space<semaphore_mem>>)
        %dma_wait3A_729 = arith.constant 0 : i32
        %dma_wait3A_730 = tpu.memref_slice %arg4[%add3A_546, %dma_wait3A_729] : memref<8192x256xf32, #tpu.memory_space<hbm>> -> memref<64x256xf32, #tpu.memory_space<hbm>>
        %dma_wait3A_731 = arith.constant 0 : i32
        %dma_wait3A_732 = tpu.memref_slice %arg4[%add3A_546, %dma_wait3A_731] : memref<8192x256xf32, #tpu.memory_space<hbm>> -> memref<64x256xf32, #tpu.memory_space<hbm>>
        tpu.wait_dma2 semaphore(%run_scoped3A : memref<!tpu.dma_semaphore, #tpu.memory_space<semaphore_mem>>) src(%dma_wait3A_732 : memref<64x256xf32, #tpu.memory_space<hbm>>) dst(%arg11 : memref<64x256xf32, #tpu.memory_space<vmem>>)
        tpu.yield
      }) : () -> ()
      %scan3A_719 = arith.constant 0 : i32
      %scan3A_720 = arith.constant 0 : i32
      %scan3A_721 = arith.constant 1024 : i32
      %scan3A_722 = arith.addi %scan3A_720, %scan3A_721 : i32
      %scan3A_723 = arith.constant 1 : i32
      scf.for %scan3A_725 = %scan3A_720 to %scan3A_722 step %scan3A_723  : i32 {
        %jit3A_726 = arith.constant 16 : i32
        %div3A = arith.divsi %scan3A_725, %jit3A_726 : i32
        %sign3A = arith.constant 0 : i32
        %sign3A_727 = arith.cmpi sgt, %scan3A_725, %sign3A : i32
        %sign3A_728 = arith.extui %sign3A_727 : i1 to i32
        %sign3A_729 = arith.constant 0 : i32
        %sign3A_730 = arith.cmpi slt, %scan3A_725, %sign3A_729 : i32
        %sign3A_731 = arith.extui %sign3A_730 : i1 to i32
        %sign3A_732 = arith.subi %sign3A_728, %sign3A_731 : i32
        %sign3A_733 = arith.constant 0 : i32
        %sign3A_734 = arith.cmpi sgt, %jit3A_726, %sign3A_733 : i32
        %sign3A_735 = arith.extui %sign3A_734 : i1 to i32
        %sign3A_736 = arith.constant 0 : i32
        %sign3A_737 = arith.cmpi slt, %jit3A_726, %sign3A_736 : i32
        %sign3A_738 = arith.extui %sign3A_737 : i1 to i32
        %sign3A_739 = arith.subi %sign3A_735, %sign3A_738 : i32
        %ne3A_740 = arith.cmpi ne, %sign3A_732, %sign3A_739 : i32
        %rem3A_741 = arith.remsi %scan3A_725, %jit3A_726 : i32
        %ne3A_742 = arith.constant 0 : i32
        %ne3A_743 = arith.cmpi ne, %rem3A_741, %ne3A_742 : i32
        %and3A_744 = arith.andi %ne3A_740, %ne3A_743 : i1
        %sub3A = arith.constant 1 : i32
        %sub3A_745 = arith.subi %div3A, %sub3A : i32
        %select_n3A_746 = arith.select %and3A_744, %sub3A_745, %div3A : i32
        %jit3A_747 = arith.constant 16 : i32
        %eq3A_748 = arith.constant 0 : i32
        %eq3A_749 = arith.cmpi eq, %jit3A_747, %eq3A_748 : i32
        %jit3A_750 = arith.constant 1 : i32
        %select_n3A_751 = arith.select %eq3A_749, %jit3A_750, %jit3A_747 : i32
        %rem3A_752 = arith.remsi %scan3A_725, %select_n3A_751 : i32
        %ne3A_753 = arith.constant 0 : i32
        %ne3A_754 = arith.cmpi ne, %rem3A_752, %ne3A_753 : i32
        %lt3A_755 = arith.constant 0 : i32
        %lt3A_756 = arith.cmpi slt, %rem3A_752, %lt3A_755 : i32
        %lt3A_757 = arith.constant 0 : i32
        %lt3A_758 = arith.cmpi slt, %select_n3A_751, %lt3A_757 : i32
        %ne3A_759 = arith.xori %lt3A_756, %lt3A_758 : i1
        %and3A_760 = arith.andi %ne3A_759, %ne3A_754 : i1
        %add3A_761 = arith.addi %rem3A_752, %select_n3A_751 : i32
        %select_n3A_762 = arith.select %and3A_760, %add3A_761, %rem3A_752 : i32
        %mul3A_763 = arith.constant 16 : i32
        %mul3A_764 = arith.muli %select_n3A_762, %mul3A_763 : i32
        %get3A_765 = arith.index_cast %select_n3A_746 : i32 to index
        %get3A_766 = arith.index_cast %mul3A_764 : i32 to index
        %get3A_767 = tpu.vector_load %arg8[%get3A_765, %get3A_766] {strides = array<i32>} : memref<64x256xf32, #tpu.memory_space<vmem>>, vector<1x16xf32>,
        %get3A_768 = vector.shape_cast %get3A_767 : vector<1x16xf32> to vector<16xf32>
        %get3A_769 = arith.index_cast %select_n3A_746 : i32 to index
        %get3A_770 = arith.index_cast %mul3A_764 : i32 to index
        %get3A_771 = tpu.vector_load %arg11[%get3A_769, %get3A_770] {strides = array<i32>} : memref<64x256xf32, #tpu.memory_space<vmem>>, vector<1x16xf32>,
        %get3A_772 = vector.shape_cast %get3A_771 : vector<1x16xf32> to vector<16xf32>
        %mul3A_773 = arith.constant 6.250000e-02 : f32
        %mul3A_774 = vector.broadcast %mul3A_773 : f32 to vector<16xf32>
        %mul3A_775 = arith.mulf %get3A_772, %mul3A_774 : vector<16xf32>
        %add3A_776 = arith.addf %get3A_768, %mul3A_775 : vector<16xf32>
        %swap3A = arith.index_cast %select_n3A_746 : i32 to index
        %swap3A_777 = arith.index_cast %mul3A_764 : i32 to index
        %swap3A_778 = tpu.vector_load %arg8[%swap3A, %swap3A_777] {strides = array<i32>} : memref<64x256xf32, #tpu.memory_space<vmem>>, vector<1x16xf32>,
        %swap3A_779 = vector.shape_cast %swap3A_778 : vector<1x16xf32> to vector<16xf32>
        %swap3A_780 = vector.shape_cast %add3A_776 : vector<16xf32> to vector<1x16xf32>
        tpu.vector_store %arg8[%swap3A, %swap3A_777], %swap3A_780 {strides = array<i32>} : memref<64x256xf32, #tpu.memory_space<vmem>>, vector<1x16xf32>,
      }
      %scan3A_724 = arith.constant 1024 : i32
    } else {
    }
    %add3A_551 = arith.constant 15 : i32
    %add3A_552 = arith.addi %add3A_551, %add3A : i32
    %jit3A_553 = arith.constant 16 : i32
    %eq3A_554 = arith.constant 0 : i32
    %eq3A_555 = arith.cmpi eq, %jit3A_553, %eq3A_554 : i32
    %jit3A_556 = arith.constant 1 : i32
    %select_n3A_557 = arith.select %eq3A_555, %jit3A_556, %jit3A_553 : i32
    %rem3A_558 = arith.remsi %add3A_552, %select_n3A_557 : i32
    %ne3A_559 = arith.constant 0 : i32
    %ne3A_560 = arith.cmpi ne, %rem3A_558, %ne3A_559 : i32
    %lt3A_561 = arith.constant 0 : i32
    %lt3A_562 = arith.cmpi slt, %rem3A_558, %lt3A_561 : i32
    %lt3A_563 = arith.constant 0 : i32
    %lt3A_564 = arith.cmpi slt, %select_n3A_557, %lt3A_563 : i32
    %ne3A_565 = arith.xori %lt3A_562, %lt3A_564 : i1
    %and3A_566 = arith.andi %ne3A_565, %ne3A_560 : i1
    %add3A_567 = arith.addi %rem3A_558, %select_n3A_557 : i32
    %select_n3A_568 = arith.select %and3A_566, %add3A_567, %rem3A_558 : i32
    %add3A_569 = arith.constant 64 : i32
    %add3A_570 = arith.addi %mul3A_2, %add3A_569 : i32
    %dma_start3A_571 = arith.constant 0 : i32
    %dma_start3A_572 = tpu.memref_slice %arg5[%select_n3A_568, %add3A_570, %dma_start3A_571] : memref<16x8192x256xf32, #tpu.memory_space<hbm>> -> memref<1x64x256xf32, #tpu.memory_space<hbm>>
    %dma_start3A_573 = tpu.memref_squeeze %dma_start3A_572 : memref<1x64x256xf32, #tpu.memory_space<hbm>> -> memref<64x256xf32, #tpu.memory_space<hbm>>
    %dma_start3A_574 = arith.constant 0 : i32
    %dma_start3A_575 = tpu.memref_slice %arg5[%select_n3A_568, %add3A_570, %dma_start3A_574] : memref<16x8192x256xf32, #tpu.memory_space<hbm>> -> memref<1x64x256xf32, #tpu.memory_space<hbm>>
    %dma_start3A_576 = tpu.memref_squeeze %dma_start3A_575 : memref<1x64x256xf32, #tpu.memory_space<hbm>> -> memref<64x256xf32, #tpu.memory_space<hbm>>
    tpu.enqueue_dma source(%arg8 : memref<64x256xf32, #tpu.memory_space<vmem>>) target(%dma_start3A_576 : memref<64x256xf32, #tpu.memory_space<hbm>>) target_semaphore(%arg17 : memref<!tpu.dma_semaphore, #tpu.memory_space<semaphore_mem>>)
    %dma_wait3A_577 = arith.constant 0 : i32
    %dma_wait3A_578 = arith.constant 0 : i32
    %dma_wait3A_579 = tpu.memref_slice %arg3[%dma_wait3A_577, %mul3A_2, %dma_wait3A_578] : memref<16x8192x256xf32, #tpu.memory_space<hbm>> -> memref<1x64x256xf32, #tpu.memory_space<hbm>>
    %dma_wait3A_580 = tpu.memref_squeeze %dma_wait3A_579 : memref<1x64x256xf32, #tpu.memory_space<hbm>> -> memref<64x256xf32, #tpu.memory_space<hbm>>
    %dma_wait3A_581 = arith.constant 0 : i32
    %dma_wait3A_582 = tpu.memref_slice %arg3[%dma_wait3A_577, %mul3A_2, %dma_wait3A_581] : memref<16x8192x256xf32, #tpu.memory_space<hbm>> -> memref<1x64x256xf32, #tpu.memory_space<hbm>>
    %dma_wait3A_583 = tpu.memref_squeeze %dma_wait3A_582 : memref<1x64x256xf32, #tpu.memory_space<hbm>> -> memref<64x256xf32, #tpu.memory_space<hbm>>
    tpu.wait_dma2 semaphore(%arg14 : memref<!tpu.dma_semaphore, #tpu.memory_space<semaphore_mem>>) src(%dma_wait3A_583 : memref<64x256xf32, #tpu.memory_space<hbm>>) dst(%arg9 : memref<64x256xf32, #tpu.memory_space<vmem>>)
    %add3A_584 = arith.constant 15 : i32
    %add3A_585 = arith.addi %add3A_584, %add3A : i32
    %jit3A_586 = arith.constant 16 : i32
    %eq3A_587 = arith.constant 0 : i32
    %eq3A_588 = arith.cmpi eq, %jit3A_586, %eq3A_587 : i32
    %jit3A_589 = arith.constant 1 : i32
    %select_n3A_590 = arith.select %eq3A_588, %jit3A_589, %jit3A_586 : i32
    %rem3A_591 = arith.remsi %add3A_585, %select_n3A_590 : i32
    %ne3A_592 = arith.constant 0 : i32
    %ne3A_593 = arith.cmpi ne, %rem3A_591, %ne3A_592 : i32
    %lt3A_594 = arith.constant 0 : i32
    %lt3A_595 = arith.cmpi slt, %rem3A_591, %lt3A_594 : i32
    %lt3A_596 = arith.constant 0 : i32
    %lt3A_597 = arith.cmpi slt, %select_n3A_590, %lt3A_596 : i32
    %ne3A_598 = arith.xori %lt3A_595, %lt3A_597 : i1
    %and3A_599 = arith.andi %ne3A_598, %ne3A_593 : i1
    %add3A_600 = arith.addi %rem3A_591, %select_n3A_590 : i32
    %select_n3A_601 = arith.select %and3A_599, %add3A_600, %rem3A_591 : i32
    %add3A_602 = arith.constant 128 : i32
    %add3A_603 = arith.addi %mul3A_2, %add3A_602 : i32
    %eq3A_604 = arith.cmpi eq, %select_n3A_601, %squeeze3A : i32
    %convert_element_type3A_605 = arith.extui %eq3A_604 : i1 to i32
    %cond3A_606 = arith.constant 0 : i32
    %cond3A_607 = arith.cmpi ne, %convert_element_type3A_605, %cond3A_606 : i32
    scf.if %cond3A_607 {
      "tpu.region"() ({
        %run_scoped3A = tpu.sem_alloc : memref<!tpu.dma_semaphore, #tpu.memory_space<semaphore_mem>>
        %dma_start3A_725 = arith.constant 0 : i32
        %dma_start3A_726 = tpu.memref_slice %arg4[%add3A_603, %dma_start3A_725] : memref<8192x256xf32, #tpu.memory_space<hbm>> -> memref<64x256xf32, #tpu.memory_space<hbm>>
        %dma_start3A_727 = arith.constant 0 : i32
        %dma_start3A_728 = tpu.memref_slice %arg4[%add3A_603, %dma_start3A_727] : memref<8192x256xf32, #tpu.memory_space<hbm>> -> memref<64x256xf32, #tpu.memory_space<hbm>>
        tpu.enqueue_dma source(%dma_start3A_728 : memref<64x256xf32, #tpu.memory_space<hbm>>) target(%arg11 : memref<64x256xf32, #tpu.memory_space<vmem>>) target_semaphore(%run_scoped3A : memref<!tpu.dma_semaphore, #tpu.memory_space<semaphore_mem>>)
        %dma_wait3A_729 = arith.constant 0 : i32
        %dma_wait3A_730 = tpu.memref_slice %arg4[%add3A_603, %dma_wait3A_729] : memref<8192x256xf32, #tpu.memory_space<hbm>> -> memref<64x256xf32, #tpu.memory_space<hbm>>
        %dma_wait3A_731 = arith.constant 0 : i32
        %dma_wait3A_732 = tpu.memref_slice %arg4[%add3A_603, %dma_wait3A_731] : memref<8192x256xf32, #tpu.memory_space<hbm>> -> memref<64x256xf32, #tpu.memory_space<hbm>>
        tpu.wait_dma2 semaphore(%run_scoped3A : memref<!tpu.dma_semaphore, #tpu.memory_space<semaphore_mem>>) src(%dma_wait3A_732 : memref<64x256xf32, #tpu.memory_space<hbm>>) dst(%arg11 : memref<64x256xf32, #tpu.memory_space<vmem>>)
        tpu.yield
      }) : () -> ()
      %scan3A_719 = arith.constant 0 : i32
      %scan3A_720 = arith.constant 0 : i32
      %scan3A_721 = arith.constant 1024 : i32
      %scan3A_722 = arith.addi %scan3A_720, %scan3A_721 : i32
      %scan3A_723 = arith.constant 1 : i32
      scf.for %scan3A_725 = %scan3A_720 to %scan3A_722 step %scan3A_723  : i32 {
        %jit3A_726 = arith.constant 16 : i32
        %div3A = arith.divsi %scan3A_725, %jit3A_726 : i32
        %sign3A = arith.constant 0 : i32
        %sign3A_727 = arith.cmpi sgt, %scan3A_725, %sign3A : i32
        %sign3A_728 = arith.extui %sign3A_727 : i1 to i32
        %sign3A_729 = arith.constant 0 : i32
        %sign3A_730 = arith.cmpi slt, %scan3A_725, %sign3A_729 : i32
        %sign3A_731 = arith.extui %sign3A_730 : i1 to i32
        %sign3A_732 = arith.subi %sign3A_728, %sign3A_731 : i32
        %sign3A_733 = arith.constant 0 : i32
        %sign3A_734 = arith.cmpi sgt, %jit3A_726, %sign3A_733 : i32
        %sign3A_735 = arith.extui %sign3A_734 : i1 to i32
        %sign3A_736 = arith.constant 0 : i32
        %sign3A_737 = arith.cmpi slt, %jit3A_726, %sign3A_736 : i32
        %sign3A_738 = arith.extui %sign3A_737 : i1 to i32
        %sign3A_739 = arith.subi %sign3A_735, %sign3A_738 : i32
        %ne3A_740 = arith.cmpi ne, %sign3A_732, %sign3A_739 : i32
        %rem3A_741 = arith.remsi %scan3A_725, %jit3A_726 : i32
        %ne3A_742 = arith.constant 0 : i32
        %ne3A_743 = arith.cmpi ne, %rem3A_741, %ne3A_742 : i32
        %and3A_744 = arith.andi %ne3A_740, %ne3A_743 : i1
        %sub3A = arith.constant 1 : i32
        %sub3A_745 = arith.subi %div3A, %sub3A : i32
        %select_n3A_746 = arith.select %and3A_744, %sub3A_745, %div3A : i32
        %jit3A_747 = arith.constant 16 : i32
        %eq3A_748 = arith.constant 0 : i32
        %eq3A_749 = arith.cmpi eq, %jit3A_747, %eq3A_748 : i32
        %jit3A_750 = arith.constant 1 : i32
        %select_n3A_751 = arith.select %eq3A_749, %jit3A_750, %jit3A_747 : i32
        %rem3A_752 = arith.remsi %scan3A_725, %select_n3A_751 : i32
        %ne3A_753 = arith.constant 0 : i32
        %ne3A_754 = arith.cmpi ne, %rem3A_752, %ne3A_753 : i32
        %lt3A_755 = arith.constant 0 : i32
        %lt3A_756 = arith.cmpi slt, %rem3A_752, %lt3A_755 : i32
        %lt3A_757 = arith.constant 0 : i32
        %lt3A_758 = arith.cmpi slt, %select_n3A_751, %lt3A_757 : i32
        %ne3A_759 = arith.xori %lt3A_756, %lt3A_758 : i1
        %and3A_760 = arith.andi %ne3A_759, %ne3A_754 : i1
        %add3A_761 = arith.addi %rem3A_752, %select_n3A_751 : i32
        %select_n3A_762 = arith.select %and3A_760, %add3A_761, %rem3A_752 : i32
        %mul3A_763 = arith.constant 16 : i32
        %mul3A_764 = arith.muli %select_n3A_762, %mul3A_763 : i32
        %get3A_765 = arith.index_cast %select_n3A_746 : i32 to index
        %get3A_766 = arith.index_cast %mul3A_764 : i32 to index
        %get3A_767 = tpu.vector_load %arg9[%get3A_765, %get3A_766] {strides = array<i32>} : memref<64x256xf32, #tpu.memory_space<vmem>>, vector<1x16xf32>,
        %get3A_768 = vector.shape_cast %get3A_767 : vector<1x16xf32> to vector<16xf32>
        %get3A_769 = arith.index_cast %select_n3A_746 : i32 to index
        %get3A_770 = arith.index_cast %mul3A_764 : i32 to index
        %get3A_771 = tpu.vector_load %arg11[%get3A_769, %get3A_770] {strides = array<i32>} : memref<64x256xf32, #tpu.memory_space<vmem>>, vector<1x16xf32>,
        %get3A_772 = vector.shape_cast %get3A_771 : vector<1x16xf32> to vector<16xf32>
        %mul3A_773 = arith.constant 6.250000e-02 : f32
        %mul3A_774 = vector.broadcast %mul3A_773 : f32 to vector<16xf32>
        %mul3A_775 = arith.mulf %get3A_772, %mul3A_774 : vector<16xf32>
        %add3A_776 = arith.addf %get3A_768, %mul3A_775 : vector<16xf32>
        %swap3A = arith.index_cast %select_n3A_746 : i32 to index
        %swap3A_777 = arith.index_cast %mul3A_764 : i32 to index
        %swap3A_778 = tpu.vector_load %arg9[%swap3A, %swap3A_777] {strides = array<i32>} : memref<64x256xf32, #tpu.memory_space<vmem>>, vector<1x16xf32>,
        %swap3A_779 = vector.shape_cast %swap3A_778 : vector<1x16xf32> to vector<16xf32>
        %swap3A_780 = vector.shape_cast %add3A_776 : vector<16xf32> to vector<1x16xf32>
        tpu.vector_store %arg9[%swap3A, %swap3A_777], %swap3A_780 {strides = array<i32>} : memref<64x256xf32, #tpu.memory_space<vmem>>, vector<1x16xf32>,
      }
      %scan3A_724 = arith.constant 1024 : i32
    } else {
    }
    %add3A_608 = arith.constant 15 : i32
    %add3A_609 = arith.addi %add3A_608, %add3A : i32
    %jit3A_610 = arith.constant 16 : i32
    %eq3A_611 = arith.constant 0 : i32
    %eq3A_612 = arith.cmpi eq, %jit3A_610, %eq3A_611 : i32
    %jit3A_613 = arith.constant 1 : i32
    %select_n3A_614 = arith.select %eq3A_612, %jit3A_613, %jit3A_610 : i32
    %rem3A_615 = arith.remsi %add3A_609, %select_n3A_614 : i32
    %ne3A_616 = arith.constant 0 : i32
    %ne3A_617 = arith.cmpi ne, %rem3A_615, %ne3A_616 : i32
    %lt3A_618 = arith.constant 0 : i32
    %lt3A_619 = arith.cmpi slt, %rem3A_615, %lt3A_618 : i32
    %lt3A_620 = arith.constant 0 : i32
    %lt3A_621 = arith.cmpi slt, %select_n3A_614, %lt3A_620 : i32
    %ne3A_622 = arith.xori %lt3A_619, %lt3A_621 : i1
    %and3A_623 = arith.andi %ne3A_622, %ne3A_617 : i1
    %add3A_624 = arith.addi %rem3A_615, %select_n3A_614 : i32
    %select_n3A_625 = arith.select %and3A_623, %add3A_624, %rem3A_615 : i32
    %add3A_626 = arith.constant 128 : i32
    %add3A_627 = arith.addi %mul3A_2, %add3A_626 : i32
    %dma_start3A_628 = arith.constant 0 : i32
    %dma_start3A_629 = tpu.memref_slice %arg5[%select_n3A_625, %add3A_627, %dma_start3A_628] : memref<16x8192x256xf32, #tpu.memory_space<hbm>> -> memref<1x64x256xf32, #tpu.memory_space<hbm>>
    %dma_start3A_630 = tpu.memref_squeeze %dma_start3A_629 : memref<1x64x256xf32, #tpu.memory_space<hbm>> -> memref<64x256xf32, #tpu.memory_space<hbm>>
    %dma_start3A_631 = arith.constant 0 : i32
    %dma_start3A_632 = tpu.memref_slice %arg5[%select_n3A_625, %add3A_627, %dma_start3A_631] : memref<16x8192x256xf32, #tpu.memory_space<hbm>> -> memref<1x64x256xf32, #tpu.memory_space<hbm>>
    %dma_start3A_633 = tpu.memref_squeeze %dma_start3A_632 : memref<1x64x256xf32, #tpu.memory_space<hbm>> -> memref<64x256xf32, #tpu.memory_space<hbm>>
    tpu.enqueue_dma source(%arg9 : memref<64x256xf32, #tpu.memory_space<vmem>>) target(%dma_start3A_633 : memref<64x256xf32, #tpu.memory_space<hbm>>) target_semaphore(%arg18 : memref<!tpu.dma_semaphore, #tpu.memory_space<semaphore_mem>>)
    %dma_wait3A_634 = arith.constant 0 : i32
    %dma_wait3A_635 = arith.constant 0 : i32
    %dma_wait3A_636 = tpu.memref_slice %arg3[%dma_wait3A_634, %mul3A_2, %dma_wait3A_635] : memref<16x8192x256xf32, #tpu.memory_space<hbm>> -> memref<1x64x256xf32, #tpu.memory_space<hbm>>
    %dma_wait3A_637 = tpu.memref_squeeze %dma_wait3A_636 : memref<1x64x256xf32, #tpu.memory_space<hbm>> -> memref<64x256xf32, #tpu.memory_space<hbm>>
    %dma_wait3A_638 = arith.constant 0 : i32
    %dma_wait3A_639 = tpu.memref_slice %arg3[%dma_wait3A_634, %mul3A_2, %dma_wait3A_638] : memref<16x8192x256xf32, #tpu.memory_space<hbm>> -> memref<1x64x256xf32, #tpu.memory_space<hbm>>
    %dma_wait3A_640 = tpu.memref_squeeze %dma_wait3A_639 : memref<1x64x256xf32, #tpu.memory_space<hbm>> -> memref<64x256xf32, #tpu.memory_space<hbm>>
    tpu.wait_dma2 semaphore(%arg15 : memref<!tpu.dma_semaphore, #tpu.memory_space<semaphore_mem>>) src(%dma_wait3A_640 : memref<64x256xf32, #tpu.memory_space<hbm>>) dst(%arg10 : memref<64x256xf32, #tpu.memory_space<vmem>>)
    %add3A_641 = arith.constant 15 : i32
    %add3A_642 = arith.addi %add3A_641, %add3A : i32
    %jit3A_643 = arith.constant 16 : i32
    %eq3A_644 = arith.constant 0 : i32
    %eq3A_645 = arith.cmpi eq, %jit3A_643, %eq3A_644 : i32
    %jit3A_646 = arith.constant 1 : i32
    %select_n3A_647 = arith.select %eq3A_645, %jit3A_646, %jit3A_643 : i32
    %rem3A_648 = arith.remsi %add3A_642, %select_n3A_647 : i32
    %ne3A_649 = arith.constant 0 : i32
    %ne3A_650 = arith.cmpi ne, %rem3A_648, %ne3A_649 : i32
    %lt3A_651 = arith.constant 0 : i32
    %lt3A_652 = arith.cmpi slt, %rem3A_648, %lt3A_651 : i32
    %lt3A_653 = arith.constant 0 : i32
    %lt3A_654 = arith.cmpi slt, %select_n3A_647, %lt3A_653 : i32
    %ne3A_655 = arith.xori %lt3A_652, %lt3A_654 : i1
    %and3A_656 = arith.andi %ne3A_655, %ne3A_650 : i1
    %add3A_657 = arith.addi %rem3A_648, %select_n3A_647 : i32
    %select_n3A_658 = arith.select %and3A_656, %add3A_657, %rem3A_648 : i32
    %add3A_659 = arith.constant 192 : i32
    %add3A_660 = arith.addi %mul3A_2, %add3A_659 : i32
    %eq3A_661 = arith.cmpi eq, %select_n3A_658, %squeeze3A : i32
    %convert_element_type3A_662 = arith.extui %eq3A_661 : i1 to i32
    %cond3A_663 = arith.constant 0 : i32
    %cond3A_664 = arith.cmpi ne, %convert_element_type3A_662, %cond3A_663 : i32
    scf.if %cond3A_664 {
      "tpu.region"() ({
        %run_scoped3A = tpu.sem_alloc : memref<!tpu.dma_semaphore, #tpu.memory_space<semaphore_mem>>
        %dma_start3A_725 = arith.constant 0 : i32
        %dma_start3A_726 = tpu.memref_slice %arg4[%add3A_660, %dma_start3A_725] : memref<8192x256xf32, #tpu.memory_space<hbm>> -> memref<64x256xf32, #tpu.memory_space<hbm>>
        %dma_start3A_727 = arith.constant 0 : i32
        %dma_start3A_728 = tpu.memref_slice %arg4[%add3A_660, %dma_start3A_727] : memref<8192x256xf32, #tpu.memory_space<hbm>> -> memref<64x256xf32, #tpu.memory_space<hbm>>
        tpu.enqueue_dma source(%dma_start3A_728 : memref<64x256xf32, #tpu.memory_space<hbm>>) target(%arg11 : memref<64x256xf32, #tpu.memory_space<vmem>>) target_semaphore(%run_scoped3A : memref<!tpu.dma_semaphore, #tpu.memory_space<semaphore_mem>>)
        %dma_wait3A_729 = arith.constant 0 : i32
        %dma_wait3A_730 = tpu.memref_slice %arg4[%add3A_660, %dma_wait3A_729] : memref<8192x256xf32, #tpu.memory_space<hbm>> -> memref<64x256xf32, #tpu.memory_space<hbm>>
        %dma_wait3A_731 = arith.constant 0 : i32
        %dma_wait3A_732 = tpu.memref_slice %arg4[%add3A_660, %dma_wait3A_731] : memref<8192x256xf32, #tpu.memory_space<hbm>> -> memref<64x256xf32, #tpu.memory_space<hbm>>
        tpu.wait_dma2 semaphore(%run_scoped3A : memref<!tpu.dma_semaphore, #tpu.memory_space<semaphore_mem>>) src(%dma_wait3A_732 : memref<64x256xf32, #tpu.memory_space<hbm>>) dst(%arg11 : memref<64x256xf32, #tpu.memory_space<vmem>>)
        tpu.yield
      }) : () -> ()
      %scan3A_719 = arith.constant 0 : i32
      %scan3A_720 = arith.constant 0 : i32
      %scan3A_721 = arith.constant 1024 : i32
      %scan3A_722 = arith.addi %scan3A_720, %scan3A_721 : i32
      %scan3A_723 = arith.constant 1 : i32
      scf.for %scan3A_725 = %scan3A_720 to %scan3A_722 step %scan3A_723  : i32 {
        %jit3A_726 = arith.constant 16 : i32
        %div3A = arith.divsi %scan3A_725, %jit3A_726 : i32
        %sign3A = arith.constant 0 : i32
        %sign3A_727 = arith.cmpi sgt, %scan3A_725, %sign3A : i32
        %sign3A_728 = arith.extui %sign3A_727 : i1 to i32
        %sign3A_729 = arith.constant 0 : i32
        %sign3A_730 = arith.cmpi slt, %scan3A_725, %sign3A_729 : i32
        %sign3A_731 = arith.extui %sign3A_730 : i1 to i32
        %sign3A_732 = arith.subi %sign3A_728, %sign3A_731 : i32
        %sign3A_733 = arith.constant 0 : i32
        %sign3A_734 = arith.cmpi sgt, %jit3A_726, %sign3A_733 : i32
        %sign3A_735 = arith.extui %sign3A_734 : i1 to i32
        %sign3A_736 = arith.constant 0 : i32
        %sign3A_737 = arith.cmpi slt, %jit3A_726, %sign3A_736 : i32
        %sign3A_738 = arith.extui %sign3A_737 : i1 to i32
        %sign3A_739 = arith.subi %sign3A_735, %sign3A_738 : i32
        %ne3A_740 = arith.cmpi ne, %sign3A_732, %sign3A_739 : i32
        %rem3A_741 = arith.remsi %scan3A_725, %jit3A_726 : i32
        %ne3A_742 = arith.constant 0 : i32
        %ne3A_743 = arith.cmpi ne, %rem3A_741, %ne3A_742 : i32
        %and3A_744 = arith.andi %ne3A_740, %ne3A_743 : i1
        %sub3A = arith.constant 1 : i32
        %sub3A_745 = arith.subi %div3A, %sub3A : i32
        %select_n3A_746 = arith.select %and3A_744, %sub3A_745, %div3A : i32
        %jit3A_747 = arith.constant 16 : i32
        %eq3A_748 = arith.constant 0 : i32
        %eq3A_749 = arith.cmpi eq, %jit3A_747, %eq3A_748 : i32
        %jit3A_750 = arith.constant 1 : i32
        %select_n3A_751 = arith.select %eq3A_749, %jit3A_750, %jit3A_747 : i32
        %rem3A_752 = arith.remsi %scan3A_725, %select_n3A_751 : i32
        %ne3A_753 = arith.constant 0 : i32
        %ne3A_754 = arith.cmpi ne, %rem3A_752, %ne3A_753 : i32
        %lt3A_755 = arith.constant 0 : i32
        %lt3A_756 = arith.cmpi slt, %rem3A_752, %lt3A_755 : i32
        %lt3A_757 = arith.constant 0 : i32
        %lt3A_758 = arith.cmpi slt, %select_n3A_751, %lt3A_757 : i32
        %ne3A_759 = arith.xori %lt3A_756, %lt3A_758 : i1
        %and3A_760 = arith.andi %ne3A_759, %ne3A_754 : i1
        %add3A_761 = arith.addi %rem3A_752, %select_n3A_751 : i32
        %select_n3A_762 = arith.select %and3A_760, %add3A_761, %rem3A_752 : i32
        %mul3A_763 = arith.constant 16 : i32
        %mul3A_764 = arith.muli %select_n3A_762, %mul3A_763 : i32
        %get3A_765 = arith.index_cast %select_n3A_746 : i32 to index
        %get3A_766 = arith.index_cast %mul3A_764 : i32 to index
        %get3A_767 = tpu.vector_load %arg10[%get3A_765, %get3A_766] {strides = array<i32>} : memref<64x256xf32, #tpu.memory_space<vmem>>, vector<1x16xf32>,
        %get3A_768 = vector.shape_cast %get3A_767 : vector<1x16xf32> to vector<16xf32>
        %get3A_769 = arith.index_cast %select_n3A_746 : i32 to index
        %get3A_770 = arith.index_cast %mul3A_764 : i32 to index
        %get3A_771 = tpu.vector_load %arg11[%get3A_769, %get3A_770] {strides = array<i32>} : memref<64x256xf32, #tpu.memory_space<vmem>>, vector<1x16xf32>,
        %get3A_772 = vector.shape_cast %get3A_771 : vector<1x16xf32> to vector<16xf32>
        %mul3A_773 = arith.constant 6.250000e-02 : f32
        %mul3A_774 = vector.broadcast %mul3A_773 : f32 to vector<16xf32>
        %mul3A_775 = arith.mulf %get3A_772, %mul3A_774 : vector<16xf32>
        %add3A_776 = arith.addf %get3A_768, %mul3A_775 : vector<16xf32>
        %swap3A = arith.index_cast %select_n3A_746 : i32 to index
        %swap3A_777 = arith.index_cast %mul3A_764 : i32 to index
        %swap3A_778 = tpu.vector_load %arg10[%swap3A, %swap3A_777] {strides = array<i32>} : memref<64x256xf32, #tpu.memory_space<vmem>>, vector<1x16xf32>,
        %swap3A_779 = vector.shape_cast %swap3A_778 : vector<1x16xf32> to vector<16xf32>
        %swap3A_780 = vector.shape_cast %add3A_776 : vector<16xf32> to vector<1x16xf32>
        tpu.vector_store %arg10[%swap3A, %swap3A_777], %swap3A_780 {strides = array<i32>} : memref<64x256xf32, #tpu.memory_space<vmem>>, vector<1x16xf32>,
      }
      %scan3A_724 = arith.constant 1024 : i32
    } else {
    }
    %add3A_665 = arith.constant 15 : i32
    %add3A_666 = arith.addi %add3A_665, %add3A : i32
    %jit3A_667 = arith.constant 16 : i32
    %eq3A_668 = arith.constant 0 : i32
    %eq3A_669 = arith.cmpi eq, %jit3A_667, %eq3A_668 : i32
    %jit3A_670 = arith.constant 1 : i32
    %select_n3A_671 = arith.select %eq3A_669, %jit3A_670, %jit3A_667 : i32
    %rem3A_672 = arith.remsi %add3A_666, %select_n3A_671 : i32
    %ne3A_673 = arith.constant 0 : i32
    %ne3A_674 = arith.cmpi ne, %rem3A_672, %ne3A_673 : i32
    %lt3A_675 = arith.constant 0 : i32
    %lt3A_676 = arith.cmpi slt, %rem3A_672, %lt3A_675 : i32
    %lt3A_677 = arith.constant 0 : i32
    %lt3A_678 = arith.cmpi slt, %select_n3A_671, %lt3A_677 : i32
    %ne3A_679 = arith.xori %lt3A_676, %lt3A_678 : i1
    %and3A_680 = arith.andi %ne3A_679, %ne3A_674 : i1
    %add3A_681 = arith.addi %rem3A_672, %select_n3A_671 : i32
    %select_n3A_682 = arith.select %and3A_680, %add3A_681, %rem3A_672 : i32
    %add3A_683 = arith.constant 192 : i32
    %add3A_684 = arith.addi %mul3A_2, %add3A_683 : i32
    %dma_start3A_685 = arith.constant 0 : i32
    %dma_start3A_686 = tpu.memref_slice %arg5[%select_n3A_682, %add3A_684, %dma_start3A_685] : memref<16x8192x256xf32, #tpu.memory_space<hbm>> -> memref<1x64x256xf32, #tpu.memory_space<hbm>>
    %dma_start3A_687 = tpu.memref_squeeze %dma_start3A_686 : memref<1x64x256xf32, #tpu.memory_space<hbm>> -> memref<64x256xf32, #tpu.memory_space<hbm>>
    %dma_start3A_688 = arith.constant 0 : i32
    %dma_start3A_689 = tpu.memref_slice %arg5[%select_n3A_682, %add3A_684, %dma_start3A_688] : memref<16x8192x256xf32, #tpu.memory_space<hbm>> -> memref<1x64x256xf32, #tpu.memory_space<hbm>>
    %dma_start3A_690 = tpu.memref_squeeze %dma_start3A_689 : memref<1x64x256xf32, #tpu.memory_space<hbm>> -> memref<64x256xf32, #tpu.memory_space<hbm>>
    tpu.enqueue_dma source(%arg10 : memref<64x256xf32, #tpu.memory_space<vmem>>) target(%dma_start3A_690 : memref<64x256xf32, #tpu.memory_space<hbm>>) target_semaphore(%arg19 : memref<!tpu.dma_semaphore, #tpu.memory_space<semaphore_mem>>)
    %dma_wait3A_691 = arith.constant 0 : i32
    %dma_wait3A_692 = arith.constant 0 : i32
    %dma_wait3A_693 = tpu.memref_slice %arg5[%dma_wait3A_691, %mul3A_2, %dma_wait3A_692] : memref<16x8192x256xf32, #tpu.memory_space<hbm>> -> memref<1x64x256xf32, #tpu.memory_space<hbm>>
    %dma_wait3A_694 = tpu.memref_squeeze %dma_wait3A_693 : memref<1x64x256xf32, #tpu.memory_space<hbm>> -> memref<64x256xf32, #tpu.memory_space<hbm>>
    %dma_wait3A_695 = arith.constant 0 : i32
    %dma_wait3A_696 = tpu.memref_slice %arg5[%dma_wait3A_691, %mul3A_2, %dma_wait3A_695] : memref<16x8192x256xf32, #tpu.memory_space<hbm>> -> memref<1x64x256xf32, #tpu.memory_space<hbm>>
    %dma_wait3A_697 = tpu.memref_squeeze %dma_wait3A_696 : memref<1x64x256xf32, #tpu.memory_space<hbm>> -> memref<64x256xf32, #tpu.memory_space<hbm>>
    tpu.wait_dma2 semaphore(%arg16 : memref<!tpu.dma_semaphore, #tpu.memory_space<semaphore_mem>>) src(%arg7 : memref<64x256xf32, #tpu.memory_space<vmem>>) dst(%dma_wait3A_697 : memref<64x256xf32, #tpu.memory_space<hbm>>)
    %dma_wait3A_698 = arith.constant 0 : i32
    %dma_wait3A_699 = arith.constant 0 : i32
    %dma_wait3A_700 = tpu.memref_slice %arg5[%dma_wait3A_698, %mul3A_2, %dma_wait3A_699] : memref<16x8192x256xf32, #tpu.memory_space<hbm>> -> memref<1x64x256xf32, #tpu.memory_space<hbm>>
    %dma_wait3A_701 = tpu.memref_squeeze %dma_wait3A_700 : memref<1x64x256xf32, #tpu.memory_space<hbm>> -> memref<64x256xf32, #tpu.memory_space<hbm>>
    %dma_wait3A_702 = arith.constant 0 : i32
    %dma_wait3A_703 = tpu.memref_slice %arg5[%dma_wait3A_698, %mul3A_2, %dma_wait3A_702] : memref<16x8192x256xf32, #tpu.memory_space<hbm>> -> memref<1x64x256xf32, #tpu.memory_space<hbm>>
    %dma_wait3A_704 = tpu.memref_squeeze %dma_wait3A_703 : memref<1x64x256xf32, #tpu.memory_space<hbm>> -> memref<64x256xf32, #tpu.memory_space<hbm>>
    tpu.wait_dma2 semaphore(%arg17 : memref<!tpu.dma_semaphore, #tpu.memory_space<semaphore_mem>>) src(%arg8 : memref<64x256xf32, #tpu.memory_space<vmem>>) dst(%dma_wait3A_704 : memref<64x256xf32, #tpu.memory_space<hbm>>)
    %dma_wait3A_705 = arith.constant 0 : i32
    %dma_wait3A_706 = arith.constant 0 : i32
    %dma_wait3A_707 = tpu.memref_slice %arg5[%dma_wait3A_705, %mul3A_2, %dma_wait3A_706] : memref<16x8192x256xf32, #tpu.memory_space<hbm>> -> memref<1x64x256xf32, #tpu.memory_space<hbm>>
    %dma_wait3A_708 = tpu.memref_squeeze %dma_wait3A_707 : memref<1x64x256xf32, #tpu.memory_space<hbm>> -> memref<64x256xf32, #tpu.memory_space<hbm>>
    %dma_wait3A_709 = arith.constant 0 : i32
    %dma_wait3A_710 = tpu.memref_slice %arg5[%dma_wait3A_705, %mul3A_2, %dma_wait3A_709] : memref<16x8192x256xf32, #tpu.memory_space<hbm>> -> memref<1x64x256xf32, #tpu.memory_space<hbm>>
    %dma_wait3A_711 = tpu.memref_squeeze %dma_wait3A_710 : memref<1x64x256xf32, #tpu.memory_space<hbm>> -> memref<64x256xf32, #tpu.memory_space<hbm>>
    tpu.wait_dma2 semaphore(%arg18 : memref<!tpu.dma_semaphore, #tpu.memory_space<semaphore_mem>>) src(%arg9 : memref<64x256xf32, #tpu.memory_space<vmem>>) dst(%dma_wait3A_711 : memref<64x256xf32, #tpu.memory_space<hbm>>)
    %dma_wait3A_712 = arith.constant 0 : i32
    %dma_wait3A_713 = arith.constant 0 : i32
    %dma_wait3A_714 = tpu.memref_slice %arg5[%dma_wait3A_712, %mul3A_2, %dma_wait3A_713] : memref<16x8192x256xf32, #tpu.memory_space<hbm>> -> memref<1x64x256xf32, #tpu.memory_space<hbm>>
    %dma_wait3A_715 = tpu.memref_squeeze %dma_wait3A_714 : memref<1x64x256xf32, #tpu.memory_space<hbm>> -> memref<64x256xf32, #tpu.memory_space<hbm>>
    %dma_wait3A_716 = arith.constant 0 : i32
    %dma_wait3A_717 = tpu.memref_slice %arg5[%dma_wait3A_712, %mul3A_2, %dma_wait3A_716] : memref<16x8192x256xf32, #tpu.memory_space<hbm>> -> memref<1x64x256xf32, #tpu.memory_space<hbm>>
    %dma_wait3A_718 = tpu.memref_squeeze %dma_wait3A_717 : memref<1x64x256xf32, #tpu.memory_space<hbm>> -> memref<64x256xf32, #tpu.memory_space<hbm>>
    tpu.wait_dma2 semaphore(%arg19 : memref<!tpu.dma_semaphore, #tpu.memory_space<semaphore_mem>>) src(%arg10 : memref<64x256xf32, #tpu.memory_space<vmem>>) dst(%dma_wait3A_718 : memref<64x256xf32, #tpu.memory_space<hbm>>)
    return
  }
}

</mosaic_0001>

<sc_bundles>
// kernel: kernel.3.cloned.1.call-start
scs
__scs_entry_jumppad:
0x0: {  	(pc) =	sbr.rel $0x88, $3  }
0x1: {  	(tag) =	ssettag $0x0;
	lr =	simm.s32 $0x1  }
0x2: {  	[smem:$0x3F9E] =	sst lr;
	_ =	strace $0xD0000000  }
0x3: {  	_ = 	snop  }
0x4: {  	_ = 	snop  }
0x5: {  	_ = 	snop  }
0x6: {  	_ = 	snop  }
0x7: {  	_ = 	snop  }
__scs_overlays_trampoline_lowered:
0x8: {  	[smem:$0x3FAD] =	sst s0  }
0x9: {  	[smem:$0x3FAE] =	sst s1  }
0xa: {  	[smem:$0x3FAF] =	sst s2  }
0xb: {  	[smem:$0x3FB0] =	sst s3  }
0xc: {  	[smem:$0x3FB1] =	sst s4  }
0xd: {  	[smem:$0x3FB2] =	sst s5  }
0xe: {  	[smem:$0x3FB3] =	sst s6  }
0xf: {  	[smem:$0x3FB4] =	sst s7  }
0x10: {  	[smem:$0x3FB5] =	sst s8  }
0x11: {  	[smem:$0x3FB6] =	sst s9;
	s0 =	simm.s32 @!p0 $0x0  }
0x12: {  	s1 =	sld [smem:$0x3F9C];
	s0 =	simm.s32 @p0 $0x1  }
0x13: {  	[smem:$0x3FB7] =	sst s0;
	s0 =	simm.s32 @!p1 $0x0  }
0x14: {  	s2 =	sld [smem:$0x3F9B];
	s0 =	simm.s32 @p1 $0x1  }
0x15: {  	[smem:$0x3FB8] =	sst s0;
	s0 =	simm.s32 @!p2 $0x0  }
0x16: {  	s3 =	sld [smem:$0x3FDB];
	s0 =	simm.s32 @p2 $0x1  }
0x17: {  	s4 =	simm.s32 $0x1BF5;
	[smem:$0x3FBA] =	sst s0  }
0x18: {  	s0 =	sld [smem:$0x3F9D];
	_ =	swait.ge [sflag:s4], $0x0  }
0x19: {  	s7 =	sld [smem:$0x3F9E]  }
0x1a: {  	s8 =	sadd.s32 $0xFFFFE003, lr  }
0x1b: {  	s9 =	sadd.s32 $0xFFFFFEF7, lr;
	s5 =	simm.s32 $0xFFFFFFFF;
	p2 =	slt.u32 s8, $0xFFFFF086  }
0x1c: {  	p1 =	slt.u32 s9, $0xF7A;
	s5 =	simm.s32 @!p2 $0x0  }
0x1d: {  	s5 =	simm.s32 @p1 $0x1;
	p0 =	seq.s32 s7, s2  }
0x1e: {  	s7 =	smul.u32 @!p0 $0xF7A, s2;
	p2 =	seq.s32 @!p0 s5, $0x0  }
0x1f: {  	s9 =	smul.u32 $0xF7A, s1;
	s8 =	simm.s32 @!p0 $0x1BF5;
	p2 =	por !p2, p0  }
0x20: {  	[sflag:s8] =	ssyncset.s32 @!p0 $0xFFFFF086;
	s6 =	sadd.s32 @!p0 s3, s7;
	s7 =	simm.s32 @!p0 $0x108  }
0x21: {  	s3 =	sadd.s32 s3, s9;
	s6 =	sadd.s32 @!p0 $0x88, s6;
	s7 =	simm.s32 @p2 $0x1082  }
0x22: {  	[simem:s7], [sflag:s8] =	dma.local @!p0 [hbm:s6], $0xF7A  }
0x23: {  	s9 =	sor.u32 $0xD0000000, s2;
	s6 =	simm.s32 $0x108;
	_ =	swait.ge @!p0 [sflag:s8], $0x0  }
0x24: {  	s3 =	sadd.s32 $0x88, s3;
	s6 =	simm.s32 @!p1 $0x1082;
	[sflag:s4] =	ssyncset.s32 $0xFFFFF086  }
0x25: {  	[simem:s6], [sflag:s4] =	dma.local [hbm:s3], $0xF7A  }
0x26: {  	[smem:$0x3F9E] =	sst s1;
	(tag) =	ssettag s2;
	_ =	strace s9  }
0x27: {  	s1 =	sld [smem:$0x3FAE]  }
0x28: {  	s2 =	sld [smem:$0x3FAF]  }
0x29: {  	s4 =	sld [smem:$0x3FB1]  }
0x2a: {  	p0 =	seq.s32 s5, $0x0;
	s5 =	sld [smem:$0x3FB2]  }
0x2b: {  	s6 =	sld [smem:$0x3FB3]  }
0x2c: {  	s7 =	sld [smem:$0x3FB4]  }
0x2d: {  	s3 =	simm.s32 $0x108;
	s8 =	sld [smem:$0x3FB5]  }
0x2e: {  	s3 =	simm.s32 @!p0 $0x1082;
	s9 =	sld [smem:$0x3FB6]  }
0x2f: {  	lr =	sadd.s32 s0, s3;
	s0 =	sld [smem:$0x3FAD]  }
0x30: {  	s3 =	sld [smem:$0x3FB0]  }
0x31: {  	[smem:$0x3FB9] =	sst s10  }
0x32: {  	s10 =	sld [smem:$0x3FB7];
	_ =	sdelay $0x3  }
0x33: {  	p0 =	seq.s32 s10, $0x1;
	s10 =	sld [smem:$0x3FB9];
	_ =	sdelay $0x3  }
0x34: {  	[smem:$0x3FB9] =	sst s10  }
0x35: {  	s10 =	sld [smem:$0x3FB8];
	_ =	sdelay $0x3  }
0x36: {  	p1 =	seq.s32 s10, $0x1;
	s10 =	sld [smem:$0x3FB9];
	_ =	sdelay $0x3  }
0x37: {  	[smem:$0x3FB9] =	sst s10  }
0x38: {  	s10 =	sld [smem:$0x3FBA]  }
0x39: {  	_ = 	snop;
	(pc) =	sbr.ind lr, $3  }
0x3a: {  	_ = 	snop  }
0x3b: {  	_ = 	snop  }
0x3c: {  	p2 =	seq.s32 s10, $0x1;
	s10 =	sld [smem:$0x3FB9]  }
0x3d: {  	_ =	shalt  }
0x3e: {  	_ =	shalt  }
0x3f: {  	_ =	shalt  }
0x40: {  	_ =	shalt  }
0x41: {  	_ =	shalt  }
0x42: {  	_ =	shalt  }
0x43: {  	_ =	shalt  }
0x44: {  	_ =	shalt  }
0x45: {  	_ =	shalt  }
0x46: {  	_ =	shalt  }
0x47: {  	_ =	shalt  }
0x48: {  	_ =	shalt  }
0x49: {  	_ =	shalt  }
0x4a: {  	_ =	shalt  }
0x4b: {  	_ =	shalt  }
0x4c: {  	_ =	shalt  }
0x4d: {  	_ =	shalt  }
0x4e: {  	_ =	shalt  }
0x4f: {  	_ =	shalt  }
0x50: {  	_ =	shalt  }
0x51: {  	_ =	shalt  }
0x52: {  	_ =	shalt  }
0x53: {  	_ =	shalt  }
0x54: {  	_ =	shalt  }
0x55: {  	_ =	shalt  }
0x56: {  	_ =	shalt  }
0x57: {  	_ =	shalt  }
0x58: {  	_ =	shalt  }
0x59: {  	_ =	shalt  }
0x5a: {  	_ =	shalt  }
0x5b: {  	_ =	shalt  }
0x5c: {  	_ =	shalt  }
0x5d: {  	_ =	shalt  }
0x5e: {  	_ =	shalt  }
0x5f: {  	_ =	shalt  }
0x60: {  	_ =	shalt  }
0x61: {  	_ =	shalt  }
0x62: {  	_ =	shalt  }
0x63: {  	_ =	shalt  }
0x64: {  	_ =	shalt  }
0x65: {  	_ =	shalt  }
0x66: {  	_ =	shalt  }
0x67: {  	_ =	shalt  }
0x68: {  	_ =	shalt  }
0x69: {  	_ =	shalt  }
0x6a: {  	_ =	shalt  }
0x6b: {  	_ =	shalt  }
0x6c: {  	_ =	shalt  }
0x6d: {  	_ =	shalt  }
0x6e: {  	_ =	shalt  }
0x6f: {  	_ =	shalt  }
0x70: {  	_ =	shalt  }
0x71: {  	_ =	shalt  }
0x72: {  	_ =	shalt  }
0x73: {  	_ =	shalt  }
0x74: {  	_ =	shalt  }
0x75: {  	_ =	shalt  }
0x76: {  	_ =	shalt  }
0x77: {  	_ =	shalt  }
0x78: {  	_ =	shalt  }
0x79: {  	_ =	shalt  }
0x7a: {  	_ =	shalt  }
0x7b: {  	_ =	shalt  }
0x7c: {  	_ =	shalt  }
0x7d: {  	_ =	shalt  }
0x7e: {  	_ =	shalt  }
0x7f: {  	_ =	shalt  }
0x80: {  	_ =	shalt  }
0x81: {  	_ =	shalt  }
0x82: {  	_ =	shalt  }
0x83: {  	_ =	shalt  }
0x84: {  	_ =	shalt  }
0x85: {  	_ =	shalt  }
0x86: {  	_ =	shalt  }
0x87: {  	_ =	shalt  }
.Lfunc_end0:
.L_simem_size_0:
called_computation_lowered:
.L_overlay_start_0:
0x88: {  	s2 =	sld [smem:$0x3FD9]  }
0x89: {  	s3 =	sld [smem:$0x3FFE];
	_ =	sdelay $0x1  }
0x8a: {  	s1 =	srdreg.scid  }
0x8b: {  	s0 =	sand.u32 $0x1, s1  }
0x8c: {  	s17 =	sshll.u32 s0, $0xA;
	s2 =	sadd.s32 s3, s2  }
0x8d: {  	s2 =	sadd.s32 s2, s17  }
0x8e: {  	[smem:$0x3FC5] =	sst s2  }
0x8f: {  	_ = 	snop  }
0x90: {  	s2 =	sld [smem:$0x3FC9]  }
0x91: {  	s18 =	sld [smem:$0x3FC8]  }
0x92: {  	s4 =	sld [smem:$0x3FD0];
	(tm) =	ssettm $0x1  }
0x93: {  	s5 =	sld [smem:$0x3FFB];
	_ =	sdelay $0x3  }
0x94: {  	_ =	strace s5  }
0x95: {  	s5 =	sld [smem:$0x3FFC];
	_ =	sdelay $0x3  }
0x96: {  	_ =	strace s5  }
0x97: {  	s5 =	sld [smem:$0x3FFD];
	_ =	sdelay $0x3  }
0x98: {  	_ =	strace s5  }
0x99: {  	_ =	strace $0x8FFFFFFF  }
0x9a: {  	s19 =	sld [smem:$0x3FDB];
	_ =	sdelay $0x1  }
0x9b: {  	s6 =	simm.s32 $_scs_section_size  }
0x9c: {  	s7 =	simm.s32 $_size__tile_overlayer_lowered;
	s8 =	simm.s32 $_tile_overlayer_lowered  }
0x9d: {  	s22 =	simm.s32 $0x1BFF;
	s21 =	sshll.u32 s8, $0x1;
	s5 =	sadd.s32 s6, s19  }
0x9e: {  	s9 =	simm.s32 $0x0;
	s20 =	sshll.u32 s7, $0x1;
	s7 =	sadd.s32 s21, s5  }
0x9f: {  	[timem:s9], [sflag:s22] =	dma.local [hbm:s7], s20  }
0xa0: {  	_ =	swait.ge [sflag:s22], s20  }
0xa1: {  	s6 =	ssub.s32 $0x0, s20;
	[sflag:s22] =	ssyncset.done $0x0  }
0xa2: {  	[sflag:s22] =	ssyncadd.s32 s6;
	_ =	sdelay $0x1  }
0xa3: {  	s23 =	simm.s32 $0x1B8B  }
0xa4: {  	_ =	swait.ge [sflag:s23], $0x1  }
0xa5: {  	[sflag:s23] =	ssyncset.done $0x0  }
0xa6: {  	s25 =	simm.s32 $0x1B8E;
	s24 =	sld [smem:$0x3FFE];
	[sflag:s23] =	ssyncadd.s32 $0xFFFFFFFF  }
0xa7: {  	s26 =	simm.s32 $execute0_lowered;
	[smem:$0x3FD2] =	sst s25  }
0xa8: {  	s7 =	sshll.u32 s26, $0x1;
	_ =	strace $0x80000046;
	[dreg:$0x1] =	wrdreg $0xFFFFFFFF  }
0xa9: {  	s28 =	simm.s32 $_size_execute0_lowered;
	s5 =	sadd.s32 s5, s7;
	[dreg:$0x0] =	wrdreg $0x0  }
0xaa: {  	s7 =	sshll.u32 s28, $0x1;
	[dreg:$0x2] =	wrdreg s5  }
0xab: {  	[dreg:$0x3] =	wrdreg s7  }
0xac: {  	[dreg:$0x4] =	wrdreg $0xC0  }
0xad: {  	_ =	task [dreg:s9], $0x5FFFF  }
0xae: {  	[dreg:$0x1] =	wrdreg $0xFFFFFFFF  }
0xaf: {  	[dreg:$0x0] =	wrdreg $0x60  }
0xb0: {  	[dreg:$0x2] =	wrdreg s24  }
0xb1: {  	[dreg:$0x3] =	wrdreg s2  }
0xb2: {  	[dreg:$0x4] =	wrdreg s18  }
0xb3: {  	[dreg:$0x5] =	wrdreg s4  }
0xb4: {  	[dreg:$0x6] =	wrdreg $0x9  }
0xb5: {  	_ =	task.clear_ibuf [dreg:s9], $0x7FFFF;
	_ =	strace $0x90000046  }
0xb6: {  	s29 =	simm.s32 $0x9;
	_ =	strace $0x80000048  }
0xb7: {  	_ =	swait.ge [sflag:s29], $0x1  }
0xb8: {  	[sflag:s29] =	ssyncadd.s32 $0xFFFFFFFF  }
0xb9: {  	_ =	strace $0x90000048  }
0xba: {  	_ =	sfence  }
0xbb: {  	s30 =	sld [smem:$0x0];
	_ =	sdelay $0x2  }
0xbc: {  	s31 =	sshll.u32 s1, $0xD;
	s1 =	sshrl.u32 s1, $0x2  }
0xbd: {  	s3 =	sand.u32 $0x4000, s31;
	s1 =	sadd.s32 s1, s30  }
0xbe: {  	s0 =	sor.u32 s3, s0;
	s1 =	sshll.u32 s1, $0x11  }
0xbf: {  	s0 =	sor.u32 s1, s0  }
0xc0: {  	s0 =	sadd.s32 $0x8F2B, s0  }
0xc1: {  	[sflag:s0] =	ssyncadd.remote.s32 $0x1  }
0xc2: {  	_ =	sfence.sel $0xFFFF  }
0xc3: {  	[dreg:$0x0] =	wrdreg $0xFFFFFFFF;
	(pc) =	sbr.abs _section_cstart, $3  }
0xc4: {  	[dreg:$0x1] =	wrdreg $0xFFFFFFFF  }
0xc5: {  	_ =	task.clear_ibuf [dreg:s9], $0x2FFFF;
	_ =	strace $0x9FFFFFFF  }
0xc6: {  	(tm) =	ssettm $0x7FFFFFFF  }
0xc7: {  	_ =	shalt  }
tec
execute0_lowered:
.L_overlay_start_1:
0x0: {  	(tag) =	ssettag $0x1  }
0x1: {  	s0 =	rddreg [dreg:$0x0]  }
0x2: {  	s11 =	rddreg [dreg:$0x1]  }
0x3: {  	s1 =	rddreg [dreg:$0x2]  }
0x4: {  	s12 =	rddreg [dreg:$0x3];
	s4 =	simm.s32 $0x0  }
0x5: {  	s2 =	srdreg.scid;
	s3 =	stileid.u32;
	s31 =	simm.s32 $0x3  }
0x6: {  	[smem:$0x7FF] =	sst s4;
	s2 =	sand.u32 $0x1, s2;
	s3 =	sshll.u32 s3, $0x1  }
0x7: {  	s0 =	sadd.s32 $0x400, s0;
	s29 =	smov.u32 s11;
	s30 =	smov.u32 s12  }
0x8: {  	_ =	strace $0x80000047;
	s6 =	ssub.s32 $0x2, s2;
	s5 =	sor.u32 s2, s3  }
0x9: {  	[dreg:$0x5] =	wrdreg s0;
	s15 =	sshrl.u32 s6, $0x1;
	s2 =	sand.u32 $0xF, s5  }
0xa: {  	s3 =	sshll.u32 s5, $0x10;
	s19 =	sshll.u32 s5, $0x15;
	s0 =	ssub.s32 s6, s15  }
0xb: {  	[dreg:$0x6] =	wrdreg s2;
	s2 =	sshll.u32 s2, $0x15;
	s7 =	sor.u32 $0x4000, s3  }
0xc: {  	s13 =	sor.u32 $0x8000, s3;
	s14 =	sor.u32 $0xC000, s3;
	s20 =	sadd.s32 $0x200000, s19  }
0xd: {  	s15 =	sshll.u32 s5, $0xD;
	s16 =	sor.u32 s3, s2;
	s8 =	sor.u32 s7, s2  }
0xe: {  	s9 =	sor.u32 s13, s2;
	s2 =	sor.u32 s14, s2;
	s21 =	sshrl.u32 s7, $0x3  }
0xf: {  	s24 =	sshrl.u32 s13, $0x3;
	s28 =	sshrl.u32 s14, $0x3;
	[dreg:$0x7] =	wrdreg s13  }
0x10: {  	s19 =	sor.u32 $0x800, s15;
	[dreg:$0xc] =	wrdreg s14;
	s0 =	smax.u32 s0, $0x1  }
0x11: {  	s6 =	sshrl.u32 s16, $0x3;
	s25 =	sadd.s32 s1, s24;
	[smem:$0x7FD] =	sst s0  }
0x12: {  	s8 =	sshrl.u32 s8, $0x3;
	s10 =	sadd.s32 s11, s6;
	[dreg:$0x10] =	wrdreg s25  }
0x13: {  	s9 =	sshrl.u32 s9, $0x3;
	s17 =	sadd.s32 s11, s8;
	[dreg:$0x8] =	wrdreg s10  }
0x14: {  	s2 =	sshrl.u32 s2, $0x3;
	s18 =	sadd.s32 s11, s9;
	[dreg:$0x9] =	wrdreg s17  }
0x15: {  	s16 =	sadd.s32 $0xFFFFFFFF, s5;
	s6 =	sadd.s32 s12, s6;
	[dreg:$0xa] =	wrdreg s18  }
0x16: {  	s0 =	simm.s32 $0x6;
	s8 =	sadd.s32 s12, s8;
	[dreg:$0xb] =	wrdreg s6  }
0x17: {  	s26 =	sadd.s32 s12, s9;
	s9 =	sadd.s32 s1, s28;
	[dreg:$0xe] =	wrdreg s8  }
0x18: {  	s6 =	sand.u32 $0x1E00000, s20;
	s10 =	sadd.s32 s1, s21;
	[dreg:$0x11] =	wrdreg s26  }
0x19: {  	[dreg:$0x13] =	wrdreg s9;
	s17 =	sand.u32 $0xF, s16;
	s18 =	sadd.s32 s1, s15  }
0x1a: {  	s1 =	sadd.s32 s1, s19;
	s20 =	sadd.s32 s12, s15;
	[dreg:$0xd] =	wrdreg s10  }
0x1b: {  	s16 =	simm.s32 $0x8080;
	s9 =	simm.s32 $0x8;
	[dreg:$0x17] =	wrdreg s18  }
0x1c: {  	s22 =	sor.u32 s3, s6;
	s6 =	sor.u32 s7, s6;
	[dreg:$0x18] =	wrdreg s1  }
0x1d: {  	s10 =	sadd.s32 s11, s2;
	s2 =	sadd.s32 s12, s2;
	[dreg:$0x19] =	wrdreg s20  }
0x1e: {  	[dreg:$0x16] =	wrdreg s17;
	s21 =	sshll.u32 s17, $0x15;
	s18 =	simm.s32 $0x1  }
0x1f: {  	s23 =	sshrl.u32 s22, $0x3;
	s6 =	sshrl.u32 s6, $0x3;
	[dreg:$0x14] =	wrdreg s10  }
0x20: {  	[dreg:$0x15] =	wrdreg s2;
	s2 =	sadd.s32 s11, s15;
	s22 =	sadd.s32 s12, s19  }
0x21: {  	s3 =	sor.u32 s3, s21;
	s24 =	sor.u32 s7, s21;
	s1 =	sor.u32 s14, s21  }
0x22: {  	s14 =	simm.s32 $0x80;
	s15 =	simm.s32 $0x4080;
	s7 =	simm.s32 $0x10080  }
0x23: {  	s8 =	sadd.s32 s11, s23;
	s6 =	sadd.s32 s11, s6;
	[dreg:$0x1a] =	wrdreg s2  }
0x24: {  	[dreg:$0x1b] =	wrdreg s22;
	s23 =	sor.u32 s13, s21;
	s3 =	sshrl.u32 s3, $0x3  }
0x25: {  	s1 =	sshrl.u32 s1, $0x3;
	s25 =	sshrl.u32 s24, $0x3;
	[dreg:$0xf] =	wrdreg s8  }
0x26: {  	s21 =	simm.s32 $0x2;
	[dreg:$0x12] =	wrdreg s6;
	s6 =	sadd.s32 s11, s19  }
0x27: {  	s22 =	simm.s32 $0x5;
	s3 =	sadd.s32 s12, s3;
	[dreg:$0x1c] =	wrdreg s6  }
0x28: {  	s2 =	sshrl.u32 s23, $0x3;
	s28 =	sadd.s32 s11, s1;
	[dreg:$0x1d] =	wrdreg s3  }
.Ltmp0:
0x29: {  	s1 =	sadd.s32 s12, s1;
	[smem:$0x7FB] =	sst s28;
	(pc) =	sbr.rel .LBB2_1-.Ltmp0, $4  }
0x2a: {  	s19 =	simm.s32 $0xC080;
	s3 =	sadd.s32 s12, s25;
	[smem:$0x7FC] =	sst s1  }
0x2b: {  	s26 =	sadd.s32 s11, s2;
	s2 =	sadd.s32 s12, s2;
	[dreg:$0x1e] =	wrdreg s3  }
0x2c: {  	s12 =	simm.s32 $0x9;
	s6 =	simm.s32 $0x7;
	[dreg:$0x1f] =	wrdreg s26  }
0x2d: {  	[smem:$0x7FA] =	sst s2;
	s2 =	simm.s32 $0x4;
	s3 =	simm.s32 $0x0  }
.LBB2_50:
0x2e: {  	s1 =	sld [smem:$0x7FC];
	_ =	sdelay $0x2  }
0x2f: {  	[hbm4b:s1+s4] =	stream.linear.scatter [tilespmem:s19], [sflag:$0x8], $0x4000, $0x38;
	[tilespmem:$0x14080] =	vst v63  }
0x30: {  	_ =	swait.ge [sflag:s22], $0x4000  }
0x31: {  	[sflag:s22] =	ssyncset.done $0x0  }
0x32: {  	[sflag:s22] =	ssyncadd.s32 $0xFFFFC000  }
0x33: {  	_ =	swait.ge [sflag:s0], $0x4000  }
0x34: {  	[sflag:s0] =	ssyncset.done $0x0  }
0x35: {  	[sflag:s0] =	ssyncadd.s32 $0xFFFFC000  }
0x36: {  	_ =	swait.ge [sflag:s6], $0x4000  }
0x37: {  	[sflag:s6] =	ssyncset.done $0x0  }
0x38: {  	[sflag:s6] =	ssyncadd.s32 $0xFFFFC000  }
0x39: {  	_ =	swait.ge [sflag:s9], $0x4000  }
0x3a: {  	s28 =	sld [smem:$0x7FD];
	_ =	sdelay $0x1  }
0x3b: {  	s3 =	sadd.s32 $0x1, s3  }
0x3c: {  	p0 =	sne.s32 s3, s28  }
.Ltmp1:
0x3d: {  	_ = 	snop;
	(pc) =	sbr.rel @!p0 .LBB2_51-.Ltmp1, $3  }
0x3e: {  	_ =	sdelay $0x1  }
0x3f: {  	[sflag:s9] =	ssyncset.done $0x0  }
0x40: {  	[sflag:s9] =	ssyncadd.s32 $0xFFFFC000  }
.LBB2_1:
0x41: {  	[smem:$0x7F9] =	sst s3  }
0x42: {  	s1 =	rddreg [dreg:$0x5]  }
0x43: {  	[tilespmem:s4], [sflag:$0x9] =	stream.linear.gather [hbm4b:s1+s4], $0x80, $0x38;
	[tilespmem:$0x14080] =	vst v63  }
0x44: {  	_ =	swait.ge [sflag:s12], $0x80  }
0x45: {  	[sflag:s12] =	ssyncset.done $0x0  }
0x46: {  	[sflag:s12] =	ssyncadd.s32 $0xFFFFFF80  }
0x47: {  	v0 =	vld [tilespmem:$0x0];
	_ =	sdelay $0x4  }
0x48: {  	(v2sf) =	vpush v0, $0x0;
	_ =	sdelay $0x8  }
0x49: {  	s24 =	rddreg [dreg:$0x8]  }
0x4a: {  	[tilespmem:s14], [sflag:$0x1] =	stream.linear.gather [hbm4b:s24+s4], $0x4000, $0x38;
	[tilespmem:$0x14080] =	vst v63  }
0x4b: {  	s25 =	rddreg [dreg:$0x9]  }
0x4c: {  	[tilespmem:s15], [sflag:$0x2] =	stream.linear.gather [hbm4b:s25+s4], $0x4000, $0x38;
	[tilespmem:$0x14080] =	vst v63  }
0x4d: {  	s26 =	rddreg [dreg:$0xa]  }
0x4e: {  	[tilespmem:s16], [sflag:$0x3] =	stream.linear.gather [hbm4b:s26+s4], $0x4000, $0x38;
	[tilespmem:$0x14080] =	vst v63  }
0x4f: {  	s11 =	spop (v2sf)  }
0x50: {  	_ =	swait.ge [sflag:s18], $0x4000  }
0x51: {  	s28 =	rddreg [dreg:$0x6]  }
0x52: {  	p0 =	sne.s32 s28, s11  }
.Ltmp2:
0x53: {  	_ = 	snop;
	(pc) =	sbr.rel @p0 .LBB2_5-.Ltmp2, $3  }
0x54: {  	_ =	sdelay $0x1  }
0x55: {  	[sflag:s18] =	ssyncset.done $0x0  }
0x56: {  	[sflag:s18] =	ssyncadd.s32 $0xFFFFC000  }
0x57: {  	s1 =	simm.s32 $0x0;
	s3 =	rddreg [dreg:$0x17];
	s26 =	simm.s32 $0x0  }
0x58: {  	[tilespmem:s7], [sflag:$0x9] =	stream.linear.gather [hbm4b:s3+s1], $0x4000, $0x38;
	[tilespmem:$0x14080] =	vst v63  }
0x59: {  	s10 =	simm.s32 $0x0;
	s8 =	sand.u32 $0x70, s1;
	s1 =	sand.u32 $0x400, s1  }
0x5a: {  	s3 =	sand.u32 $0x3800, s26;
	_ =	swait.ge [sflag:s12], $0x4000;
	s1 =	sor.u32 s1, s8  }
0x5b: {  	s28 =	sand.u32 $0x380, s10;
	[sflag:s12] =	ssyncset.done $0x0;
	s1 =	sor.u32 s3, s1  }
0x5c: {  	[sflag:s12] =	ssyncadd.s32 $0xFFFFC000;
	s10 =	sor.u32 s28, s1  }
0x5d: {  	v1 =	vld [tilespmem:s10+$0x10080];
	_ =	sdelay $0x1  }
0x5e: {  	s17 =	simm.s32 $0x10;
	s20 =	simm.s32 $0x80;
	v0 =	vld [tilespmem:s10+$0x80]  }
0x5f: {  	s13 =	sand.u32 $0x70, s17;
	s23 =	sand.u32 $0x400, s20  }
0x60: {  	s8 =	simm.s32 $0x10;
	s3 =	simm.s32 $0x8;
	s1 =	simm.s32 $0x2  }
.LBB2_3:
0x61: {  	p1 =	sne.s32 s1, $0x3FF;
	s8 =	sand.u32 $0x3800, s8;
	s13 =	sor.u32 s23, s13;
	v1 =	vmul.f32 $6.250000000e-02, v1  }
0x62: {  	s3 =	sand.u32 $0x380, s3;
	s8 =	sor.u32 s8, s13  }
0x63: {  	s3 =	sor.u32 s3, s8;
	v0 =	vadd.f32 v1, v0  }
.Ltmp3:
0x64: {  	v1 =	vld [tilespmem:s3+$0x10080];
	(pc) =	sbr.rel @p1 .LBB2_3-.Ltmp3, $4  }
0x65: {  	[tilespmem:s10+$0x80] =	vst v0;
	s10 =	smov.u32 s3  }
0x66: {  	s17 =	sadd.s32 $0x10, s17;
	v0 =	vld [tilespmem:s10+$0x80]  }
0x67: {  	s20 =	sadd.s32 $0x80, s20;
	s8 =	sshll.u32 s1, $0x4;
	s3 =	sshll.u32 s1, $0x3  }
0x68: {  	s13 =	sand.u32 $0x70, s17;
	s23 =	sand.u32 $0x400, s20;
	s1 =	sadd.s32 $0x1, s1  }
0x69: {  	s1 =	sand.u32 $0x3800, s8;
	s28 =	sor.u32 s23, s13;
	v1 =	vmul.f32 $6.250000000e-02, v1  }
0x6a: {  	s3 =	sand.u32 $0x380, s3;
	s1 =	sor.u32 s1, s28  }
0x6b: {  	s1 =	sor.u32 s3, s1;
	v0 =	vadd.f32 v1, v0  }
0x6c: {  	v63 =	vld [tilespmem:s1+$0x10080]  }
0x6d: {  	[tilespmem:s10+$0x80] =	vst v0  }
0x6e: {  	v0 =	vld [tilespmem:s1+$0x80];
	_ =	sdelay $0x2  }
0x6f: {  	v1 =	vmul.f32 $6.250000000e-02, v63;
	_ =	sdelay $0x1  }
0x70: {  	v0 =	vadd.f32 v1, v0;
	_ =	sdelay $0x1  }
0x71: {  	[tilespmem:s1+$0x80] =	vst v0  }
.LBB2_5:
0x72: {  	s1 =	rddreg [dreg:$0xb]  }
0x73: {  	[hbm4b:s1+s4] =	stream.linear.scatter [tilespmem:s14], [sflag:$0x5], $0x4000, $0x38;
	[tilespmem:$0x14080] =	vst v63  }
.Ltmp4:
0x74: {  	s28 =	rddreg [dreg:$0x14];
	(pc) =	sbr.rel @p0 .LBB2_9-.Ltmp4, $4  }
0x75: {  	[tilespmem:s19], [sflag:$0x4] =	stream.linear.gather [hbm4b:s28+s4], $0x4000, $0x38;
	[tilespmem:$0x14080] =	vst v63  }
0x76: {  	_ =	swait.ge [sflag:s21], $0x4000  }
0x77: {  	[sflag:s21] =	ssyncset.done $0x0  }
0x78: {  	[sflag:s21] =	ssyncadd.s32 $0xFFFFC000  }
0x79: {  	s1 =	simm.s32 $0x0;
	s3 =	rddreg [dreg:$0xd];
	s26 =	simm.s32 $0x0  }
0x7a: {  	[tilespmem:s7], [sflag:$0x9] =	stream.linear.gather [hbm4b:s3+s1], $0x4000, $0x38;
	[tilespmem:$0x14080] =	vst v63  }
0x7b: {  	s10 =	simm.s32 $0x0;
	s8 =	sand.u32 $0x70, s1;
	s1 =	sand.u32 $0x400, s1  }
0x7c: {  	s3 =	sand.u32 $0x3800, s26;
	_ =	swait.ge [sflag:s12], $0x4000;
	s1 =	sor.u32 s1, s8  }
0x7d: {  	s28 =	sand.u32 $0x380, s10;
	[sflag:s12] =	ssyncset.done $0x0;
	s1 =	sor.u32 s3, s1  }
0x7e: {  	[sflag:s12] =	ssyncadd.s32 $0xFFFFC000;
	s10 =	sor.u32 s28, s1  }
0x7f: {  	v1 =	vld [tilespmem:s10+$0x10080];
	_ =	sdelay $0x1  }
0x80: {  	s17 =	simm.s32 $0x10;
	s20 =	simm.s32 $0x80;
	v0 =	vld [tilespmem:s10+$0x4080]  }
0x81: {  	s13 =	sand.u32 $0x70, s17;
	s23 =	sand.u32 $0x400, s20  }
0x82: {  	s8 =	simm.s32 $0x10;
	s3 =	simm.s32 $0x8;
	s1 =	simm.s32 $0x2  }
.LBB2_7:
0x83: {  	p1 =	sne.s32 s1, $0x3FF;
	s8 =	sand.u32 $0x3800, s8;
	s13 =	sor.u32 s23, s13;
	v1 =	vmul.f32 $6.250000000e-02, v1  }
0x84: {  	s3 =	sand.u32 $0x380, s3;
	s8 =	sor.u32 s8, s13  }
0x85: {  	s3 =	sor.u32 s3, s8;
	v0 =	vadd.f32 v1, v0  }
.Ltmp5:
0x86: {  	v1 =	vld [tilespmem:s3+$0x10080];
	(pc) =	sbr.rel @p1 .LBB2_7-.Ltmp5, $4  }
0x87: {  	[tilespmem:s10+$0x4080] =	vst v0;
	s10 =	smov.u32 s3  }
0x88: {  	s17 =	sadd.s32 $0x10, s17;
	v0 =	vld [tilespmem:s10+$0x4080]  }
0x89: {  	s20 =	sadd.s32 $0x80, s20;
	s8 =	sshll.u32 s1, $0x4;
	s3 =	sshll.u32 s1, $0x3  }
0x8a: {  	s13 =	sand.u32 $0x70, s17;
	s23 =	sand.u32 $0x400, s20;
	s1 =	sadd.s32 $0x1, s1  }
0x8b: {  	s1 =	sand.u32 $0x3800, s8;
	s28 =	sor.u32 s23, s13;
	v1 =	vmul.f32 $6.250000000e-02, v1  }
0x8c: {  	s3 =	sand.u32 $0x380, s3;
	s1 =	sor.u32 s1, s28  }
0x8d: {  	s1 =	sor.u32 s3, s1;
	v0 =	vadd.f32 v1, v0  }
0x8e: {  	v63 =	vld [tilespmem:s1+$0x10080]  }
0x8f: {  	[tilespmem:s10+$0x4080] =	vst v0  }
0x90: {  	v0 =	vld [tilespmem:s1+$0x4080];
	_ =	sdelay $0x2  }
0x91: {  	v1 =	vmul.f32 $6.250000000e-02, v63;
	_ =	sdelay $0x1  }
0x92: {  	v0 =	vadd.f32 v1, v0;
	_ =	sdelay $0x1  }
0x93: {  	[tilespmem:s1+$0x4080] =	vst v0  }
.LBB2_9:
0x94: {  	s1 =	rddreg [dreg:$0xe]  }
0x95: {  	[hbm4b:s1+s4] =	stream.linear.scatter [tilespmem:s15], [sflag:$0x6], $0x4000, $0x38;
	[tilespmem:$0x14080] =	vst v63  }
0x96: {  	_ =	swait.ge [sflag:s22], $0x4000  }
0x97: {  	[sflag:s22] =	ssyncset.done $0x0  }
.Ltmp6:
0x98: {  	s28 =	rddreg [dreg:$0xf];
	[sflag:s22] =	ssyncadd.s32 $0xFFFFC000;
	(pc) =	sbr.rel @p0 .LBB2_13-.Ltmp6, $4  }
0x99: {  	[tilespmem:s14], [sflag:$0x1] =	stream.linear.gather [hbm4b:s28+s4], $0x4000, $0x38;
	[tilespmem:$0x14080] =	vst v63  }
0x9a: {  	_ =	swait.ge [sflag:s31], $0x4000  }
0x9b: {  	[sflag:s31] =	ssyncset.done $0x0  }
0x9c: {  	[sflag:s31] =	ssyncadd.s32 $0xFFFFC000  }
0x9d: {  	s1 =	simm.s32 $0x0;
	s3 =	rddreg [dreg:$0x10];
	s26 =	simm.s32 $0x0  }
0x9e: {  	[tilespmem:s7], [sflag:$0x9] =	stream.linear.gather [hbm4b:s3+s1], $0x4000, $0x38;
	[tilespmem:$0x14080] =	vst v63  }
0x9f: {  	s10 =	simm.s32 $0x0;
	s8 =	sand.u32 $0x70, s1;
	s1 =	sand.u32 $0x400, s1  }
0xa0: {  	s3 =	sand.u32 $0x3800, s26;
	_ =	swait.ge [sflag:s12], $0x4000;
	s1 =	sor.u32 s1, s8  }
0xa1: {  	s28 =	sand.u32 $0x380, s10;
	[sflag:s12] =	ssyncset.done $0x0;
	s1 =	sor.u32 s3, s1  }
0xa2: {  	[sflag:s12] =	ssyncadd.s32 $0xFFFFC000;
	s10 =	sor.u32 s28, s1  }
0xa3: {  	v1 =	vld [tilespmem:s10+$0x10080];
	_ =	sdelay $0x1  }
0xa4: {  	s17 =	simm.s32 $0x10;
	s20 =	simm.s32 $0x80;
	v0 =	vld [tilespmem:s10+$0x8080]  }
0xa5: {  	s13 =	sand.u32 $0x70, s17;
	s23 =	sand.u32 $0x400, s20  }
0xa6: {  	s8 =	simm.s32 $0x10;
	s3 =	simm.s32 $0x8;
	s1 =	simm.s32 $0x2  }
.LBB2_11:
0xa7: {  	p1 =	sne.s32 s1, $0x3FF;
	s8 =	sand.u32 $0x3800, s8;
	s13 =	sor.u32 s23, s13;
	v1 =	vmul.f32 $6.250000000e-02, v1  }
0xa8: {  	s3 =	sand.u32 $0x380, s3;
	s8 =	sor.u32 s8, s13  }
0xa9: {  	s3 =	sor.u32 s3, s8;
	v0 =	vadd.f32 v1, v0  }
.Ltmp7:
0xaa: {  	v1 =	vld [tilespmem:s3+$0x10080];
	(pc) =	sbr.rel @p1 .LBB2_11-.Ltmp7, $4  }
0xab: {  	[tilespmem:s10+$0x8080] =	vst v0;
	s10 =	smov.u32 s3  }
0xac: {  	s17 =	sadd.s32 $0x10, s17;
	v0 =	vld [tilespmem:s10+$0x8080]  }
0xad: {  	s20 =	sadd.s32 $0x80, s20;
	s8 =	sshll.u32 s1, $0x4;
	s3 =	sshll.u32 s1, $0x3  }
0xae: {  	s13 =	sand.u32 $0x70, s17;
	s23 =	sand.u32 $0x400, s20;
	s1 =	sadd.s32 $0x1, s1  }
0xaf: {  	s1 =	sand.u32 $0x3800, s8;
	s28 =	sor.u32 s23, s13;
	v1 =	vmul.f32 $6.250000000e-02, v1  }
0xb0: {  	s3 =	sand.u32 $0x380, s3;
	s1 =	sor.u32 s1, s28  }
0xb1: {  	s1 =	sor.u32 s3, s1;
	v0 =	vadd.f32 v1, v0  }
0xb2: {  	v63 =	vld [tilespmem:s1+$0x10080]  }
0xb3: {  	[tilespmem:s10+$0x8080] =	vst v0  }
0xb4: {  	v0 =	vld [tilespmem:s1+$0x8080];
	_ =	sdelay $0x2  }
0xb5: {  	v1 =	vmul.f32 $6.250000000e-02, v63;
	_ =	sdelay $0x1  }
0xb6: {  	v0 =	vadd.f32 v1, v0;
	_ =	sdelay $0x1  }
0xb7: {  	[tilespmem:s1+$0x8080] =	vst v0  }
.LBB2_13:
0xb8: {  	s1 =	rddreg [dreg:$0x11]  }
0xb9: {  	[hbm4b:s1+s4] =	stream.linear.scatter [tilespmem:s16], [sflag:$0x7], $0x4000, $0x38;
	[tilespmem:$0x14080] =	vst v63  }
0xba: {  	_ =	swait.ge [sflag:s0], $0x4000  }
0xbb: {  	[sflag:s0] =	ssyncset.done $0x0  }
.Ltmp8:
0xbc: {  	s28 =	rddreg [dreg:$0x12];
	[sflag:s0] =	ssyncadd.s32 $0xFFFFC000;
	(pc) =	sbr.rel @p0 .LBB2_17-.Ltmp8, $4  }
0xbd: {  	[tilespmem:s15], [sflag:$0x2] =	stream.linear.gather [hbm4b:s28+s4], $0x4000, $0x38;
	[tilespmem:$0x14080] =	vst v63  }
0xbe: {  	_ =	swait.ge [sflag:s2], $0x4000  }
0xbf: {  	[sflag:s2] =	ssyncset.done $0x0  }
0xc0: {  	[sflag:s2] =	ssyncadd.s32 $0xFFFFC000  }
0xc1: {  	s1 =	simm.s32 $0x0;
	s3 =	rddreg [dreg:$0x13];
	s26 =	simm.s32 $0x0  }
0xc2: {  	[tilespmem:s7], [sflag:$0x9] =	stream.linear.gather [hbm4b:s3+s1], $0x4000, $0x38;
	[tilespmem:$0x14080] =	vst v63  }
0xc3: {  	s10 =	simm.s32 $0x0;
	s8 =	sand.u32 $0x70, s1;
	s1 =	sand.u32 $0x400, s1  }
0xc4: {  	s3 =	sand.u32 $0x3800, s26;
	_ =	swait.ge [sflag:s12], $0x4000;
	s1 =	sor.u32 s1, s8  }
0xc5: {  	s28 =	sand.u32 $0x380, s10;
	[sflag:s12] =	ssyncset.done $0x0;
	s1 =	sor.u32 s3, s1  }
0xc6: {  	[sflag:s12] =	ssyncadd.s32 $0xFFFFC000;
	s10 =	sor.u32 s28, s1  }
0xc7: {  	v1 =	vld [tilespmem:s10+$0x10080];
	_ =	sdelay $0x1  }
0xc8: {  	s17 =	simm.s32 $0x10;
	s20 =	simm.s32 $0x80;
	v0 =	vld [tilespmem:s10+$0xC080]  }
0xc9: {  	s13 =	sand.u32 $0x70, s17;
	s23 =	sand.u32 $0x400, s20  }
0xca: {  	s8 =	simm.s32 $0x10;
	s3 =	simm.s32 $0x8;
	s1 =	simm.s32 $0x2  }
.LBB2_15:
0xcb: {  	p0 =	sne.s32 s1, $0x3FF;
	s8 =	sand.u32 $0x3800, s8;
	s13 =	sor.u32 s23, s13;
	v1 =	vmul.f32 $6.250000000e-02, v1  }
0xcc: {  	s3 =	sand.u32 $0x380, s3;
	s8 =	sor.u32 s8, s13  }
0xcd: {  	s3 =	sor.u32 s3, s8;
	v0 =	vadd.f32 v1, v0  }
.Ltmp9:
0xce: {  	v1 =	vld [tilespmem:s3+$0x10080];
	(pc) =	sbr.rel @p0 .LBB2_15-.Ltmp9, $4  }
0xcf: {  	[tilespmem:s10+$0xC080] =	vst v0;
	s10 =	smov.u32 s3  }
0xd0: {  	s17 =	sadd.s32 $0x10, s17;
	v0 =	vld [tilespmem:s10+$0xC080]  }
0xd1: {  	s20 =	sadd.s32 $0x80, s20;
	s8 =	sshll.u32 s1, $0x4;
	s3 =	sshll.u32 s1, $0x3  }
0xd2: {  	s13 =	sand.u32 $0x70, s17;
	s23 =	sand.u32 $0x400, s20;
	s1 =	sadd.s32 $0x1, s1  }
0xd3: {  	s1 =	sand.u32 $0x3800, s8;
	s28 =	sor.u32 s23, s13;
	v1 =	vmul.f32 $6.250000000e-02, v1  }
0xd4: {  	s3 =	sand.u32 $0x380, s3;
	s1 =	sor.u32 s1, s28  }
0xd5: {  	s1 =	sor.u32 s3, s1;
	v0 =	vadd.f32 v1, v0  }
0xd6: {  	v63 =	vld [tilespmem:s1+$0x10080]  }
0xd7: {  	[tilespmem:s10+$0xC080] =	vst v0  }
0xd8: {  	v0 =	vld [tilespmem:s1+$0xC080];
	_ =	sdelay $0x2  }
0xd9: {  	v1 =	vmul.f32 $6.250000000e-02, v63;
	_ =	sdelay $0x1  }
0xda: {  	v0 =	vadd.f32 v1, v0;
	_ =	sdelay $0x1  }
0xdb: {  	[tilespmem:s1+$0xC080] =	vst v0  }
.LBB2_17:
.Ltmp10:
0xdc: {  	(pc) =	sbr.rel .LBB2_18-.Ltmp10, $3  }
0xdd: {  	_ =	sdelay $0x1  }
0xde: {  	s1 =	rddreg [dreg:$0x15];
	s23 =	simm.s32 $0x1  }
0xdf: {  	[hbm4b:s1+s4] =	stream.linear.scatter [tilespmem:s19], [sflag:$0x8], $0x4000, $0x38;
	[tilespmem:$0x14080] =	vst v63  }
.LBB2_34:
0xe0: {  	p0 =	sne.s32 s23, $0xF  }
.Ltmp11:
0xe1: {  	_ = 	snop;
	(pc) =	sbr.rel @!p0 .LBB2_35-.Ltmp11, $3  }
0xe2: {  	_ =	sdelay $0x1  }
0xe3: {  	s1 =	sadd.s32 s30, s25  }
0xe4: {  	[hbm4b:s1+s4] =	stream.linear.scatter [tilespmem:s19], [sflag:$0x8], $0x4000, $0x38;
	[tilespmem:$0x14080] =	vst v63  }
.LBB2_18:
0xe5: {  	s1 =	sadd.s32 s5, s23  }
0xe6: {  	_ =	swait.ge [sflag:s6], $0x4000;
	s17 =	sand.u32 $0xF, s1  }
0xe7: {  	s28 =	rddreg [dreg:$0x7];
	s25 =	sshll.u32 s17, $0x15  }
0xe8: {  	s1 =	sor.u32 s28, s25  }
0xe9: {  	[sflag:s6] =	ssyncset.done $0x0;
	p0 =	sne.s32 s17, s11;
	s10 =	sshrl.u32 s1, $0x3  }
.Ltmp12:
0xea: {  	[sflag:s6] =	ssyncadd.s32 $0xFFFFC000;
	s1 =	sadd.s32 s29, s10;
	(pc) =	sbr.rel @p0 .LBB2_22-.Ltmp12, $4  }
0xeb: {  	[tilespmem:s16], [sflag:$0x3] =	stream.linear.gather [hbm4b:s1+s4], $0x4000, $0x38;
	[tilespmem:$0x14080] =	vst v63  }
0xec: {  	_ =	swait.ge [sflag:s18], $0x4000  }
0xed: {  	[sflag:s18] =	ssyncset.done $0x0  }
0xee: {  	[sflag:s18] =	ssyncadd.s32 $0xFFFFC000  }
0xef: {  	s1 =	simm.s32 $0x0;
	s3 =	rddreg [dreg:$0x17];
	s24 =	simm.s32 $0x0  }
0xf0: {  	[tilespmem:s7], [sflag:$0x9] =	stream.linear.gather [hbm4b:s3+s1], $0x4000, $0x38;
	[tilespmem:$0x14080] =	vst v63  }
0xf1: {  	s13 =	simm.s32 $0x0;
	s8 =	sand.u32 $0x70, s1;
	s1 =	sand.u32 $0x400, s1  }
0xf2: {  	s3 =	sand.u32 $0x3800, s24;
	_ =	swait.ge [sflag:s12], $0x4000;
	s1 =	sor.u32 s1, s8  }
0xf3: {  	s26 =	sand.u32 $0x380, s13;
	[sflag:s12] =	ssyncset.done $0x0;
	s1 =	sor.u32 s3, s1  }
0xf4: {  	[sflag:s12] =	ssyncadd.s32 $0xFFFFC000;
	s20 =	sor.u32 s26, s1  }
0xf5: {  	v1 =	vld [tilespmem:s20+$0x10080];
	_ =	sdelay $0x1  }
0xf6: {  	s24 =	simm.s32 $0x10;
	v0 =	vld [tilespmem:s20+$0x80]  }
0xf7: {  	s13 =	simm.s32 $0x10;
	s8 =	simm.s32 $0x8;
	s1 =	simm.s32 $0x80  }
0xf8: {  	s3 =	simm.s32 $0x2;
	s26 =	sand.u32 $0x70, s24;
	s28 =	sand.u32 $0x400, s1  }
.LBB2_20:
0xf9: {  	p1 =	sne.s32 s3, $0x3FF;
	s13 =	sand.u32 $0x3800, s13;
	s26 =	sor.u32 s28, s26;
	v1 =	vmul.f32 $6.250000000e-02, v1  }
0xfa: {  	s8 =	sand.u32 $0x380, s8;
	s13 =	sor.u32 s13, s26  }
0xfb: {  	s8 =	sor.u32 s8, s13;
	v0 =	vadd.f32 v1, v0  }
.Ltmp13:
0xfc: {  	v1 =	vld [tilespmem:s8+$0x10080];
	(pc) =	sbr.rel @p1 .LBB2_20-.Ltmp13, $4  }
0xfd: {  	[tilespmem:s20+$0x80] =	vst v0;
	s20 =	smov.u32 s8  }
0xfe: {  	s24 =	sadd.s32 $0x10, s24;
	v0 =	vld [tilespmem:s20+$0x80]  }
0xff: {  	s1 =	sadd.s32 $0x80, s1;
	s13 =	sshll.u32 s3, $0x4;
	s8 =	sshll.u32 s3, $0x3  }
0x100: {  	s26 =	sand.u32 $0x70, s24;
	s28 =	sand.u32 $0x400, s1;
	s3 =	sadd.s32 $0x1, s3  }
0x101: {  	s1 =	sand.u32 $0x3800, s13;
	s3 =	sor.u32 s28, s26;
	v1 =	vmul.f32 $6.250000000e-02, v1  }
0x102: {  	s8 =	sand.u32 $0x380, s8;
	s1 =	sor.u32 s1, s3  }
0x103: {  	s1 =	sor.u32 s8, s1;
	v0 =	vadd.f32 v1, v0  }
0x104: {  	v63 =	vld [tilespmem:s1+$0x10080]  }
0x105: {  	[tilespmem:s20+$0x80] =	vst v0  }
0x106: {  	v0 =	vld [tilespmem:s1+$0x80];
	_ =	sdelay $0x2  }
0x107: {  	v1 =	vmul.f32 $6.250000000e-02, v63;
	_ =	sdelay $0x1  }
0x108: {  	v0 =	vadd.f32 v1, v0;
	_ =	sdelay $0x1  }
0x109: {  	[tilespmem:s1+$0x80] =	vst v0  }
.LBB2_22:
0x10a: {  	s17 =	sshll.u32 s17, $0x12;
	s1 =	rddreg [dreg:$0x19]  }
0x10b: {  	s1 =	sadd.s32 s17, s1  }
0x10c: {  	[hbm4b:s1+s4] =	stream.linear.scatter [tilespmem:s14], [sflag:$0x5], $0x4000, $0x38;
	[tilespmem:$0x14080] =	vst v63  }
0x10d: {  	_ =	swait.ge [sflag:s9], $0x4000  }
0x10e: {  	s28 =	rddreg [dreg:$0xc]  }
0x10f: {  	s1 =	sor.u32 s28, s25  }
0x110: {  	[sflag:s9] =	ssyncset.done $0x0;
	s25 =	sshrl.u32 s1, $0x3  }
.Ltmp14:
0x111: {  	[sflag:s9] =	ssyncadd.s32 $0xFFFFC000;
	s1 =	sadd.s32 s29, s25;
	(pc) =	sbr.rel @p0 .LBB2_26-.Ltmp14, $4  }
0x112: {  	[tilespmem:s19], [sflag:$0x4] =	stream.linear.gather [hbm4b:s1+s4], $0x4000, $0x38;
	[tilespmem:$0x14080] =	vst v63  }
0x113: {  	_ =	swait.ge [sflag:s21], $0x4000  }
0x114: {  	[sflag:s21] =	ssyncset.done $0x0  }
0x115: {  	[sflag:s21] =	ssyncadd.s32 $0xFFFFC000  }
0x116: {  	s1 =	simm.s32 $0x0;
	s3 =	rddreg [dreg:$0x18];
	s24 =	simm.s32 $0x0  }
0x117: {  	[tilespmem:s7], [sflag:$0x9] =	stream.linear.gather [hbm4b:s3+s1], $0x4000, $0x38;
	[tilespmem:$0x14080] =	vst v63  }
0x118: {  	s13 =	simm.s32 $0x0;
	s8 =	sand.u32 $0x70, s1;
	s1 =	sand.u32 $0x400, s1  }
0x119: {  	s3 =	sand.u32 $0x3800, s24;
	_ =	swait.ge [sflag:s12], $0x4000;
	s1 =	sor.u32 s1, s8  }
0x11a: {  	s26 =	sand.u32 $0x380, s13;
	[sflag:s12] =	ssyncset.done $0x0;
	s1 =	sor.u32 s3, s1  }
0x11b: {  	[sflag:s12] =	ssyncadd.s32 $0xFFFFC000;
	s20 =	sor.u32 s26, s1  }
0x11c: {  	v1 =	vld [tilespmem:s20+$0x10080];
	_ =	sdelay $0x1  }
0x11d: {  	s24 =	simm.s32 $0x10;
	v0 =	vld [tilespmem:s20+$0x4080]  }
0x11e: {  	s13 =	simm.s32 $0x10;
	s8 =	simm.s32 $0x8;
	s1 =	simm.s32 $0x80  }
0x11f: {  	s3 =	simm.s32 $0x2;
	s26 =	sand.u32 $0x70, s24;
	s28 =	sand.u32 $0x400, s1  }
.LBB2_24:
0x120: {  	p1 =	sne.s32 s3, $0x3FF;
	s13 =	sand.u32 $0x3800, s13;
	s26 =	sor.u32 s28, s26;
	v1 =	vmul.f32 $6.250000000e-02, v1  }
0x121: {  	s8 =	sand.u32 $0x380, s8;
	s13 =	sor.u32 s13, s26  }
0x122: {  	s8 =	sor.u32 s8, s13;
	v0 =	vadd.f32 v1, v0  }
.Ltmp15:
0x123: {  	v1 =	vld [tilespmem:s8+$0x10080];
	(pc) =	sbr.rel @p1 .LBB2_24-.Ltmp15, $4  }
0x124: {  	[tilespmem:s20+$0x4080] =	vst v0;
	s20 =	smov.u32 s8  }
0x125: {  	s24 =	sadd.s32 $0x10, s24;
	v0 =	vld [tilespmem:s20+$0x4080]  }
0x126: {  	s1 =	sadd.s32 $0x80, s1;
	s13 =	sshll.u32 s3, $0x4;
	s8 =	sshll.u32 s3, $0x3  }
0x127: {  	s26 =	sand.u32 $0x70, s24;
	s28 =	sand.u32 $0x400, s1;
	s3 =	sadd.s32 $0x1, s3  }
0x128: {  	s1 =	sand.u32 $0x3800, s13;
	s3 =	sor.u32 s28, s26;
	v1 =	vmul.f32 $6.250000000e-02, v1  }
0x129: {  	s8 =	sand.u32 $0x380, s8;
	s1 =	sor.u32 s1, s3  }
0x12a: {  	s1 =	sor.u32 s8, s1;
	v0 =	vadd.f32 v1, v0  }
0x12b: {  	v63 =	vld [tilespmem:s1+$0x10080]  }
0x12c: {  	[tilespmem:s20+$0x4080] =	vst v0  }
0x12d: {  	v0 =	vld [tilespmem:s1+$0x4080];
	_ =	sdelay $0x2  }
0x12e: {  	v1 =	vmul.f32 $6.250000000e-02, v63;
	_ =	sdelay $0x1  }
0x12f: {  	v0 =	vadd.f32 v1, v0;
	_ =	sdelay $0x1  }
0x130: {  	[tilespmem:s1+$0x4080] =	vst v0  }
.LBB2_26:
0x131: {  	s1 =	rddreg [dreg:$0x1b];
	s23 =	sadd.s32 $0x1, s23  }
0x132: {  	s1 =	sadd.s32 s17, s1;
	s26 =	sadd.s32 s5, s23  }
0x133: {  	[hbm4b:s1+s4] =	stream.linear.scatter [tilespmem:s15], [sflag:$0x6], $0x4000, $0x38;
	[tilespmem:$0x14080] =	vst v63  }
0x134: {  	s1 =	sshll.u32 s26, $0x12;
	_ =	swait.ge [sflag:s22], $0x4000  }
0x135: {  	s17 =	sand.u32 $0x3C0000, s1;
	[sflag:s22] =	ssyncset.done $0x0;
	s28 =	rddreg [dreg:$0x1a]  }
.Ltmp16:
0x136: {  	[sflag:s22] =	ssyncadd.s32 $0xFFFFC000;
	s1 =	sadd.s32 s17, s28;
	(pc) =	sbr.rel @p0 .LBB2_30-.Ltmp16, $4  }
0x137: {  	[tilespmem:s14], [sflag:$0x1] =	stream.linear.gather [hbm4b:s1+s4], $0x4000, $0x38;
	[tilespmem:$0x14080] =	vst v63  }
0x138: {  	_ =	swait.ge [sflag:s31], $0x4000  }
0x139: {  	[sflag:s31] =	ssyncset.done $0x0  }
0x13a: {  	[sflag:s31] =	ssyncadd.s32 $0xFFFFC000  }
0x13b: {  	s1 =	simm.s32 $0x0;
	s3 =	rddreg [dreg:$0x10];
	s24 =	simm.s32 $0x0  }
0x13c: {  	[tilespmem:s7], [sflag:$0x9] =	stream.linear.gather [hbm4b:s3+s1], $0x4000, $0x38;
	[tilespmem:$0x14080] =	vst v63  }
0x13d: {  	s13 =	simm.s32 $0x0;
	s8 =	sand.u32 $0x70, s1;
	s1 =	sand.u32 $0x400, s1  }
0x13e: {  	s3 =	sand.u32 $0x3800, s24;
	_ =	swait.ge [sflag:s12], $0x4000;
	s1 =	sor.u32 s1, s8  }
0x13f: {  	s26 =	sand.u32 $0x380, s13;
	[sflag:s12] =	ssyncset.done $0x0;
	s1 =	sor.u32 s3, s1  }
0x140: {  	[sflag:s12] =	ssyncadd.s32 $0xFFFFC000;
	s20 =	sor.u32 s26, s1  }
0x141: {  	v1 =	vld [tilespmem:s20+$0x10080];
	_ =	sdelay $0x1  }
0x142: {  	s24 =	simm.s32 $0x10;
	v0 =	vld [tilespmem:s20+$0x8080]  }
0x143: {  	s13 =	simm.s32 $0x10;
	s8 =	simm.s32 $0x8;
	s1 =	simm.s32 $0x80  }
0x144: {  	s3 =	simm.s32 $0x2;
	s26 =	sand.u32 $0x70, s24;
	s28 =	sand.u32 $0x400, s1  }
.LBB2_28:
0x145: {  	p1 =	sne.s32 s3, $0x3FF;
	s13 =	sand.u32 $0x3800, s13;
	s26 =	sor.u32 s28, s26;
	v1 =	vmul.f32 $6.250000000e-02, v1  }
0x146: {  	s8 =	sand.u32 $0x380, s8;
	s13 =	sor.u32 s13, s26  }
0x147: {  	s8 =	sor.u32 s8, s13;
	v0 =	vadd.f32 v1, v0  }
.Ltmp17:
0x148: {  	v1 =	vld [tilespmem:s8+$0x10080];
	(pc) =	sbr.rel @p1 .LBB2_28-.Ltmp17, $4  }
0x149: {  	[tilespmem:s20+$0x8080] =	vst v0;
	s20 =	smov.u32 s8  }
0x14a: {  	s24 =	sadd.s32 $0x10, s24;
	v0 =	vld [tilespmem:s20+$0x8080]  }
0x14b: {  	s1 =	sadd.s32 $0x80, s1;
	s13 =	sshll.u32 s3, $0x4;
	s8 =	sshll.u32 s3, $0x3  }
0x14c: {  	s26 =	sand.u32 $0x70, s24;
	s28 =	sand.u32 $0x400, s1;
	s3 =	sadd.s32 $0x1, s3  }
0x14d: {  	s1 =	sand.u32 $0x3800, s13;
	s3 =	sor.u32 s28, s26;
	v1 =	vmul.f32 $6.250000000e-02, v1  }
0x14e: {  	s8 =	sand.u32 $0x380, s8;
	s1 =	sor.u32 s1, s3  }
0x14f: {  	s1 =	sor.u32 s8, s1;
	v0 =	vadd.f32 v1, v0  }
0x150: {  	v63 =	vld [tilespmem:s1+$0x10080]  }
0x151: {  	[tilespmem:s20+$0x8080] =	vst v0  }
0x152: {  	v0 =	vld [tilespmem:s1+$0x8080];
	_ =	sdelay $0x2  }
0x153: {  	v1 =	vmul.f32 $6.250000000e-02, v63;
	_ =	sdelay $0x1  }
0x154: {  	v0 =	vadd.f32 v1, v0;
	_ =	sdelay $0x1  }
0x155: {  	[tilespmem:s1+$0x8080] =	vst v0  }
.LBB2_30:
0x156: {  	s1 =	sadd.s32 s30, s10  }
0x157: {  	[hbm4b:s1+s4] =	stream.linear.scatter [tilespmem:s16], [sflag:$0x7], $0x4000, $0x38;
	[tilespmem:$0x14080] =	vst v63  }
0x158: {  	_ =	swait.ge [sflag:s0], $0x4000  }
0x159: {  	[sflag:s0] =	ssyncset.done $0x0;
	s28 =	rddreg [dreg:$0x1c]  }
.Ltmp18:
0x15a: {  	[sflag:s0] =	ssyncadd.s32 $0xFFFFC000;
	s1 =	sadd.s32 s17, s28;
	(pc) =	sbr.rel @p0 .LBB2_34-.Ltmp18, $4  }
0x15b: {  	[tilespmem:s15], [sflag:$0x2] =	stream.linear.gather [hbm4b:s1+s4], $0x4000, $0x38;
	[tilespmem:$0x14080] =	vst v63  }
0x15c: {  	_ =	swait.ge [sflag:s2], $0x4000  }
0x15d: {  	[sflag:s2] =	ssyncset.done $0x0  }
0x15e: {  	[sflag:s2] =	ssyncadd.s32 $0xFFFFC000  }
0x15f: {  	s1 =	simm.s32 $0x0;
	s3 =	rddreg [dreg:$0x13];
	s26 =	simm.s32 $0x0  }
0x160: {  	[tilespmem:s7], [sflag:$0x9] =	stream.linear.gather [hbm4b:s3+s1], $0x4000, $0x38;
	[tilespmem:$0x14080] =	vst v63  }
0x161: {  	s10 =	simm.s32 $0x0;
	s8 =	sand.u32 $0x70, s1;
	s1 =	sand.u32 $0x400, s1  }
0x162: {  	s3 =	sand.u32 $0x3800, s26;
	_ =	swait.ge [sflag:s12], $0x4000;
	s1 =	sor.u32 s1, s8  }
0x163: {  	s28 =	sand.u32 $0x380, s10;
	[sflag:s12] =	ssyncset.done $0x0;
	s1 =	sor.u32 s3, s1  }
0x164: {  	[sflag:s12] =	ssyncadd.s32 $0xFFFFC000;
	s10 =	sor.u32 s28, s1  }
0x165: {  	v1 =	vld [tilespmem:s10+$0x10080];
	_ =	sdelay $0x1  }
0x166: {  	s17 =	simm.s32 $0x10;
	v0 =	vld [tilespmem:s10+$0xC080]  }
0x167: {  	s13 =	simm.s32 $0x10;
	s20 =	sand.u32 $0x70, s17;
	s1 =	simm.s32 $0x80  }
0x168: {  	s8 =	simm.s32 $0x8;
	s3 =	simm.s32 $0x2;
	s24 =	sand.u32 $0x400, s1  }
.LBB2_32:
0x169: {  	p0 =	sne.s32 s3, $0x3FF;
	s13 =	sand.u32 $0x3800, s13;
	s20 =	sor.u32 s24, s20;
	v1 =	vmul.f32 $6.250000000e-02, v1  }
0x16a: {  	s8 =	sand.u32 $0x380, s8;
	s13 =	sor.u32 s13, s20  }
0x16b: {  	s8 =	sor.u32 s8, s13;
	v0 =	vadd.f32 v1, v0  }
.Ltmp19:
0x16c: {  	v1 =	vld [tilespmem:s8+$0x10080];
	(pc) =	sbr.rel @p0 .LBB2_32-.Ltmp19, $4  }
0x16d: {  	[tilespmem:s10+$0xC080] =	vst v0;
	s10 =	smov.u32 s8  }
0x16e: {  	s17 =	sadd.s32 $0x10, s17;
	v0 =	vld [tilespmem:s10+$0xC080]  }
0x16f: {  	s1 =	sadd.s32 $0x80, s1;
	s13 =	sshll.u32 s3, $0x4;
	s8 =	sshll.u32 s3, $0x3  }
0x170: {  	s20 =	sand.u32 $0x70, s17;
	s24 =	sand.u32 $0x400, s1;
	s3 =	sadd.s32 $0x1, s3  }
0x171: {  	s1 =	sand.u32 $0x3800, s13;
	s3 =	sor.u32 s24, s20;
	v1 =	vmul.f32 $6.250000000e-02, v1  }
0x172: {  	s8 =	sand.u32 $0x380, s8;
	s1 =	sor.u32 s1, s3  }
0x173: {  	s1 =	sor.u32 s8, s1;
	v0 =	vadd.f32 v1, v0  }
0x174: {  	v63 =	vld [tilespmem:s1+$0x10080]  }
0x175: {  	[tilespmem:s10+$0xC080] =	vst v0  }
0x176: {  	v0 =	vld [tilespmem:s1+$0xC080];
	_ =	sdelay $0x2  }
.Ltmp20:
0x177: {  	v1 =	vmul.f32 $6.250000000e-02, v63;
	(pc) =	sbr.rel .LBB2_34-.Ltmp20, $3  }
0x178: {  	_ = 	snop  }
0x179: {  	v0 =	vadd.f32 v1, v0;
	_ =	sdelay $0x1  }
0x17a: {  	[tilespmem:s1+$0xC080] =	vst v0  }
.LBB2_35:
0x17b: {  	_ =	swait.ge [sflag:s6], $0x4000  }
0x17c: {  	[sflag:s6] =	ssyncset.done $0x0  }
0x17d: {  	s1 =	rddreg [dreg:$0x1f];
	[sflag:s6] =	ssyncadd.s32 $0xFFFFC000  }
0x17e: {  	[tilespmem:s16], [sflag:$0x3] =	stream.linear.gather [hbm4b:s1+s4], $0x4000, $0x38;
	[tilespmem:$0x14080] =	vst v63  }
0x17f: {  	_ =	swait.ge [sflag:s18], $0x4000  }
0x180: {  	s28 =	rddreg [dreg:$0x16]  }
0x181: {  	p0 =	sne.s32 s28, s11  }
.Ltmp21:
0x182: {  	_ = 	snop;
	(pc) =	sbr.rel @p0 .LBB2_39-.Ltmp21, $3  }
0x183: {  	_ =	sdelay $0x1  }
0x184: {  	[sflag:s18] =	ssyncset.done $0x0  }
0x185: {  	[sflag:s18] =	ssyncadd.s32 $0xFFFFC000  }
0x186: {  	s1 =	simm.s32 $0x0;
	s3 =	rddreg [dreg:$0x17];
	s26 =	simm.s32 $0x0  }
0x187: {  	[tilespmem:s7], [sflag:$0x9] =	stream.linear.gather [hbm4b:s3+s1], $0x4000, $0x38;
	[tilespmem:$0x14080] =	vst v63  }
0x188: {  	s10 =	simm.s32 $0x0;
	s8 =	sand.u32 $0x70, s1;
	s1 =	sand.u32 $0x400, s1  }
0x189: {  	s3 =	sand.u32 $0x3800, s26;
	_ =	swait.ge [sflag:s12], $0x4000;
	s1 =	sor.u32 s1, s8  }
0x18a: {  	s28 =	sand.u32 $0x380, s10;
	[sflag:s12] =	ssyncset.done $0x0;
	s1 =	sor.u32 s3, s1  }
0x18b: {  	[sflag:s12] =	ssyncadd.s32 $0xFFFFC000;
	s10 =	sor.u32 s28, s1  }
0x18c: {  	v1 =	vld [tilespmem:s10+$0x10080];
	_ =	sdelay $0x1  }
0x18d: {  	s11 =	simm.s32 $0x10;
	v0 =	vld [tilespmem:s10+$0x80]  }
0x18e: {  	s13 =	simm.s32 $0x10;
	s17 =	sand.u32 $0x70, s11;
	s1 =	simm.s32 $0x80  }
0x18f: {  	s8 =	simm.s32 $0x8;
	s3 =	simm.s32 $0x2;
	s20 =	sand.u32 $0x400, s1  }
.LBB2_37:
0x190: {  	p1 =	sne.s32 s3, $0x3FF;
	s13 =	sand.u32 $0x3800, s13;
	s17 =	sor.u32 s20, s17;
	v1 =	vmul.f32 $6.250000000e-02, v1  }
0x191: {  	s8 =	sand.u32 $0x380, s8;
	s13 =	sor.u32 s13, s17  }
0x192: {  	s8 =	sor.u32 s8, s13;
	v0 =	vadd.f32 v1, v0  }
.Ltmp22:
0x193: {  	v1 =	vld [tilespmem:s8+$0x10080];
	(pc) =	sbr.rel @p1 .LBB2_37-.Ltmp22, $4  }
0x194: {  	[tilespmem:s10+$0x80] =	vst v0;
	s10 =	smov.u32 s8  }
0x195: {  	s11 =	sadd.s32 $0x10, s11;
	v0 =	vld [tilespmem:s10+$0x80]  }
0x196: {  	s1 =	sadd.s32 $0x80, s1;
	s13 =	sshll.u32 s3, $0x4;
	s8 =	sshll.u32 s3, $0x3  }
0x197: {  	s17 =	sand.u32 $0x70, s11;
	s20 =	sand.u32 $0x400, s1;
	s3 =	sadd.s32 $0x1, s3  }
0x198: {  	s1 =	sand.u32 $0x3800, s13;
	s3 =	sor.u32 s20, s17;
	v1 =	vmul.f32 $6.250000000e-02, v1  }
0x199: {  	s8 =	sand.u32 $0x380, s8;
	s1 =	sor.u32 s1, s3  }
0x19a: {  	s1 =	sor.u32 s8, s1;
	v0 =	vadd.f32 v1, v0  }
0x19b: {  	v63 =	vld [tilespmem:s1+$0x10080]  }
0x19c: {  	[tilespmem:s10+$0x80] =	vst v0  }
0x19d: {  	v0 =	vld [tilespmem:s1+$0x80];
	_ =	sdelay $0x2  }
0x19e: {  	v1 =	vmul.f32 $6.250000000e-02, v63;
	_ =	sdelay $0x1  }
0x19f: {  	v0 =	vadd.f32 v1, v0;
	_ =	sdelay $0x1  }
0x1a0: {  	[tilespmem:s1+$0x80] =	vst v0  }
.LBB2_39:
0x1a1: {  	s1 =	rddreg [dreg:$0x1d]  }
0x1a2: {  	[hbm4b:s1+s4] =	stream.linear.scatter [tilespmem:s14], [sflag:$0x5], $0x4000, $0x38;
	[tilespmem:$0x14080] =	vst v63  }
0x1a3: {  	_ =	swait.ge [sflag:s9], $0x4000  }
0x1a4: {  	s28 =	sld [smem:$0x7FB]  }
0x1a5: {  	[sflag:s9] =	ssyncset.done $0x0  }
.Ltmp23:
0x1a6: {  	[sflag:s9] =	ssyncadd.s32 $0xFFFFC000;
	(pc) =	sbr.rel @p0 .LBB2_45-.Ltmp23, $4  }
0x1a7: {  	[tilespmem:s19], [sflag:$0x4] =	stream.linear.gather [hbm4b:s28+s4], $0x4000, $0x38;
	[tilespmem:$0x14080] =	vst v63  }
0x1a8: {  	_ =	swait.ge [sflag:s21], $0x4000  }
0x1a9: {  	[sflag:s21] =	ssyncset.done $0x0  }
0x1aa: {  	[sflag:s21] =	ssyncadd.s32 $0xFFFFC000  }
0x1ab: {  	s1 =	simm.s32 $0x0;
	s3 =	rddreg [dreg:$0xd];
	s26 =	simm.s32 $0x0  }
0x1ac: {  	[tilespmem:s7], [sflag:$0x9] =	stream.linear.gather [hbm4b:s3+s1], $0x4000, $0x38;
	[tilespmem:$0x14080] =	vst v63  }
0x1ad: {  	s10 =	simm.s32 $0x0;
	s8 =	sand.u32 $0x70, s1;
	s1 =	sand.u32 $0x400, s1  }
0x1ae: {  	s3 =	sand.u32 $0x3800, s26;
	_ =	swait.ge [sflag:s12], $0x4000;
	s1 =	sor.u32 s1, s8  }
0x1af: {  	s28 =	sand.u32 $0x380, s10;
	[sflag:s12] =	ssyncset.done $0x0;
	s1 =	sor.u32 s3, s1  }
0x1b0: {  	[sflag:s12] =	ssyncadd.s32 $0xFFFFC000;
	s10 =	sor.u32 s28, s1  }
0x1b1: {  	v1 =	vld [tilespmem:s10+$0x10080];
	_ =	sdelay $0x1  }
0x1b2: {  	s11 =	simm.s32 $0x10;
	v0 =	vld [tilespmem:s10+$0x4080]  }
0x1b3: {  	s13 =	simm.s32 $0x10;
	s17 =	sand.u32 $0x70, s11;
	s1 =	simm.s32 $0x80  }
0x1b4: {  	s8 =	simm.s32 $0x8;
	s3 =	simm.s32 $0x2;
	s20 =	sand.u32 $0x400, s1  }
.LBB2_41:
0x1b5: {  	p1 =	sne.s32 s3, $0x3FF;
	s13 =	sand.u32 $0x3800, s13;
	s17 =	sor.u32 s20, s17;
	v1 =	vmul.f32 $6.250000000e-02, v1  }
0x1b6: {  	s8 =	sand.u32 $0x380, s8;
	s13 =	sor.u32 s13, s17  }
0x1b7: {  	s8 =	sor.u32 s8, s13;
	v0 =	vadd.f32 v1, v0  }
.Ltmp24:
0x1b8: {  	v1 =	vld [tilespmem:s8+$0x10080];
	(pc) =	sbr.rel @p1 .LBB2_41-.Ltmp24, $4  }
0x1b9: {  	[tilespmem:s10+$0x4080] =	vst v0;
	s10 =	smov.u32 s8  }
0x1ba: {  	s11 =	sadd.s32 $0x10, s11;
	v0 =	vld [tilespmem:s10+$0x4080]  }
0x1bb: {  	s1 =	sadd.s32 $0x80, s1;
	s13 =	sshll.u32 s3, $0x4;
	s8 =	sshll.u32 s3, $0x3  }
0x1bc: {  	s17 =	sand.u32 $0x70, s11;
	s20 =	sand.u32 $0x400, s1;
	s3 =	sadd.s32 $0x1, s3  }
0x1bd: {  	s1 =	sand.u32 $0x3800, s13;
	s3 =	sor.u32 s20, s17;
	v1 =	vmul.f32 $6.250000000e-02, v1  }
0x1be: {  	s8 =	sand.u32 $0x380, s8;
	s1 =	sor.u32 s1, s3  }
0x1bf: {  	s1 =	sor.u32 s8, s1;
	v0 =	vadd.f32 v1, v0  }
0x1c0: {  	v1 =	vld [tilespmem:s1+$0x10080]  }
0x1c1: {  	[tilespmem:s10+$0x4080] =	vst v0  }
0x1c2: {  	v0 =	vld [tilespmem:s1+$0x4080];
	_ =	sdelay $0x2  }
0x1c3: {  	v1 =	vmul.f32 $6.250000000e-02, v1;
	_ =	sdelay $0x1  }
0x1c4: {  	v0 =	vadd.f32 v1, v0;
	_ =	sdelay $0x1  }
0x1c5: {  	s17 =	simm.s32 $0x0;
	s20 =	rddreg [dreg:$0x1e];
	[tilespmem:s1+$0x4080] =	vst v0  }
0x1c6: {  	[hbm4b:s20+s17] =	stream.linear.scatter [tilespmem:s15], [sflag:$0x6], $0x4000, $0x38;
	[tilespmem:$0x14080] =	vst v63  }
0x1c7: {  	s24 =	simm.s32 $0x0;
	_ =	swait.ge [sflag:s31], $0x4000  }
0x1c8: {  	s26 =	simm.s32 $0x0;
	s25 =	sand.u32 $0x70, s17;
	[sflag:s31] =	ssyncset.done $0x0  }
0x1c9: {  	s1 =	sand.u32 $0x400, s17;
	s23 =	rddreg [dreg:$0x10];
	[sflag:s31] =	ssyncadd.s32 $0xFFFFC000  }
0x1ca: {  	[tilespmem:s7], [sflag:$0x9] =	stream.linear.gather [hbm4b:s23+s17], $0x4000, $0x38;
	[tilespmem:$0x14080] =	vst v63  }
0x1cb: {  	s3 =	sand.u32 $0x3800, s24;
	s1 =	sor.u32 s1, s25;
	_ =	swait.ge [sflag:s12], $0x4000  }
0x1cc: {  	s28 =	sand.u32 $0x380, s26;
	s1 =	sor.u32 s3, s1;
	[sflag:s12] =	ssyncset.done $0x0  }
0x1cd: {  	s10 =	sor.u32 s28, s1;
	[sflag:s12] =	ssyncadd.s32 $0xFFFFC000  }
0x1ce: {  	v1 =	vld [tilespmem:s10+$0x10080];
	_ =	sdelay $0x1  }
0x1cf: {  	s11 =	simm.s32 $0x10;
	v0 =	vld [tilespmem:s10+$0x8080]  }
0x1d0: {  	s13 =	simm.s32 $0x10;
	s8 =	simm.s32 $0x8;
	s1 =	simm.s32 $0x80  }
0x1d1: {  	s3 =	simm.s32 $0x2;
	s20 =	sand.u32 $0x400, s1;
	s17 =	sand.u32 $0x70, s11  }
.LBB2_43:
0x1d2: {  	p1 =	seq.s32 s3, $0x3FF;
	s13 =	sand.u32 $0x3800, s13;
	s17 =	sor.u32 s20, s17;
	v1 =	vmul.f32 $6.250000000e-02, v1  }
0x1d3: {  	s8 =	sand.u32 $0x380, s8;
	s13 =	sor.u32 s13, s17  }
0x1d4: {  	s8 =	sor.u32 s8, s13;
	v0 =	vadd.f32 v1, v0  }
.Ltmp25:
0x1d5: {  	v1 =	vld [tilespmem:s8+$0x10080];
	(pc) =	sbr.rel @!p1 .LBB2_43-.Ltmp25, $4  }
0x1d6: {  	[tilespmem:s10+$0x8080] =	vst v0;
	s10 =	smov.u32 s8  }
0x1d7: {  	s11 =	sadd.s32 $0x10, s11;
	v0 =	vld [tilespmem:s10+$0x8080]  }
0x1d8: {  	s1 =	sadd.s32 $0x80, s1;
	s13 =	sshll.u32 s3, $0x4;
	s8 =	sshll.u32 s3, $0x3  }
0x1d9: {  	s17 =	sand.u32 $0x70, s11;
	s20 =	sand.u32 $0x400, s1;
	s3 =	sadd.s32 $0x1, s3  }
0x1da: {  	s1 =	sand.u32 $0x3800, s13;
	s3 =	sor.u32 s20, s17;
	v1 =	vmul.f32 $6.250000000e-02, v1  }
0x1db: {  	s8 =	sand.u32 $0x380, s8;
	s1 =	sor.u32 s1, s3  }
0x1dc: {  	s1 =	sor.u32 s8, s1;
	v0 =	vadd.f32 v1, v0  }
0x1dd: {  	v63 =	vld [tilespmem:s1+$0x10080]  }
0x1de: {  	[tilespmem:s10+$0x8080] =	vst v0  }
0x1df: {  	v0 =	vld [tilespmem:s1+$0x8080];
	_ =	sdelay $0x2  }
.Ltmp26:
0x1e0: {  	v1 =	vmul.f32 $6.250000000e-02, v63;
	(pc) =	sbr.rel .LBB2_46-.Ltmp26, $3  }
0x1e1: {  	_ = 	snop  }
0x1e2: {  	v0 =	vadd.f32 v1, v0;
	_ =	sdelay $0x1  }
0x1e3: {  	[tilespmem:s1+$0x8080] =	vst v0  }
.LBB2_45:
0x1e4: {  	s1 =	rddreg [dreg:$0x1e]  }
0x1e5: {  	[hbm4b:s1+s4] =	stream.linear.scatter [tilespmem:s15], [sflag:$0x6], $0x4000, $0x38;
	[tilespmem:$0x14080] =	vst v63  }
0x1e6: {  	_ =	swait.ge [sflag:s31], $0x4000  }
0x1e7: {  	[sflag:s31] =	ssyncset.done $0x0  }
0x1e8: {  	[sflag:s31] =	ssyncadd.s32 $0xFFFFC000  }
.LBB2_46:
0x1e9: {  	s1 =	sld [smem:$0x7FA];
	_ =	sdelay $0x1  }
.Ltmp27:
0x1ea: {  	_ = 	snop;
	(pc) =	sbr.rel @p0 .LBB2_50-.Ltmp27, $4  }
0x1eb: {  	[hbm4b:s1+s4] =	stream.linear.scatter [tilespmem:s16], [sflag:$0x7], $0x4000, $0x38;
	[tilespmem:$0x14080] =	vst v63  }
0x1ec: {  	_ =	swait.ge [sflag:s2], $0x4000  }
0x1ed: {  	[sflag:s2] =	ssyncset.done $0x0  }
0x1ee: {  	s3 =	sld [smem:$0x7F9];
	[sflag:s2] =	ssyncadd.s32 $0xFFFFC000  }
0x1ef: {  	s1 =	simm.s32 $0x0;
	s3 =	rddreg [dreg:$0x13];
	s26 =	simm.s32 $0x0  }
0x1f0: {  	[tilespmem:s7], [sflag:$0x9] =	stream.linear.gather [hbm4b:s3+s1], $0x4000, $0x38;
	[tilespmem:$0x14080] =	vst v63  }
0x1f1: {  	s10 =	simm.s32 $0x0;
	s8 =	sand.u32 $0x70, s1;
	s1 =	sand.u32 $0x400, s1  }
0x1f2: {  	s3 =	sand.u32 $0x3800, s26;
	_ =	swait.ge [sflag:s12], $0x4000;
	s1 =	sor.u32 s1, s8  }
0x1f3: {  	s28 =	sand.u32 $0x380, s10;
	[sflag:s12] =	ssyncset.done $0x0;
	s1 =	sor.u32 s3, s1  }
0x1f4: {  	[sflag:s12] =	ssyncadd.s32 $0xFFFFC000;
	s10 =	sor.u32 s28, s1  }
0x1f5: {  	v1 =	vld [tilespmem:s10+$0x10080];
	_ =	sdelay $0x1  }
0x1f6: {  	s11 =	simm.s32 $0x10;
	v0 =	vld [tilespmem:s10+$0xC080]  }
0x1f7: {  	s13 =	simm.s32 $0x10;
	s17 =	sand.u32 $0x70, s11;
	s1 =	simm.s32 $0x80  }
0x1f8: {  	s8 =	simm.s32 $0x8;
	s3 =	simm.s32 $0x2;
	s20 =	sand.u32 $0x400, s1  }
.LBB2_48:
0x1f9: {  	p0 =	sne.s32 s3, $0x3FF;
	s13 =	sand.u32 $0x3800, s13;
	s17 =	sor.u32 s20, s17;
	v1 =	vmul.f32 $6.250000000e-02, v1  }
0x1fa: {  	s8 =	sand.u32 $0x380, s8;
	s13 =	sor.u32 s13, s17  }
0x1fb: {  	s8 =	sor.u32 s8, s13;
	v0 =	vadd.f32 v1, v0  }
.Ltmp28:
0x1fc: {  	v1 =	vld [tilespmem:s8+$0x10080];
	(pc) =	sbr.rel @p0 .LBB2_48-.Ltmp28, $4  }
0x1fd: {  	[tilespmem:s10+$0xC080] =	vst v0;
	s10 =	smov.u32 s8  }
0x1fe: {  	s11 =	sadd.s32 $0x10, s11;
	v0 =	vld [tilespmem:s10+$0xC080]  }
0x1ff: {  	s1 =	sadd.s32 $0x80, s1;
	s13 =	sshll.u32 s3, $0x4;
	s8 =	sshll.u32 s3, $0x3  }
0x200: {  	s17 =	sand.u32 $0x70, s11;
	s20 =	sand.u32 $0x400, s1;
	s3 =	sadd.s32 $0x1, s3  }
0x201: {  	s1 =	sand.u32 $0x3800, s13;
	s3 =	sor.u32 s20, s17;
	v1 =	vmul.f32 $6.250000000e-02, v1  }
0x202: {  	s8 =	sand.u32 $0x380, s8;
	s1 =	sor.u32 s1, s3  }
0x203: {  	s1 =	sor.u32 s8, s1;
	v0 =	vadd.f32 v1, v0  }
0x204: {  	v63 =	vld [tilespmem:s1+$0x10080]  }
0x205: {  	[tilespmem:s10+$0xC080] =	vst v0  }
0x206: {  	v0 =	vld [tilespmem:s1+$0xC080];
	_ =	sdelay $0x2  }
.Ltmp29:
0x207: {  	v1 =	vmul.f32 $6.250000000e-02, v63;
	(pc) =	sbr.rel .LBB2_50-.Ltmp29, $3  }
0x208: {  	_ = 	snop  }
0x209: {  	v0 =	vadd.f32 v1, v0;
	_ =	sdelay $0x1  }
0x20a: {  	s3 =	sld [smem:$0x7F9];
	[tilespmem:s1+$0xC080] =	vst v0  }
.LBB2_51:
0x20b: {  	_ =	sfence.sel $0x180000  }
0x20c: {  	[bflag:$0x0] =	sbarrier.arrive $0xFFFF  }
0x20d: {  	_ =	strace $0x90000047  }
0x20e: {  	s0 =	stileid.u32;
	[bflag:$0x2] =	sbarrier.arrive $0xFFFF  }
0x20f: {  	p0 =	sne.s32 s0, $0x0;
	s0 =	rddreg [dreg:$0x4]  }
0x210: {  	s0 =	sadd.s32 @!p0 $0x100000, s0  }
0x211: {  	[sflag:s0] =	ssyncadd.tile.s32 @!p0 $0x1;
	_ =	shalt  }
.Lfunc_end2:
_tile_overlayer_lowered:
.L_overlay_start_2:
0x212: {  	(tag) =	ssettag $0x2  }
0x213: {  	s0 =	rddreg [dreg:$0x0];
	s2 =	stileid.u32  }
0x214: {  	s1 =	rddreg [dreg:$0x1];
	p0 =	sne.s32 s2, $0x0  }
0x215: {  	s3 =	rddreg [dreg:$0x2];
	[bflag:$0x3] =	sbarrier.arrive $0xFFFF;
	s2 =	simm.s32 @!p0 $0x1C09  }
0x216: {  	[timem:s3], [sflag:s2] =	dma.local @!p0 [hbm:s0], s1  }
0x217: {  	s0 =	simm.s32 @!p0 $0x9  }
0x218: {  	_ =	swait.ge @!p0 [sflag:s0], s1  }
0x219: {  	s1 =	ssub.s32 @!p0 $0x0, s1;
	[sflag:s0] =	ssyncset.done @!p0 $0x0  }
0x21a: {  	[sflag:s0] =	ssyncadd.s32 @!p0 s1  }
0x21b: {  	[bflag:$0x3] =	sbarrier.arrive $0xFFFF  }
0x21c: {  	_ =	shalt  }

</sc_bundles>
